<compile_context>
chip_gen: v7x
topology: tpu7x:2x2x1
jax: 0.10.2.dev20260603
libtpu: 0.0.44.dev20260713+nightly
codegen_flags: <defaults>
</compile_context>

<pallas_src>
import functools

import jax
import jax.numpy as jnp
from jax import lax
from jax.experimental import pallas as pl
from jax.experimental.pallas import tpu as pltpu
from jax.experimental.pallas import tpu_sc as plsc

BATCH = 16384
EMBED = 16
NC = 2
NS = 16
NW = NC * NS
RPW = BATCH // NW
CHUNK = 128
NCH = RPW // CHUNK
LANES = 16
GRP = 8
NSUP = RPW // (2 * GRP)

_mesh = plsc.VectorSubcoreMesh(
    core_axis_name="c", subcore_axis_name="s", num_cores=NC, num_subcores=NS
)

_slab = pltpu.VMEM((LANES, 128), jnp.float32)


@functools.partial(
    pl.kernel,
    out_type=jax.ShapeDtypeStruct((NW * 128,), jnp.float32),
    mesh=_mesh,
    scratch_types=(
        pltpu.VMEM((RPW + LANES,), jnp.int32),
        pltpu.VMEM((RPW + LANES,), jnp.int32),
        ((_slab,) * GRP, (_slab,) * GRP),
        ((_slab,) * GRP, (_slab,) * GRP),
        pltpu.VMEM((128,), jnp.float32),
        ((pltpu.SemaphoreType.DMA,) * GRP,) * 2,
    ),
    compiler_params=pltpu.CompilerParams(needs_layout_passes=False),
)
def _dot_partial(
    ueT_hbm, meT_hbm, uidx_hbm, midx_hbm,
    partials_hbm,
    uidx_v, midx_v, uslabs, mslabs, stage_v, sems,
):
    wid = lax.axis_index("s") * NC + lax.axis_index("c")
    base = pl.multiple_of(wid * RPW, 128)
    pltpu.sync_copy(uidx_hbm.at[pl.ds(base, RPW)], uidx_v.at[pl.ds(0, RPW)])
    pltpu.sync_copy(midx_hbm.at[pl.ds(base, RPW)], midx_v.at[pl.ds(0, RPW)])

    rows = lax.iota(jnp.int32, LANES)

    def idx_vecs(jbase):
        sel = rows + jnp.full((LANES,), jbase, jnp.int32)
        uvec = plsc.load_gather(uidx_v, [sel])
        mvec = plsc.load_gather(midx_v, [sel])
        return uvec, mvec

    def fire(bank, jbase):
        uvec, mvec = idx_vecs(jbase)
        for b in range(GRP):
            offu = pl.multiple_of(((uvec[b] >> 7) * 128).astype(jnp.int32), 128)
            offm = pl.multiple_of(((mvec[b] >> 7) * 128).astype(jnp.int32), 128)
            pltpu.async_copy(
                ueT_hbm.at[:, pl.ds(offu, 128)], uslabs[bank][b], sems[bank][b]
            )
            pltpu.async_copy(
                meT_hbm.at[:, pl.ds(offm, 128)], mslabs[bank][b], sems[bank][b]
            )

    def consume(bank, jbase, acc):
        uvec, mvec = idx_vecs(jbase)
        ulane = uvec & 127
        mlane = mvec & 127
        for b in range(GRP):
            pltpu.make_async_copy(
                ueT_hbm.at[:, pl.ds(0, 128)], uslabs[bank][b], sems[bank][b]
            ).wait()
            pltpu.make_async_copy(
                meT_hbm.at[:, pl.ds(0, 128)], mslabs[bank][b], sems[bank][b]
            ).wait()
            lu = jnp.full((LANES,), ulane[b], jnp.int32)
            lm = jnp.full((LANES,), mlane[b], jnp.int32)
            ucol = plsc.load_gather(uslabs[bank][b], [rows, lu])
            mcol = plsc.load_gather(mslabs[bank][b], [rows, lm])
            acc = acc + ucol * mcol
        return acc

    fire(0, 0)
    fire(1, GRP)

    def super_body(h, acc):
        jb = h * 2 * GRP
        acc = consume(0, jb, acc)

        @pl.when(h < NSUP - 1)
        def _():
            fire(0, jb + 2 * GRP)

        acc = consume(1, jb + GRP, acc)

        @pl.when(h < NSUP - 1)
        def _():
            fire(1, jb + 3 * GRP)

        return acc

    acc = lax.fori_loop(0, NSUP, super_body, jnp.zeros((LANES,), jnp.float32))
    plsc.store_scatter(stage_v, [rows], acc)
    pltpu.sync_copy(
        stage_v, partials_hbm.at[pl.ds(pl.multiple_of(wid * 128, 128), 128)]
    )


@functools.partial(
    pl.kernel,
    out_type=jax.ShapeDtypeStruct((BATCH,), jnp.float32),
    mesh=_mesh,
    scratch_types=(
        pltpu.VMEM((NCH, CHUNK), jnp.int32),
        pltpu.VMEM((NCH, CHUNK), jnp.int32),
        pltpu.VMEM((RPW,), jnp.float32),
        pltpu.VMEM((RPW,), jnp.float32),
        pltpu.VMEM((NW * 128,), jnp.float32),
        pltpu.VMEM((RPW,), jnp.float32),
        pltpu.SemaphoreType.DMA,
    ),
    compiler_params=pltpu.CompilerParams(
        use_tc_tiling_on_sc=False, needs_layout_passes=False
    ),
)
def _finalize(
    uidx_hbm, midx_hbm, ub_hbm, mb_hbm, partials_hbm,
    out_hbm,
    uidx_v, midx_v, ub_v, mb_v, part_v, o_v, sem,
):
    wid = lax.axis_index("s") * NC + lax.axis_index("c")

    idx_cps = []
    for c in range(NCH):
        idx_cps.append(pltpu.async_copy(uidx_hbm.at[wid * NCH + c], uidx_v.at[c], sem))
        idx_cps.append(pltpu.async_copy(midx_hbm.at[wid * NCH + c], midx_v.at[c], sem))
    idx_cps.append(pltpu.async_copy(partials_hbm, part_v, sem))
    for cp in idx_cps:
        cp.wait()

    cps = []
    for c in range(NCH):
        sl = pl.ds(c * CHUNK, CHUNK)
        cps.append(pltpu.async_copy(ub_hbm.at[uidx_v.at[c]], ub_v.at[sl], sem))
        cps.append(pltpu.async_copy(mb_hbm.at[midx_v.at[c]], mb_v.at[sl], sem))
    for cp in cps:
        cp.wait()

    acc = part_v[pl.ds(0, LANES)]
    for w in range(1, NW):
        acc = acc + part_v[pl.ds(w * 128, LANES)]
    s = jnp.sum(acc)

    def sig_body(k, carry):
        sl = pl.ds(k * LANES, LANES)
        x = s + ub_v[sl] + mb_v[sl]
        o_v[sl] = 1.0 / (1.0 + jnp.exp(-x))
        return carry

    lax.fori_loop(0, RPW // LANES, sig_body, 0, unroll=4)
    pltpu.sync_copy(o_v, out_hbm.at[pl.ds(wid * RPW, RPW)])


def kernel(inputs, user_embedding, movie_embedding, user_bias, movie_bias):
    uidx = inputs[:, 0]
    midx = inputs[:, 1]
    uidx2 = uidx.reshape(NW * NCH, CHUNK)
    midx2 = midx.reshape(NW * NCH, CHUNK)
    ub = user_bias.reshape(-1)
    mb = movie_bias.reshape(-1)
    partials = _dot_partial(user_embedding.T, movie_embedding.T, uidx, midx)
    out = _finalize(uidx2, midx2, ub, mb, partials)
    return out.reshape(BATCH, 1)

# --- scband reference (transcript-rebuilt; emitter-appended) ---
"""Pipeline reference for scband-recommender-net-6064493821965 (READ-ONLY COPY).

The authoritative reference and input builder live on the scoring server;
editing this copy changes nothing except your own understanding.
"""

import jax, jax.numpy as jnp
import numpy as np

NUM_USERS = 1000000
NUM_MOVIES = 1000000
EMBED = 16
BATCH = 16384

def setup_inputs(seed: int = 0) -> dict:
    key = jax.random.key(seed)
    k1, k2, k3, k4, k5 = jax.random.split(key, 5)
    inputs = jax.random.randint(k1, (BATCH, 2), 0, NUM_USERS, dtype=jnp.int64) if jax.config.jax_enable_x64 else jax.random.randint(k1, (BATCH, 2), 0, NUM_USERS, dtype=jnp.int32)
    user_embedding = jax.random.normal(k2, (NUM_USERS, EMBED), dtype=jnp.float32) * jnp.sqrt(2.0 / EMBED)
    movie_embedding = jax.random.normal(k3, (NUM_MOVIES, EMBED), dtype=jnp.float32) * jnp.sqrt(2.0 / EMBED)
    user_bias = jax.random.normal(k4, (NUM_USERS, 1), dtype=jnp.float32) * 0.05
    movie_bias = jax.random.normal(k5, (NUM_MOVIES, 1), dtype=jnp.float32) * 0.05
    return {
        'inputs': inputs,
        'user_embedding': user_embedding,
        'movie_embedding': movie_embedding,
        'user_bias': user_bias,
        'movie_bias': movie_bias,
    }

def reference(inputs, user_embedding, movie_embedding, user_bias, movie_bias):
    user_vector = jnp.take(user_embedding, inputs[:, 0], axis=0)   # [B, E]
    movie_vector = jnp.take(movie_embedding, inputs[:, 1], axis=0) # [B, E]
    ub = jnp.take(user_bias, inputs[:, 0], axis=0)                 # [B, 1]
    mb = jnp.take(movie_bias, inputs[:, 1], axis=0)                # [B, 1]
    # Faithful to tf.tensordot(user_vector, movie_vector, 2): full contraction over
    # both axes -> scalar (this matches the original module's math exactly).
    dot_user_movie = jnp.tensordot(user_vector, movie_vector, 2)   # scalar
    x = dot_user_movie + ub + mb                                   # [B, 1] via broadcast
    return jax.nn.sigmoid(x)

if False:  # reference __main__ guard neutralized (emitter)
    out = reference(**setup_inputs())
    print(out.shape, out.dtype)

if __name__ == "__main__":
    import jax
    _d = setup_inputs()
    print(jax.jit(kernel)(*tuple(_d.values())))

</pallas_src>

<mosaic_0001>
#map = affine_map<(d0, d1) -> (0, 0)>
#map1 = affine_map<(d0, d1) -> (0)>
module attributes {stable_mosaic.version = 14 : i64} {
  func.func @_dot_partial(%arg0: i32, %arg1: i32, %arg2: memref<16x1000000xf32, #tpu.memory_space<hbm>>, %arg3: memref<16x1000000xf32, #tpu.memory_space<hbm>>, %arg4: memref<16384xi32, #tpu.memory_space<hbm>>, %arg5: memref<16384xi32, #tpu.memory_space<hbm>>, %arg6: memref<4096xf32, #tpu.memory_space<hbm>>, %arg7: memref<528xi32, #tpu.memory_space<vmem>>, %arg8: memref<528xi32, #tpu.memory_space<vmem>>, %arg9: memref<16x128xf32, #tpu.memory_space<vmem>>, %arg10: memref<16x128xf32, #tpu.memory_space<vmem>>, %arg11: memref<16x128xf32, #tpu.memory_space<vmem>>, %arg12: memref<16x128xf32, #tpu.memory_space<vmem>>, %arg13: memref<16x128xf32, #tpu.memory_space<vmem>>, %arg14: memref<16x128xf32, #tpu.memory_space<vmem>>, %arg15: memref<16x128xf32, #tpu.memory_space<vmem>>, %arg16: memref<16x128xf32, #tpu.memory_space<vmem>>, %arg17: memref<16x128xf32, #tpu.memory_space<vmem>>, %arg18: memref<16x128xf32, #tpu.memory_space<vmem>>, %arg19: memref<16x128xf32, #tpu.memory_space<vmem>>, %arg20: memref<16x128xf32, #tpu.memory_space<vmem>>, %arg21: memref<16x128xf32, #tpu.memory_space<vmem>>, %arg22: memref<16x128xf32, #tpu.memory_space<vmem>>, %arg23: memref<16x128xf32, #tpu.memory_space<vmem>>, %arg24: memref<16x128xf32, #tpu.memory_space<vmem>>, %arg25: memref<16x128xf32, #tpu.memory_space<vmem>>, %arg26: memref<16x128xf32, #tpu.memory_space<vmem>>, %arg27: memref<16x128xf32, #tpu.memory_space<vmem>>, %arg28: memref<16x128xf32, #tpu.memory_space<vmem>>, %arg29: memref<16x128xf32, #tpu.memory_space<vmem>>, %arg30: memref<16x128xf32, #tpu.memory_space<vmem>>, %arg31: memref<16x128xf32, #tpu.memory_space<vmem>>, %arg32: memref<16x128xf32, #tpu.memory_space<vmem>>, %arg33: memref<16x128xf32, #tpu.memory_space<vmem>>, %arg34: memref<16x128xf32, #tpu.memory_space<vmem>>, %arg35: memref<16x128xf32, #tpu.memory_space<vmem>>, %arg36: memref<16x128xf32, #tpu.memory_space<vmem>>, %arg37: memref<16x128xf32, #tpu.memory_space<vmem>>, %arg38: memref<16x128xf32, #tpu.memory_space<vmem>>, %arg39: memref<16x128xf32, #tpu.memory_space<vmem>>, %arg40: memref<16x128xf32, #tpu.memory_space<vmem>>, %arg41: memref<128xf32, #tpu.memory_space<vmem>>, %arg42: memref<!tpu.dma_semaphore, #tpu.memory_space<semaphore_mem>>, %arg43: memref<!tpu.dma_semaphore, #tpu.memory_space<semaphore_mem>>, %arg44: memref<!tpu.dma_semaphore, #tpu.memory_space<semaphore_mem>>, %arg45: memref<!tpu.dma_semaphore, #tpu.memory_space<semaphore_mem>>, %arg46: memref<!tpu.dma_semaphore, #tpu.memory_space<semaphore_mem>>, %arg47: memref<!tpu.dma_semaphore, #tpu.memory_space<semaphore_mem>>, %arg48: memref<!tpu.dma_semaphore, #tpu.memory_space<semaphore_mem>>, %arg49: memref<!tpu.dma_semaphore, #tpu.memory_space<semaphore_mem>>, %arg50: memref<!tpu.dma_semaphore, #tpu.memory_space<semaphore_mem>>, %arg51: memref<!tpu.dma_semaphore, #tpu.memory_space<semaphore_mem>>, %arg52: memref<!tpu.dma_semaphore, #tpu.memory_space<semaphore_mem>>, %arg53: memref<!tpu.dma_semaphore, #tpu.memory_space<semaphore_mem>>, %arg54: memref<!tpu.dma_semaphore, #tpu.memory_space<semaphore_mem>>, %arg55: memref<!tpu.dma_semaphore, #tpu.memory_space<semaphore_mem>>, %arg56: memref<!tpu.dma_semaphore, #tpu.memory_space<semaphore_mem>>, %arg57: memref<!tpu.dma_semaphore, #tpu.memory_space<semaphore_mem>>) attributes {dimension_semantics = [#tpu.dimension_semantics<core_parallel>, #tpu.dimension_semantics<subcore_parallel>], iteration_bounds = array<i64: 2, 16>, scalar_prefetch = 0 : i64, scratch_operands = 51 : i64, tpu.core_type = #tpu.core_type<sc_vector_subcore>, window_params = [{transform_indices = #map}, {transform_indices = #map}, {transform_indices = #map1}, {transform_indices = #map1}, {transform_indices = #map1}]} {
    %mul3A = arith.constant 2 : i32
    %mul3A_0 = arith.muli %arg1, %mul3A : i32
    %add3A = arith.addi %mul3A_0, %arg0 : i32
    %mul3A_1 = arith.constant 512 : i32
    %mul3A_2 = arith.muli %add3A, %mul3A_1 : i32
    %multiple_of3A = tpu.assume_multiple %mul3A_2, 128 : i32
    "tpu.region"() ({
      %run_scoped3A = tpu.sem_alloc : memref<!tpu.dma_semaphore, #tpu.memory_space<semaphore_mem>>
      %dma_start3A_369 = arith.constant 0 : i32
      %dma_start3A_370 = tpu.memref_slice %arg7[%dma_start3A_369] : memref<528xi32, #tpu.memory_space<vmem>> -> memref<512xi32, #tpu.memory_space<vmem>>
      %dma_start3A_371 = tpu.memref_slice %arg4[%multiple_of3A] : memref<16384xi32, #tpu.memory_space<hbm>> -> memref<512xi32, #tpu.memory_space<hbm>>
      %dma_start3A_372 = arith.constant 0 : i32
      %dma_start3A_373 = tpu.memref_slice %arg7[%dma_start3A_372] : memref<528xi32, #tpu.memory_space<vmem>> -> memref<512xi32, #tpu.memory_space<vmem>>
      %dma_start3A_374 = tpu.memref_slice %arg4[%multiple_of3A] : memref<16384xi32, #tpu.memory_space<hbm>> -> memref<512xi32, #tpu.memory_space<hbm>>
      tpu.enqueue_dma source(%dma_start3A_374 : memref<512xi32, #tpu.memory_space<hbm>>) target(%dma_start3A_373 : memref<512xi32, #tpu.memory_space<vmem>>) target_semaphore(%run_scoped3A : memref<!tpu.dma_semaphore, #tpu.memory_space<semaphore_mem>>)
      %dma_wait3A = arith.constant 0 : i32
      %dma_wait3A_375 = tpu.memref_slice %arg7[%dma_wait3A] : memref<528xi32, #tpu.memory_space<vmem>> -> memref<512xi32, #tpu.memory_space<vmem>>
      %dma_wait3A_376 = tpu.memref_slice %arg4[%multiple_of3A] : memref<16384xi32, #tpu.memory_space<hbm>> -> memref<512xi32, #tpu.memory_space<hbm>>
      %dma_wait3A_377 = arith.constant 0 : i32
      %dma_wait3A_378 = tpu.memref_slice %arg7[%dma_wait3A_377] : memref<528xi32, #tpu.memory_space<vmem>> -> memref<512xi32, #tpu.memory_space<vmem>>
      %dma_wait3A_379 = tpu.memref_slice %arg4[%multiple_of3A] : memref<16384xi32, #tpu.memory_space<hbm>> -> memref<512xi32, #tpu.memory_space<hbm>>
      tpu.wait_dma2 semaphore(%run_scoped3A : memref<!tpu.dma_semaphore, #tpu.memory_space<semaphore_mem>>) src(%dma_wait3A_379 : memref<512xi32, #tpu.memory_space<hbm>>) dst(%dma_wait3A_378 : memref<512xi32, #tpu.memory_space<vmem>>)
      tpu.yield
    }) : () -> ()
    "tpu.region"() ({
      %run_scoped3A = tpu.sem_alloc : memref<!tpu.dma_semaphore, #tpu.memory_space<semaphore_mem>>
      %dma_start3A_369 = arith.constant 0 : i32
      %dma_start3A_370 = tpu.memref_slice %arg8[%dma_start3A_369] : memref<528xi32, #tpu.memory_space<vmem>> -> memref<512xi32, #tpu.memory_space<vmem>>
      %dma_start3A_371 = tpu.memref_slice %arg5[%multiple_of3A] : memref<16384xi32, #tpu.memory_space<hbm>> -> memref<512xi32, #tpu.memory_space<hbm>>
      %dma_start3A_372 = arith.constant 0 : i32
      %dma_start3A_373 = tpu.memref_slice %arg8[%dma_start3A_372] : memref<528xi32, #tpu.memory_space<vmem>> -> memref<512xi32, #tpu.memory_space<vmem>>
      %dma_start3A_374 = tpu.memref_slice %arg5[%multiple_of3A] : memref<16384xi32, #tpu.memory_space<hbm>> -> memref<512xi32, #tpu.memory_space<hbm>>
      tpu.enqueue_dma source(%dma_start3A_374 : memref<512xi32, #tpu.memory_space<hbm>>) target(%dma_start3A_373 : memref<512xi32, #tpu.memory_space<vmem>>) target_semaphore(%run_scoped3A : memref<!tpu.dma_semaphore, #tpu.memory_space<semaphore_mem>>)
      %dma_wait3A = arith.constant 0 : i32
      %dma_wait3A_375 = tpu.memref_slice %arg8[%dma_wait3A] : memref<528xi32, #tpu.memory_space<vmem>> -> memref<512xi32, #tpu.memory_space<vmem>>
      %dma_wait3A_376 = tpu.memref_slice %arg5[%multiple_of3A] : memref<16384xi32, #tpu.memory_space<hbm>> -> memref<512xi32, #tpu.memory_space<hbm>>
      %dma_wait3A_377 = arith.constant 0 : i32
      %dma_wait3A_378 = tpu.memref_slice %arg8[%dma_wait3A_377] : memref<528xi32, #tpu.memory_space<vmem>> -> memref<512xi32, #tpu.memory_space<vmem>>
      %dma_wait3A_379 = tpu.memref_slice %arg5[%multiple_of3A] : memref<16384xi32, #tpu.memory_space<hbm>> -> memref<512xi32, #tpu.memory_space<hbm>>
      tpu.wait_dma2 semaphore(%run_scoped3A : memref<!tpu.dma_semaphore, #tpu.memory_space<semaphore_mem>>) src(%dma_wait3A_379 : memref<512xi32, #tpu.memory_space<hbm>>) dst(%dma_wait3A_378 : memref<512xi32, #tpu.memory_space<vmem>>)
      tpu.yield
    }) : () -> ()
    %iota3A = tpu.iota {dimensions = array<i32: 0>} : vector<16xi32>
    %broadcast_in_dim3A = arith.constant 0 : i32
    %broadcast_in_dim3A_3 = vector.broadcast %broadcast_in_dim3A : i32 to vector<16xi32>
    %add3A_4 = arith.addi %iota3A, %broadcast_in_dim3A_3 : vector<16xi32>
    %gather3A = tpu.vector_load_idx %arg7[%add3A_4] : memref<528xi32, #tpu.memory_space<vmem>>[vector<16xi32>], vector<16xi32>,
    %gather3A_5 = tpu.vector_load_idx %arg8[%add3A_4] : memref<528xi32, #tpu.memory_space<vmem>>[vector<16xi32>], vector<16xi32>,
    %slice3A = vector.extract_strided_slice %gather3A {offsets = [0], sizes = [1], strides = [1]} : vector<16xi32> to vector<1xi32>
    %squeeze3A = vector.extract %slice3A[0] : i32 from vector<1xi32>
    %shift_right_arithmetic3A = arith.constant 7 : i32
    %shift_right_arithmetic3A_6 = arith.shrsi %squeeze3A, %shift_right_arithmetic3A : i32
    %mul3A_7 = arith.constant 128 : i32
    %mul3A_8 = arith.muli %shift_right_arithmetic3A_6, %mul3A_7 : i32
    %multiple_of3A_9 = tpu.assume_multiple %mul3A_8, 128 : i32
    %slice3A_10 = vector.extract_strided_slice %gather3A_5 {offsets = [0], sizes = [1], strides = [1]} : vector<16xi32> to vector<1xi32>
    %squeeze3A_11 = vector.extract %slice3A_10[0] : i32 from vector<1xi32>
    %shift_right_arithmetic3A_12 = arith.constant 7 : i32
    %shift_right_arithmetic3A_13 = arith.shrsi %squeeze3A_11, %shift_right_arithmetic3A_12 : i32
    %mul3A_14 = arith.constant 128 : i32
    %mul3A_15 = arith.muli %shift_right_arithmetic3A_13, %mul3A_14 : i32
    %multiple_of3A_16 = tpu.assume_multiple %mul3A_15, 128 : i32
    %dma_start3A = arith.constant 0 : i32
    %dma_start3A_17 = tpu.memref_slice %arg2[%dma_start3A, %multiple_of3A_9] : memref<16x1000000xf32, #tpu.memory_space<hbm>> -> memref<16x128xf32, #tpu.memory_space<hbm>>
    %dma_start3A_18 = arith.constant 0 : i32
    %dma_start3A_19 = tpu.memref_slice %arg2[%dma_start3A_18, %multiple_of3A_9] : memref<16x1000000xf32, #tpu.memory_space<hbm>> -> memref<16x128xf32, #tpu.memory_space<hbm>>
    tpu.enqueue_dma source(%dma_start3A_19 : memref<16x128xf32, #tpu.memory_space<hbm>>) target(%arg9 : memref<16x128xf32, #tpu.memory_space<vmem>>) target_semaphore(%arg42 : memref<!tpu.dma_semaphore, #tpu.memory_space<semaphore_mem>>)
    %dma_start3A_20 = arith.constant 0 : i32
    %dma_start3A_21 = tpu.memref_slice %arg3[%dma_start3A_20, %multiple_of3A_16] : memref<16x1000000xf32, #tpu.memory_space<hbm>> -> memref<16x128xf32, #tpu.memory_space<hbm>>
    %dma_start3A_22 = arith.constant 0 : i32
    %dma_start3A_23 = tpu.memref_slice %arg3[%dma_start3A_22, %multiple_of3A_16] : memref<16x1000000xf32, #tpu.memory_space<hbm>> -> memref<16x128xf32, #tpu.memory_space<hbm>>
    tpu.enqueue_dma source(%dma_start3A_23 : memref<16x128xf32, #tpu.memory_space<hbm>>) target(%arg25 : memref<16x128xf32, #tpu.memory_space<vmem>>) target_semaphore(%arg42 : memref<!tpu.dma_semaphore, #tpu.memory_space<semaphore_mem>>)
    %slice3A_24 = vector.extract_strided_slice %gather3A {offsets = [1], sizes = [1], strides = [1]} : vector<16xi32> to vector<1xi32>
    %squeeze3A_25 = vector.extract %slice3A_24[0] : i32 from vector<1xi32>
    %shift_right_arithmetic3A_26 = arith.constant 7 : i32
    %shift_right_arithmetic3A_27 = arith.shrsi %squeeze3A_25, %shift_right_arithmetic3A_26 : i32
    %mul3A_28 = arith.constant 128 : i32
    %mul3A_29 = arith.muli %shift_right_arithmetic3A_27, %mul3A_28 : i32
    %multiple_of3A_30 = tpu.assume_multiple %mul3A_29, 128 : i32
    %slice3A_31 = vector.extract_strided_slice %gather3A_5 {offsets = [1], sizes = [1], strides = [1]} : vector<16xi32> to vector<1xi32>
    %squeeze3A_32 = vector.extract %slice3A_31[0] : i32 from vector<1xi32>
    %shift_right_arithmetic3A_33 = arith.constant 7 : i32
    %shift_right_arithmetic3A_34 = arith.shrsi %squeeze3A_32, %shift_right_arithmetic3A_33 : i32
    %mul3A_35 = arith.constant 128 : i32
    %mul3A_36 = arith.muli %shift_right_arithmetic3A_34, %mul3A_35 : i32
    %multiple_of3A_37 = tpu.assume_multiple %mul3A_36, 128 : i32
    %dma_start3A_38 = arith.constant 0 : i32
    %dma_start3A_39 = tpu.memref_slice %arg2[%dma_start3A_38, %multiple_of3A_30] : memref<16x1000000xf32, #tpu.memory_space<hbm>> -> memref<16x128xf32, #tpu.memory_space<hbm>>
    %dma_start3A_40 = arith.constant 0 : i32
    %dma_start3A_41 = tpu.memref_slice %arg2[%dma_start3A_40, %multiple_of3A_30] : memref<16x1000000xf32, #tpu.memory_space<hbm>> -> memref<16x128xf32, #tpu.memory_space<hbm>>
    tpu.enqueue_dma source(%dma_start3A_41 : memref<16x128xf32, #tpu.memory_space<hbm>>) target(%arg10 : memref<16x128xf32, #tpu.memory_space<vmem>>) target_semaphore(%arg43 : memref<!tpu.dma_semaphore, #tpu.memory_space<semaphore_mem>>)
    %dma_start3A_42 = arith.constant 0 : i32
    %dma_start3A_43 = tpu.memref_slice %arg3[%dma_start3A_42, %multiple_of3A_37] : memref<16x1000000xf32, #tpu.memory_space<hbm>> -> memref<16x128xf32, #tpu.memory_space<hbm>>
    %dma_start3A_44 = arith.constant 0 : i32
    %dma_start3A_45 = tpu.memref_slice %arg3[%dma_start3A_44, %multiple_of3A_37] : memref<16x1000000xf32, #tpu.memory_space<hbm>> -> memref<16x128xf32, #tpu.memory_space<hbm>>
    tpu.enqueue_dma source(%dma_start3A_45 : memref<16x128xf32, #tpu.memory_space<hbm>>) target(%arg26 : memref<16x128xf32, #tpu.memory_space<vmem>>) target_semaphore(%arg43 : memref<!tpu.dma_semaphore, #tpu.memory_space<semaphore_mem>>)
    %slice3A_46 = vector.extract_strided_slice %gather3A {offsets = [2], sizes = [1], strides = [1]} : vector<16xi32> to vector<1xi32>
    %squeeze3A_47 = vector.extract %slice3A_46[0] : i32 from vector<1xi32>
    %shift_right_arithmetic3A_48 = arith.constant 7 : i32
    %shift_right_arithmetic3A_49 = arith.shrsi %squeeze3A_47, %shift_right_arithmetic3A_48 : i32
    %mul3A_50 = arith.constant 128 : i32
    %mul3A_51 = arith.muli %shift_right_arithmetic3A_49, %mul3A_50 : i32
    %multiple_of3A_52 = tpu.assume_multiple %mul3A_51, 128 : i32
    %slice3A_53 = vector.extract_strided_slice %gather3A_5 {offsets = [2], sizes = [1], strides = [1]} : vector<16xi32> to vector<1xi32>
    %squeeze3A_54 = vector.extract %slice3A_53[0] : i32 from vector<1xi32>
    %shift_right_arithmetic3A_55 = arith.constant 7 : i32
    %shift_right_arithmetic3A_56 = arith.shrsi %squeeze3A_54, %shift_right_arithmetic3A_55 : i32
    %mul3A_57 = arith.constant 128 : i32
    %mul3A_58 = arith.muli %shift_right_arithmetic3A_56, %mul3A_57 : i32
    %multiple_of3A_59 = tpu.assume_multiple %mul3A_58, 128 : i32
    %dma_start3A_60 = arith.constant 0 : i32
    %dma_start3A_61 = tpu.memref_slice %arg2[%dma_start3A_60, %multiple_of3A_52] : memref<16x1000000xf32, #tpu.memory_space<hbm>> -> memref<16x128xf32, #tpu.memory_space<hbm>>
    %dma_start3A_62 = arith.constant 0 : i32
    %dma_start3A_63 = tpu.memref_slice %arg2[%dma_start3A_62, %multiple_of3A_52] : memref<16x1000000xf32, #tpu.memory_space<hbm>> -> memref<16x128xf32, #tpu.memory_space<hbm>>
    tpu.enqueue_dma source(%dma_start3A_63 : memref<16x128xf32, #tpu.memory_space<hbm>>) target(%arg11 : memref<16x128xf32, #tpu.memory_space<vmem>>) target_semaphore(%arg44 : memref<!tpu.dma_semaphore, #tpu.memory_space<semaphore_mem>>)
    %dma_start3A_64 = arith.constant 0 : i32
    %dma_start3A_65 = tpu.memref_slice %arg3[%dma_start3A_64, %multiple_of3A_59] : memref<16x1000000xf32, #tpu.memory_space<hbm>> -> memref<16x128xf32, #tpu.memory_space<hbm>>
    %dma_start3A_66 = arith.constant 0 : i32
    %dma_start3A_67 = tpu.memref_slice %arg3[%dma_start3A_66, %multiple_of3A_59] : memref<16x1000000xf32, #tpu.memory_space<hbm>> -> memref<16x128xf32, #tpu.memory_space<hbm>>
    tpu.enqueue_dma source(%dma_start3A_67 : memref<16x128xf32, #tpu.memory_space<hbm>>) target(%arg27 : memref<16x128xf32, #tpu.memory_space<vmem>>) target_semaphore(%arg44 : memref<!tpu.dma_semaphore, #tpu.memory_space<semaphore_mem>>)
    %slice3A_68 = vector.extract_strided_slice %gather3A {offsets = [3], sizes = [1], strides = [1]} : vector<16xi32> to vector<1xi32>
    %squeeze3A_69 = vector.extract %slice3A_68[0] : i32 from vector<1xi32>
    %shift_right_arithmetic3A_70 = arith.constant 7 : i32
    %shift_right_arithmetic3A_71 = arith.shrsi %squeeze3A_69, %shift_right_arithmetic3A_70 : i32
    %mul3A_72 = arith.constant 128 : i32
    %mul3A_73 = arith.muli %shift_right_arithmetic3A_71, %mul3A_72 : i32
    %multiple_of3A_74 = tpu.assume_multiple %mul3A_73, 128 : i32
    %slice3A_75 = vector.extract_strided_slice %gather3A_5 {offsets = [3], sizes = [1], strides = [1]} : vector<16xi32> to vector<1xi32>
    %squeeze3A_76 = vector.extract %slice3A_75[0] : i32 from vector<1xi32>
    %shift_right_arithmetic3A_77 = arith.constant 7 : i32
    %shift_right_arithmetic3A_78 = arith.shrsi %squeeze3A_76, %shift_right_arithmetic3A_77 : i32
    %mul3A_79 = arith.constant 128 : i32
    %mul3A_80 = arith.muli %shift_right_arithmetic3A_78, %mul3A_79 : i32
    %multiple_of3A_81 = tpu.assume_multiple %mul3A_80, 128 : i32
    %dma_start3A_82 = arith.constant 0 : i32
    %dma_start3A_83 = tpu.memref_slice %arg2[%dma_start3A_82, %multiple_of3A_74] : memref<16x1000000xf32, #tpu.memory_space<hbm>> -> memref<16x128xf32, #tpu.memory_space<hbm>>
    %dma_start3A_84 = arith.constant 0 : i32
    %dma_start3A_85 = tpu.memref_slice %arg2[%dma_start3A_84, %multiple_of3A_74] : memref<16x1000000xf32, #tpu.memory_space<hbm>> -> memref<16x128xf32, #tpu.memory_space<hbm>>
    tpu.enqueue_dma source(%dma_start3A_85 : memref<16x128xf32, #tpu.memory_space<hbm>>) target(%arg12 : memref<16x128xf32, #tpu.memory_space<vmem>>) target_semaphore(%arg45 : memref<!tpu.dma_semaphore, #tpu.memory_space<semaphore_mem>>)
    %dma_start3A_86 = arith.constant 0 : i32
    %dma_start3A_87 = tpu.memref_slice %arg3[%dma_start3A_86, %multiple_of3A_81] : memref<16x1000000xf32, #tpu.memory_space<hbm>> -> memref<16x128xf32, #tpu.memory_space<hbm>>
    %dma_start3A_88 = arith.constant 0 : i32
    %dma_start3A_89 = tpu.memref_slice %arg3[%dma_start3A_88, %multiple_of3A_81] : memref<16x1000000xf32, #tpu.memory_space<hbm>> -> memref<16x128xf32, #tpu.memory_space<hbm>>
    tpu.enqueue_dma source(%dma_start3A_89 : memref<16x128xf32, #tpu.memory_space<hbm>>) target(%arg28 : memref<16x128xf32, #tpu.memory_space<vmem>>) target_semaphore(%arg45 : memref<!tpu.dma_semaphore, #tpu.memory_space<semaphore_mem>>)
    %slice3A_90 = vector.extract_strided_slice %gather3A {offsets = [4], sizes = [1], strides = [1]} : vector<16xi32> to vector<1xi32>
    %squeeze3A_91 = vector.extract %slice3A_90[0] : i32 from vector<1xi32>
    %shift_right_arithmetic3A_92 = arith.constant 7 : i32
    %shift_right_arithmetic3A_93 = arith.shrsi %squeeze3A_91, %shift_right_arithmetic3A_92 : i32
    %mul3A_94 = arith.constant 128 : i32
    %mul3A_95 = arith.muli %shift_right_arithmetic3A_93, %mul3A_94 : i32
    %multiple_of3A_96 = tpu.assume_multiple %mul3A_95, 128 : i32
    %slice3A_97 = vector.extract_strided_slice %gather3A_5 {offsets = [4], sizes = [1], strides = [1]} : vector<16xi32> to vector<1xi32>
    %squeeze3A_98 = vector.extract %slice3A_97[0] : i32 from vector<1xi32>
    %shift_right_arithmetic3A_99 = arith.constant 7 : i32
    %shift_right_arithmetic3A_100 = arith.shrsi %squeeze3A_98, %shift_right_arithmetic3A_99 : i32
    %mul3A_101 = arith.constant 128 : i32
    %mul3A_102 = arith.muli %shift_right_arithmetic3A_100, %mul3A_101 : i32
    %multiple_of3A_103 = tpu.assume_multiple %mul3A_102, 128 : i32
    %dma_start3A_104 = arith.constant 0 : i32
    %dma_start3A_105 = tpu.memref_slice %arg2[%dma_start3A_104, %multiple_of3A_96] : memref<16x1000000xf32, #tpu.memory_space<hbm>> -> memref<16x128xf32, #tpu.memory_space<hbm>>
    %dma_start3A_106 = arith.constant 0 : i32
    %dma_start3A_107 = tpu.memref_slice %arg2[%dma_start3A_106, %multiple_of3A_96] : memref<16x1000000xf32, #tpu.memory_space<hbm>> -> memref<16x128xf32, #tpu.memory_space<hbm>>
    tpu.enqueue_dma source(%dma_start3A_107 : memref<16x128xf32, #tpu.memory_space<hbm>>) target(%arg13 : memref<16x128xf32, #tpu.memory_space<vmem>>) target_semaphore(%arg46 : memref<!tpu.dma_semaphore, #tpu.memory_space<semaphore_mem>>)
    %dma_start3A_108 = arith.constant 0 : i32
    %dma_start3A_109 = tpu.memref_slice %arg3[%dma_start3A_108, %multiple_of3A_103] : memref<16x1000000xf32, #tpu.memory_space<hbm>> -> memref<16x128xf32, #tpu.memory_space<hbm>>
    %dma_start3A_110 = arith.constant 0 : i32
    %dma_start3A_111 = tpu.memref_slice %arg3[%dma_start3A_110, %multiple_of3A_103] : memref<16x1000000xf32, #tpu.memory_space<hbm>> -> memref<16x128xf32, #tpu.memory_space<hbm>>
    tpu.enqueue_dma source(%dma_start3A_111 : memref<16x128xf32, #tpu.memory_space<hbm>>) target(%arg29 : memref<16x128xf32, #tpu.memory_space<vmem>>) target_semaphore(%arg46 : memref<!tpu.dma_semaphore, #tpu.memory_space<semaphore_mem>>)
    %slice3A_112 = vector.extract_strided_slice %gather3A {offsets = [5], sizes = [1], strides = [1]} : vector<16xi32> to vector<1xi32>
    %squeeze3A_113 = vector.extract %slice3A_112[0] : i32 from vector<1xi32>
    %shift_right_arithmetic3A_114 = arith.constant 7 : i32
    %shift_right_arithmetic3A_115 = arith.shrsi %squeeze3A_113, %shift_right_arithmetic3A_114 : i32
    %mul3A_116 = arith.constant 128 : i32
    %mul3A_117 = arith.muli %shift_right_arithmetic3A_115, %mul3A_116 : i32
    %multiple_of3A_118 = tpu.assume_multiple %mul3A_117, 128 : i32
    %slice3A_119 = vector.extract_strided_slice %gather3A_5 {offsets = [5], sizes = [1], strides = [1]} : vector<16xi32> to vector<1xi32>
    %squeeze3A_120 = vector.extract %slice3A_119[0] : i32 from vector<1xi32>
    %shift_right_arithmetic3A_121 = arith.constant 7 : i32
    %shift_right_arithmetic3A_122 = arith.shrsi %squeeze3A_120, %shift_right_arithmetic3A_121 : i32
    %mul3A_123 = arith.constant 128 : i32
    %mul3A_124 = arith.muli %shift_right_arithmetic3A_122, %mul3A_123 : i32
    %multiple_of3A_125 = tpu.assume_multiple %mul3A_124, 128 : i32
    %dma_start3A_126 = arith.constant 0 : i32
    %dma_start3A_127 = tpu.memref_slice %arg2[%dma_start3A_126, %multiple_of3A_118] : memref<16x1000000xf32, #tpu.memory_space<hbm>> -> memref<16x128xf32, #tpu.memory_space<hbm>>
    %dma_start3A_128 = arith.constant 0 : i32
    %dma_start3A_129 = tpu.memref_slice %arg2[%dma_start3A_128, %multiple_of3A_118] : memref<16x1000000xf32, #tpu.memory_space<hbm>> -> memref<16x128xf32, #tpu.memory_space<hbm>>
    tpu.enqueue_dma source(%dma_start3A_129 : memref<16x128xf32, #tpu.memory_space<hbm>>) target(%arg14 : memref<16x128xf32, #tpu.memory_space<vmem>>) target_semaphore(%arg47 : memref<!tpu.dma_semaphore, #tpu.memory_space<semaphore_mem>>)
    %dma_start3A_130 = arith.constant 0 : i32
    %dma_start3A_131 = tpu.memref_slice %arg3[%dma_start3A_130, %multiple_of3A_125] : memref<16x1000000xf32, #tpu.memory_space<hbm>> -> memref<16x128xf32, #tpu.memory_space<hbm>>
    %dma_start3A_132 = arith.constant 0 : i32
    %dma_start3A_133 = tpu.memref_slice %arg3[%dma_start3A_132, %multiple_of3A_125] : memref<16x1000000xf32, #tpu.memory_space<hbm>> -> memref<16x128xf32, #tpu.memory_space<hbm>>
    tpu.enqueue_dma source(%dma_start3A_133 : memref<16x128xf32, #tpu.memory_space<hbm>>) target(%arg30 : memref<16x128xf32, #tpu.memory_space<vmem>>) target_semaphore(%arg47 : memref<!tpu.dma_semaphore, #tpu.memory_space<semaphore_mem>>)
    %slice3A_134 = vector.extract_strided_slice %gather3A {offsets = [6], sizes = [1], strides = [1]} : vector<16xi32> to vector<1xi32>
    %squeeze3A_135 = vector.extract %slice3A_134[0] : i32 from vector<1xi32>
    %shift_right_arithmetic3A_136 = arith.constant 7 : i32
    %shift_right_arithmetic3A_137 = arith.shrsi %squeeze3A_135, %shift_right_arithmetic3A_136 : i32
    %mul3A_138 = arith.constant 128 : i32
    %mul3A_139 = arith.muli %shift_right_arithmetic3A_137, %mul3A_138 : i32
    %multiple_of3A_140 = tpu.assume_multiple %mul3A_139, 128 : i32
    %slice3A_141 = vector.extract_strided_slice %gather3A_5 {offsets = [6], sizes = [1], strides = [1]} : vector<16xi32> to vector<1xi32>
    %squeeze3A_142 = vector.extract %slice3A_141[0] : i32 from vector<1xi32>
    %shift_right_arithmetic3A_143 = arith.constant 7 : i32
    %shift_right_arithmetic3A_144 = arith.shrsi %squeeze3A_142, %shift_right_arithmetic3A_143 : i32
    %mul3A_145 = arith.constant 128 : i32
    %mul3A_146 = arith.muli %shift_right_arithmetic3A_144, %mul3A_145 : i32
    %multiple_of3A_147 = tpu.assume_multiple %mul3A_146, 128 : i32
    %dma_start3A_148 = arith.constant 0 : i32
    %dma_start3A_149 = tpu.memref_slice %arg2[%dma_start3A_148, %multiple_of3A_140] : memref<16x1000000xf32, #tpu.memory_space<hbm>> -> memref<16x128xf32, #tpu.memory_space<hbm>>
    %dma_start3A_150 = arith.constant 0 : i32
    %dma_start3A_151 = tpu.memref_slice %arg2[%dma_start3A_150, %multiple_of3A_140] : memref<16x1000000xf32, #tpu.memory_space<hbm>> -> memref<16x128xf32, #tpu.memory_space<hbm>>
    tpu.enqueue_dma source(%dma_start3A_151 : memref<16x128xf32, #tpu.memory_space<hbm>>) target(%arg15 : memref<16x128xf32, #tpu.memory_space<vmem>>) target_semaphore(%arg48 : memref<!tpu.dma_semaphore, #tpu.memory_space<semaphore_mem>>)
    %dma_start3A_152 = arith.constant 0 : i32
    %dma_start3A_153 = tpu.memref_slice %arg3[%dma_start3A_152, %multiple_of3A_147] : memref<16x1000000xf32, #tpu.memory_space<hbm>> -> memref<16x128xf32, #tpu.memory_space<hbm>>
    %dma_start3A_154 = arith.constant 0 : i32
    %dma_start3A_155 = tpu.memref_slice %arg3[%dma_start3A_154, %multiple_of3A_147] : memref<16x1000000xf32, #tpu.memory_space<hbm>> -> memref<16x128xf32, #tpu.memory_space<hbm>>
    tpu.enqueue_dma source(%dma_start3A_155 : memref<16x128xf32, #tpu.memory_space<hbm>>) target(%arg31 : memref<16x128xf32, #tpu.memory_space<vmem>>) target_semaphore(%arg48 : memref<!tpu.dma_semaphore, #tpu.memory_space<semaphore_mem>>)
    %slice3A_156 = vector.extract_strided_slice %gather3A {offsets = [7], sizes = [1], strides = [1]} : vector<16xi32> to vector<1xi32>
    %squeeze3A_157 = vector.extract %slice3A_156[0] : i32 from vector<1xi32>
    %shift_right_arithmetic3A_158 = arith.constant 7 : i32
    %shift_right_arithmetic3A_159 = arith.shrsi %squeeze3A_157, %shift_right_arithmetic3A_158 : i32
    %mul3A_160 = arith.constant 128 : i32
    %mul3A_161 = arith.muli %shift_right_arithmetic3A_159, %mul3A_160 : i32
    %multiple_of3A_162 = tpu.assume_multiple %mul3A_161, 128 : i32
    %slice3A_163 = vector.extract_strided_slice %gather3A_5 {offsets = [7], sizes = [1], strides = [1]} : vector<16xi32> to vector<1xi32>
    %squeeze3A_164 = vector.extract %slice3A_163[0] : i32 from vector<1xi32>
    %shift_right_arithmetic3A_165 = arith.constant 7 : i32
    %shift_right_arithmetic3A_166 = arith.shrsi %squeeze3A_164, %shift_right_arithmetic3A_165 : i32
    %mul3A_167 = arith.constant 128 : i32
    %mul3A_168 = arith.muli %shift_right_arithmetic3A_166, %mul3A_167 : i32
    %multiple_of3A_169 = tpu.assume_multiple %mul3A_168, 128 : i32
    %dma_start3A_170 = arith.constant 0 : i32
    %dma_start3A_171 = tpu.memref_slice %arg2[%dma_start3A_170, %multiple_of3A_162] : memref<16x1000000xf32, #tpu.memory_space<hbm>> -> memref<16x128xf32, #tpu.memory_space<hbm>>
    %dma_start3A_172 = arith.constant 0 : i32
    %dma_start3A_173 = tpu.memref_slice %arg2[%dma_start3A_172, %multiple_of3A_162] : memref<16x1000000xf32, #tpu.memory_space<hbm>> -> memref<16x128xf32, #tpu.memory_space<hbm>>
    tpu.enqueue_dma source(%dma_start3A_173 : memref<16x128xf32, #tpu.memory_space<hbm>>) target(%arg16 : memref<16x128xf32, #tpu.memory_space<vmem>>) target_semaphore(%arg49 : memref<!tpu.dma_semaphore, #tpu.memory_space<semaphore_mem>>)
    %dma_start3A_174 = arith.constant 0 : i32
    %dma_start3A_175 = tpu.memref_slice %arg3[%dma_start3A_174, %multiple_of3A_169] : memref<16x1000000xf32, #tpu.memory_space<hbm>> -> memref<16x128xf32, #tpu.memory_space<hbm>>
    %dma_start3A_176 = arith.constant 0 : i32
    %dma_start3A_177 = tpu.memref_slice %arg3[%dma_start3A_176, %multiple_of3A_169] : memref<16x1000000xf32, #tpu.memory_space<hbm>> -> memref<16x128xf32, #tpu.memory_space<hbm>>
    tpu.enqueue_dma source(%dma_start3A_177 : memref<16x128xf32, #tpu.memory_space<hbm>>) target(%arg32 : memref<16x128xf32, #tpu.memory_space<vmem>>) target_semaphore(%arg49 : memref<!tpu.dma_semaphore, #tpu.memory_space<semaphore_mem>>)
    %broadcast_in_dim3A_178 = arith.constant 8 : i32
    %broadcast_in_dim3A_179 = vector.broadcast %broadcast_in_dim3A_178 : i32 to vector<16xi32>
    %add3A_180 = arith.addi %iota3A, %broadcast_in_dim3A_179 : vector<16xi32>
    %gather3A_181 = tpu.vector_load_idx %arg7[%add3A_180] : memref<528xi32, #tpu.memory_space<vmem>>[vector<16xi32>], vector<16xi32>,
    %gather3A_182 = tpu.vector_load_idx %arg8[%add3A_180] : memref<528xi32, #tpu.memory_space<vmem>>[vector<16xi32>], vector<16xi32>,
    %slice3A_183 = vector.extract_strided_slice %gather3A_181 {offsets = [0], sizes = [1], strides = [1]} : vector<16xi32> to vector<1xi32>
    %squeeze3A_184 = vector.extract %slice3A_183[0] : i32 from vector<1xi32>
    %shift_right_arithmetic3A_185 = arith.constant 7 : i32
    %shift_right_arithmetic3A_186 = arith.shrsi %squeeze3A_184, %shift_right_arithmetic3A_185 : i32
    %mul3A_187 = arith.constant 128 : i32
    %mul3A_188 = arith.muli %shift_right_arithmetic3A_186, %mul3A_187 : i32
    %multiple_of3A_189 = tpu.assume_multiple %mul3A_188, 128 : i32
    %slice3A_190 = vector.extract_strided_slice %gather3A_182 {offsets = [0], sizes = [1], strides = [1]} : vector<16xi32> to vector<1xi32>
    %squeeze3A_191 = vector.extract %slice3A_190[0] : i32 from vector<1xi32>
    %shift_right_arithmetic3A_192 = arith.constant 7 : i32
    %shift_right_arithmetic3A_193 = arith.shrsi %squeeze3A_191, %shift_right_arithmetic3A_192 : i32
    %mul3A_194 = arith.constant 128 : i32
    %mul3A_195 = arith.muli %shift_right_arithmetic3A_193, %mul3A_194 : i32
    %multiple_of3A_196 = tpu.assume_multiple %mul3A_195, 128 : i32
    %dma_start3A_197 = arith.constant 0 : i32
    %dma_start3A_198 = tpu.memref_slice %arg2[%dma_start3A_197, %multiple_of3A_189] : memref<16x1000000xf32, #tpu.memory_space<hbm>> -> memref<16x128xf32, #tpu.memory_space<hbm>>
    %dma_start3A_199 = arith.constant 0 : i32
    %dma_start3A_200 = tpu.memref_slice %arg2[%dma_start3A_199, %multiple_of3A_189] : memref<16x1000000xf32, #tpu.memory_space<hbm>> -> memref<16x128xf32, #tpu.memory_space<hbm>>
    tpu.enqueue_dma source(%dma_start3A_200 : memref<16x128xf32, #tpu.memory_space<hbm>>) target(%arg17 : memref<16x128xf32, #tpu.memory_space<vmem>>) target_semaphore(%arg50 : memref<!tpu.dma_semaphore, #tpu.memory_space<semaphore_mem>>)
    %dma_start3A_201 = arith.constant 0 : i32
    %dma_start3A_202 = tpu.memref_slice %arg3[%dma_start3A_201, %multiple_of3A_196] : memref<16x1000000xf32, #tpu.memory_space<hbm>> -> memref<16x128xf32, #tpu.memory_space<hbm>>
    %dma_start3A_203 = arith.constant 0 : i32
    %dma_start3A_204 = tpu.memref_slice %arg3[%dma_start3A_203, %multiple_of3A_196] : memref<16x1000000xf32, #tpu.memory_space<hbm>> -> memref<16x128xf32, #tpu.memory_space<hbm>>
    tpu.enqueue_dma source(%dma_start3A_204 : memref<16x128xf32, #tpu.memory_space<hbm>>) target(%arg33 : memref<16x128xf32, #tpu.memory_space<vmem>>) target_semaphore(%arg50 : memref<!tpu.dma_semaphore, #tpu.memory_space<semaphore_mem>>)
    %slice3A_205 = vector.extract_strided_slice %gather3A_181 {offsets = [1], sizes = [1], strides = [1]} : vector<16xi32> to vector<1xi32>
    %squeeze3A_206 = vector.extract %slice3A_205[0] : i32 from vector<1xi32>
    %shift_right_arithmetic3A_207 = arith.constant 7 : i32
    %shift_right_arithmetic3A_208 = arith.shrsi %squeeze3A_206, %shift_right_arithmetic3A_207 : i32
    %mul3A_209 = arith.constant 128 : i32
    %mul3A_210 = arith.muli %shift_right_arithmetic3A_208, %mul3A_209 : i32
    %multiple_of3A_211 = tpu.assume_multiple %mul3A_210, 128 : i32
    %slice3A_212 = vector.extract_strided_slice %gather3A_182 {offsets = [1], sizes = [1], strides = [1]} : vector<16xi32> to vector<1xi32>
    %squeeze3A_213 = vector.extract %slice3A_212[0] : i32 from vector<1xi32>
    %shift_right_arithmetic3A_214 = arith.constant 7 : i32
    %shift_right_arithmetic3A_215 = arith.shrsi %squeeze3A_213, %shift_right_arithmetic3A_214 : i32
    %mul3A_216 = arith.constant 128 : i32
    %mul3A_217 = arith.muli %shift_right_arithmetic3A_215, %mul3A_216 : i32
    %multiple_of3A_218 = tpu.assume_multiple %mul3A_217, 128 : i32
    %dma_start3A_219 = arith.constant 0 : i32
    %dma_start3A_220 = tpu.memref_slice %arg2[%dma_start3A_219, %multiple_of3A_211] : memref<16x1000000xf32, #tpu.memory_space<hbm>> -> memref<16x128xf32, #tpu.memory_space<hbm>>
    %dma_start3A_221 = arith.constant 0 : i32
    %dma_start3A_222 = tpu.memref_slice %arg2[%dma_start3A_221, %multiple_of3A_211] : memref<16x1000000xf32, #tpu.memory_space<hbm>> -> memref<16x128xf32, #tpu.memory_space<hbm>>
    tpu.enqueue_dma source(%dma_start3A_222 : memref<16x128xf32, #tpu.memory_space<hbm>>) target(%arg18 : memref<16x128xf32, #tpu.memory_space<vmem>>) target_semaphore(%arg51 : memref<!tpu.dma_semaphore, #tpu.memory_space<semaphore_mem>>)
    %dma_start3A_223 = arith.constant 0 : i32
    %dma_start3A_224 = tpu.memref_slice %arg3[%dma_start3A_223, %multiple_of3A_218] : memref<16x1000000xf32, #tpu.memory_space<hbm>> -> memref<16x128xf32, #tpu.memory_space<hbm>>
    %dma_start3A_225 = arith.constant 0 : i32
    %dma_start3A_226 = tpu.memref_slice %arg3[%dma_start3A_225, %multiple_of3A_218] : memref<16x1000000xf32, #tpu.memory_space<hbm>> -> memref<16x128xf32, #tpu.memory_space<hbm>>
    tpu.enqueue_dma source(%dma_start3A_226 : memref<16x128xf32, #tpu.memory_space<hbm>>) target(%arg34 : memref<16x128xf32, #tpu.memory_space<vmem>>) target_semaphore(%arg51 : memref<!tpu.dma_semaphore, #tpu.memory_space<semaphore_mem>>)
    %slice3A_227 = vector.extract_strided_slice %gather3A_181 {offsets = [2], sizes = [1], strides = [1]} : vector<16xi32> to vector<1xi32>
    %squeeze3A_228 = vector.extract %slice3A_227[0] : i32 from vector<1xi32>
    %shift_right_arithmetic3A_229 = arith.constant 7 : i32
    %shift_right_arithmetic3A_230 = arith.shrsi %squeeze3A_228, %shift_right_arithmetic3A_229 : i32
    %mul3A_231 = arith.constant 128 : i32
    %mul3A_232 = arith.muli %shift_right_arithmetic3A_230, %mul3A_231 : i32
    %multiple_of3A_233 = tpu.assume_multiple %mul3A_232, 128 : i32
    %slice3A_234 = vector.extract_strided_slice %gather3A_182 {offsets = [2], sizes = [1], strides = [1]} : vector<16xi32> to vector<1xi32>
    %squeeze3A_235 = vector.extract %slice3A_234[0] : i32 from vector<1xi32>
    %shift_right_arithmetic3A_236 = arith.constant 7 : i32
    %shift_right_arithmetic3A_237 = arith.shrsi %squeeze3A_235, %shift_right_arithmetic3A_236 : i32
    %mul3A_238 = arith.constant 128 : i32
    %mul3A_239 = arith.muli %shift_right_arithmetic3A_237, %mul3A_238 : i32
    %multiple_of3A_240 = tpu.assume_multiple %mul3A_239, 128 : i32
    %dma_start3A_241 = arith.constant 0 : i32
    %dma_start3A_242 = tpu.memref_slice %arg2[%dma_start3A_241, %multiple_of3A_233] : memref<16x1000000xf32, #tpu.memory_space<hbm>> -> memref<16x128xf32, #tpu.memory_space<hbm>>
    %dma_start3A_243 = arith.constant 0 : i32
    %dma_start3A_244 = tpu.memref_slice %arg2[%dma_start3A_243, %multiple_of3A_233] : memref<16x1000000xf32, #tpu.memory_space<hbm>> -> memref<16x128xf32, #tpu.memory_space<hbm>>
    tpu.enqueue_dma source(%dma_start3A_244 : memref<16x128xf32, #tpu.memory_space<hbm>>) target(%arg19 : memref<16x128xf32, #tpu.memory_space<vmem>>) target_semaphore(%arg52 : memref<!tpu.dma_semaphore, #tpu.memory_space<semaphore_mem>>)
    %dma_start3A_245 = arith.constant 0 : i32
    %dma_start3A_246 = tpu.memref_slice %arg3[%dma_start3A_245, %multiple_of3A_240] : memref<16x1000000xf32, #tpu.memory_space<hbm>> -> memref<16x128xf32, #tpu.memory_space<hbm>>
    %dma_start3A_247 = arith.constant 0 : i32
    %dma_start3A_248 = tpu.memref_slice %arg3[%dma_start3A_247, %multiple_of3A_240] : memref<16x1000000xf32, #tpu.memory_space<hbm>> -> memref<16x128xf32, #tpu.memory_space<hbm>>
    tpu.enqueue_dma source(%dma_start3A_248 : memref<16x128xf32, #tpu.memory_space<hbm>>) target(%arg35 : memref<16x128xf32, #tpu.memory_space<vmem>>) target_semaphore(%arg52 : memref<!tpu.dma_semaphore, #tpu.memory_space<semaphore_mem>>)
    %slice3A_249 = vector.extract_strided_slice %gather3A_181 {offsets = [3], sizes = [1], strides = [1]} : vector<16xi32> to vector<1xi32>
    %squeeze3A_250 = vector.extract %slice3A_249[0] : i32 from vector<1xi32>
    %shift_right_arithmetic3A_251 = arith.constant 7 : i32
    %shift_right_arithmetic3A_252 = arith.shrsi %squeeze3A_250, %shift_right_arithmetic3A_251 : i32
    %mul3A_253 = arith.constant 128 : i32
    %mul3A_254 = arith.muli %shift_right_arithmetic3A_252, %mul3A_253 : i32
    %multiple_of3A_255 = tpu.assume_multiple %mul3A_254, 128 : i32
    %slice3A_256 = vector.extract_strided_slice %gather3A_182 {offsets = [3], sizes = [1], strides = [1]} : vector<16xi32> to vector<1xi32>
    %squeeze3A_257 = vector.extract %slice3A_256[0] : i32 from vector<1xi32>
    %shift_right_arithmetic3A_258 = arith.constant 7 : i32
    %shift_right_arithmetic3A_259 = arith.shrsi %squeeze3A_257, %shift_right_arithmetic3A_258 : i32
    %mul3A_260 = arith.constant 128 : i32
    %mul3A_261 = arith.muli %shift_right_arithmetic3A_259, %mul3A_260 : i32
    %multiple_of3A_262 = tpu.assume_multiple %mul3A_261, 128 : i32
    %dma_start3A_263 = arith.constant 0 : i32
    %dma_start3A_264 = tpu.memref_slice %arg2[%dma_start3A_263, %multiple_of3A_255] : memref<16x1000000xf32, #tpu.memory_space<hbm>> -> memref<16x128xf32, #tpu.memory_space<hbm>>
    %dma_start3A_265 = arith.constant 0 : i32
    %dma_start3A_266 = tpu.memref_slice %arg2[%dma_start3A_265, %multiple_of3A_255] : memref<16x1000000xf32, #tpu.memory_space<hbm>> -> memref<16x128xf32, #tpu.memory_space<hbm>>
    tpu.enqueue_dma source(%dma_start3A_266 : memref<16x128xf32, #tpu.memory_space<hbm>>) target(%arg20 : memref<16x128xf32, #tpu.memory_space<vmem>>) target_semaphore(%arg53 : memref<!tpu.dma_semaphore, #tpu.memory_space<semaphore_mem>>)
    %dma_start3A_267 = arith.constant 0 : i32
    %dma_start3A_268 = tpu.memref_slice %arg3[%dma_start3A_267, %multiple_of3A_262] : memref<16x1000000xf32, #tpu.memory_space<hbm>> -> memref<16x128xf32, #tpu.memory_space<hbm>>
    %dma_start3A_269 = arith.constant 0 : i32
    %dma_start3A_270 = tpu.memref_slice %arg3[%dma_start3A_269, %multiple_of3A_262] : memref<16x1000000xf32, #tpu.memory_space<hbm>> -> memref<16x128xf32, #tpu.memory_space<hbm>>
    tpu.enqueue_dma source(%dma_start3A_270 : memref<16x128xf32, #tpu.memory_space<hbm>>) target(%arg36 : memref<16x128xf32, #tpu.memory_space<vmem>>) target_semaphore(%arg53 : memref<!tpu.dma_semaphore, #tpu.memory_space<semaphore_mem>>)
    %slice3A_271 = vector.extract_strided_slice %gather3A_181 {offsets = [4], sizes = [1], strides = [1]} : vector<16xi32> to vector<1xi32>
    %squeeze3A_272 = vector.extract %slice3A_271[0] : i32 from vector<1xi32>
    %shift_right_arithmetic3A_273 = arith.constant 7 : i32
    %shift_right_arithmetic3A_274 = arith.shrsi %squeeze3A_272, %shift_right_arithmetic3A_273 : i32
    %mul3A_275 = arith.constant 128 : i32
    %mul3A_276 = arith.muli %shift_right_arithmetic3A_274, %mul3A_275 : i32
    %multiple_of3A_277 = tpu.assume_multiple %mul3A_276, 128 : i32
    %slice3A_278 = vector.extract_strided_slice %gather3A_182 {offsets = [4], sizes = [1], strides = [1]} : vector<16xi32> to vector<1xi32>
    %squeeze3A_279 = vector.extract %slice3A_278[0] : i32 from vector<1xi32>
    %shift_right_arithmetic3A_280 = arith.constant 7 : i32
    %shift_right_arithmetic3A_281 = arith.shrsi %squeeze3A_279, %shift_right_arithmetic3A_280 : i32
    %mul3A_282 = arith.constant 128 : i32
    %mul3A_283 = arith.muli %shift_right_arithmetic3A_281, %mul3A_282 : i32
    %multiple_of3A_284 = tpu.assume_multiple %mul3A_283, 128 : i32
    %dma_start3A_285 = arith.constant 0 : i32
    %dma_start3A_286 = tpu.memref_slice %arg2[%dma_start3A_285, %multiple_of3A_277] : memref<16x1000000xf32, #tpu.memory_space<hbm>> -> memref<16x128xf32, #tpu.memory_space<hbm>>
    %dma_start3A_287 = arith.constant 0 : i32
    %dma_start3A_288 = tpu.memref_slice %arg2[%dma_start3A_287, %multiple_of3A_277] : memref<16x1000000xf32, #tpu.memory_space<hbm>> -> memref<16x128xf32, #tpu.memory_space<hbm>>
    tpu.enqueue_dma source(%dma_start3A_288 : memref<16x128xf32, #tpu.memory_space<hbm>>) target(%arg21 : memref<16x128xf32, #tpu.memory_space<vmem>>) target_semaphore(%arg54 : memref<!tpu.dma_semaphore, #tpu.memory_space<semaphore_mem>>)
    %dma_start3A_289 = arith.constant 0 : i32
    %dma_start3A_290 = tpu.memref_slice %arg3[%dma_start3A_289, %multiple_of3A_284] : memref<16x1000000xf32, #tpu.memory_space<hbm>> -> memref<16x128xf32, #tpu.memory_space<hbm>>
    %dma_start3A_291 = arith.constant 0 : i32
    %dma_start3A_292 = tpu.memref_slice %arg3[%dma_start3A_291, %multiple_of3A_284] : memref<16x1000000xf32, #tpu.memory_space<hbm>> -> memref<16x128xf32, #tpu.memory_space<hbm>>
    tpu.enqueue_dma source(%dma_start3A_292 : memref<16x128xf32, #tpu.memory_space<hbm>>) target(%arg37 : memref<16x128xf32, #tpu.memory_space<vmem>>) target_semaphore(%arg54 : memref<!tpu.dma_semaphore, #tpu.memory_space<semaphore_mem>>)
    %slice3A_293 = vector.extract_strided_slice %gather3A_181 {offsets = [5], sizes = [1], strides = [1]} : vector<16xi32> to vector<1xi32>
    %squeeze3A_294 = vector.extract %slice3A_293[0] : i32 from vector<1xi32>
    %shift_right_arithmetic3A_295 = arith.constant 7 : i32
    %shift_right_arithmetic3A_296 = arith.shrsi %squeeze3A_294, %shift_right_arithmetic3A_295 : i32
    %mul3A_297 = arith.constant 128 : i32
    %mul3A_298 = arith.muli %shift_right_arithmetic3A_296, %mul3A_297 : i32
    %multiple_of3A_299 = tpu.assume_multiple %mul3A_298, 128 : i32
    %slice3A_300 = vector.extract_strided_slice %gather3A_182 {offsets = [5], sizes = [1], strides = [1]} : vector<16xi32> to vector<1xi32>
    %squeeze3A_301 = vector.extract %slice3A_300[0] : i32 from vector<1xi32>
    %shift_right_arithmetic3A_302 = arith.constant 7 : i32
    %shift_right_arithmetic3A_303 = arith.shrsi %squeeze3A_301, %shift_right_arithmetic3A_302 : i32
    %mul3A_304 = arith.constant 128 : i32
    %mul3A_305 = arith.muli %shift_right_arithmetic3A_303, %mul3A_304 : i32
    %multiple_of3A_306 = tpu.assume_multiple %mul3A_305, 128 : i32
    %dma_start3A_307 = arith.constant 0 : i32
    %dma_start3A_308 = tpu.memref_slice %arg2[%dma_start3A_307, %multiple_of3A_299] : memref<16x1000000xf32, #tpu.memory_space<hbm>> -> memref<16x128xf32, #tpu.memory_space<hbm>>
    %dma_start3A_309 = arith.constant 0 : i32
    %dma_start3A_310 = tpu.memref_slice %arg2[%dma_start3A_309, %multiple_of3A_299] : memref<16x1000000xf32, #tpu.memory_space<hbm>> -> memref<16x128xf32, #tpu.memory_space<hbm>>
    tpu.enqueue_dma source(%dma_start3A_310 : memref<16x128xf32, #tpu.memory_space<hbm>>) target(%arg22 : memref<16x128xf32, #tpu.memory_space<vmem>>) target_semaphore(%arg55 : memref<!tpu.dma_semaphore, #tpu.memory_space<semaphore_mem>>)
    %dma_start3A_311 = arith.constant 0 : i32
    %dma_start3A_312 = tpu.memref_slice %arg3[%dma_start3A_311, %multiple_of3A_306] : memref<16x1000000xf32, #tpu.memory_space<hbm>> -> memref<16x128xf32, #tpu.memory_space<hbm>>
    %dma_start3A_313 = arith.constant 0 : i32
    %dma_start3A_314 = tpu.memref_slice %arg3[%dma_start3A_313, %multiple_of3A_306] : memref<16x1000000xf32, #tpu.memory_space<hbm>> -> memref<16x128xf32, #tpu.memory_space<hbm>>
    tpu.enqueue_dma source(%dma_start3A_314 : memref<16x128xf32, #tpu.memory_space<hbm>>) target(%arg38 : memref<16x128xf32, #tpu.memory_space<vmem>>) target_semaphore(%arg55 : memref<!tpu.dma_semaphore, #tpu.memory_space<semaphore_mem>>)
    %slice3A_315 = vector.extract_strided_slice %gather3A_181 {offsets = [6], sizes = [1], strides = [1]} : vector<16xi32> to vector<1xi32>
    %squeeze3A_316 = vector.extract %slice3A_315[0] : i32 from vector<1xi32>
    %shift_right_arithmetic3A_317 = arith.constant 7 : i32
    %shift_right_arithmetic3A_318 = arith.shrsi %squeeze3A_316, %shift_right_arithmetic3A_317 : i32
    %mul3A_319 = arith.constant 128 : i32
    %mul3A_320 = arith.muli %shift_right_arithmetic3A_318, %mul3A_319 : i32
    %multiple_of3A_321 = tpu.assume_multiple %mul3A_320, 128 : i32
    %slice3A_322 = vector.extract_strided_slice %gather3A_182 {offsets = [6], sizes = [1], strides = [1]} : vector<16xi32> to vector<1xi32>
    %squeeze3A_323 = vector.extract %slice3A_322[0] : i32 from vector<1xi32>
    %shift_right_arithmetic3A_324 = arith.constant 7 : i32
    %shift_right_arithmetic3A_325 = arith.shrsi %squeeze3A_323, %shift_right_arithmetic3A_324 : i32
    %mul3A_326 = arith.constant 128 : i32
    %mul3A_327 = arith.muli %shift_right_arithmetic3A_325, %mul3A_326 : i32
    %multiple_of3A_328 = tpu.assume_multiple %mul3A_327, 128 : i32
    %dma_start3A_329 = arith.constant 0 : i32
    %dma_start3A_330 = tpu.memref_slice %arg2[%dma_start3A_329, %multiple_of3A_321] : memref<16x1000000xf32, #tpu.memory_space<hbm>> -> memref<16x128xf32, #tpu.memory_space<hbm>>
    %dma_start3A_331 = arith.constant 0 : i32
    %dma_start3A_332 = tpu.memref_slice %arg2[%dma_start3A_331, %multiple_of3A_321] : memref<16x1000000xf32, #tpu.memory_space<hbm>> -> memref<16x128xf32, #tpu.memory_space<hbm>>
    tpu.enqueue_dma source(%dma_start3A_332 : memref<16x128xf32, #tpu.memory_space<hbm>>) target(%arg23 : memref<16x128xf32, #tpu.memory_space<vmem>>) target_semaphore(%arg56 : memref<!tpu.dma_semaphore, #tpu.memory_space<semaphore_mem>>)
    %dma_start3A_333 = arith.constant 0 : i32
    %dma_start3A_334 = tpu.memref_slice %arg3[%dma_start3A_333, %multiple_of3A_328] : memref<16x1000000xf32, #tpu.memory_space<hbm>> -> memref<16x128xf32, #tpu.memory_space<hbm>>
    %dma_start3A_335 = arith.constant 0 : i32
    %dma_start3A_336 = tpu.memref_slice %arg3[%dma_start3A_335, %multiple_of3A_328] : memref<16x1000000xf32, #tpu.memory_space<hbm>> -> memref<16x128xf32, #tpu.memory_space<hbm>>
    tpu.enqueue_dma source(%dma_start3A_336 : memref<16x128xf32, #tpu.memory_space<hbm>>) target(%arg39 : memref<16x128xf32, #tpu.memory_space<vmem>>) target_semaphore(%arg56 : memref<!tpu.dma_semaphore, #tpu.memory_space<semaphore_mem>>)
    %slice3A_337 = vector.extract_strided_slice %gather3A_181 {offsets = [7], sizes = [1], strides = [1]} : vector<16xi32> to vector<1xi32>
    %squeeze3A_338 = vector.extract %slice3A_337[0] : i32 from vector<1xi32>
    %shift_right_arithmetic3A_339 = arith.constant 7 : i32
    %shift_right_arithmetic3A_340 = arith.shrsi %squeeze3A_338, %shift_right_arithmetic3A_339 : i32
    %mul3A_341 = arith.constant 128 : i32
    %mul3A_342 = arith.muli %shift_right_arithmetic3A_340, %mul3A_341 : i32
    %multiple_of3A_343 = tpu.assume_multiple %mul3A_342, 128 : i32
    %slice3A_344 = vector.extract_strided_slice %gather3A_182 {offsets = [7], sizes = [1], strides = [1]} : vector<16xi32> to vector<1xi32>
    %squeeze3A_345 = vector.extract %slice3A_344[0] : i32 from vector<1xi32>
    %shift_right_arithmetic3A_346 = arith.constant 7 : i32
    %shift_right_arithmetic3A_347 = arith.shrsi %squeeze3A_345, %shift_right_arithmetic3A_346 : i32
    %mul3A_348 = arith.constant 128 : i32
    %mul3A_349 = arith.muli %shift_right_arithmetic3A_347, %mul3A_348 : i32
    %multiple_of3A_350 = tpu.assume_multiple %mul3A_349, 128 : i32
    %dma_start3A_351 = arith.constant 0 : i32
    %dma_start3A_352 = tpu.memref_slice %arg2[%dma_start3A_351, %multiple_of3A_343] : memref<16x1000000xf32, #tpu.memory_space<hbm>> -> memref<16x128xf32, #tpu.memory_space<hbm>>
    %dma_start3A_353 = arith.constant 0 : i32
    %dma_start3A_354 = tpu.memref_slice %arg2[%dma_start3A_353, %multiple_of3A_343] : memref<16x1000000xf32, #tpu.memory_space<hbm>> -> memref<16x128xf32, #tpu.memory_space<hbm>>
    tpu.enqueue_dma source(%dma_start3A_354 : memref<16x128xf32, #tpu.memory_space<hbm>>) target(%arg24 : memref<16x128xf32, #tpu.memory_space<vmem>>) target_semaphore(%arg57 : memref<!tpu.dma_semaphore, #tpu.memory_space<semaphore_mem>>)
    %dma_start3A_355 = arith.constant 0 : i32
    %dma_start3A_356 = tpu.memref_slice %arg3[%dma_start3A_355, %multiple_of3A_350] : memref<16x1000000xf32, #tpu.memory_space<hbm>> -> memref<16x128xf32, #tpu.memory_space<hbm>>
    %dma_start3A_357 = arith.constant 0 : i32
    %dma_start3A_358 = tpu.memref_slice %arg3[%dma_start3A_357, %multiple_of3A_350] : memref<16x1000000xf32, #tpu.memory_space<hbm>> -> memref<16x128xf32, #tpu.memory_space<hbm>>
    tpu.enqueue_dma source(%dma_start3A_358 : memref<16x128xf32, #tpu.memory_space<hbm>>) target(%arg40 : memref<16x128xf32, #tpu.memory_space<vmem>>) target_semaphore(%arg57 : memref<!tpu.dma_semaphore, #tpu.memory_space<semaphore_mem>>)
    %broadcast_in_dim3A_359 = arith.constant 0.000000e+00 : f32
    %broadcast_in_dim3A_360 = vector.broadcast %broadcast_in_dim3A_359 : f32 to vector<16xf32>
    %scan3A = arith.constant 0 : i32
    %scan3A_361 = arith.constant 32 : i32
    %scan3A_362 = arith.addi %scan3A, %scan3A_361 : i32
    %scan3A_363 = arith.constant 1 : i32
    %scan3A_364 = scf.for %scan3A_369 = %scan3A to %scan3A_362 step %scan3A_363 iter_args(%scan3A_370 = %broadcast_in_dim3A_360) -> (vector<16xf32>)  : i32 {
      %mul3A_371 = arith.constant 2 : i32
      %mul3A_372 = arith.muli %scan3A_369, %mul3A_371 : i32
      %mul3A_373 = arith.constant 8 : i32
      %mul3A_374 = arith.muli %mul3A_372, %mul3A_373 : i32
      %broadcast_in_dim3A_375 = vector.broadcast %mul3A_374 : i32 to vector<16xi32>
      %add3A_376 = arith.addi %iota3A, %broadcast_in_dim3A_375 : vector<16xi32>
      %gather3A_377 = tpu.vector_load_idx %arg7[%add3A_376] : memref<528xi32, #tpu.memory_space<vmem>>[vector<16xi32>], vector<16xi32>,
      %gather3A_378 = tpu.vector_load_idx %arg8[%add3A_376] : memref<528xi32, #tpu.memory_space<vmem>>[vector<16xi32>], vector<16xi32>,
      %and3A = arith.constant 127 : i32
      %and3A_379 = vector.broadcast %and3A : i32 to vector<16xi32>
      %and3A_380 = arith.andi %gather3A_377, %and3A_379 : vector<16xi32>
      %and3A_381 = arith.constant 127 : i32
      %and3A_382 = vector.broadcast %and3A_381 : i32 to vector<16xi32>
      %and3A_383 = arith.andi %gather3A_378, %and3A_382 : vector<16xi32>
      %dma_wait3A = arith.constant 0 : i32
      %dma_wait3A_384 = arith.constant 0 : i32
      %dma_wait3A_385 = tpu.memref_slice %arg2[%dma_wait3A, %dma_wait3A_384] : memref<16x1000000xf32, #tpu.memory_space<hbm>> -> memref<16x128xf32, #tpu.memory_space<hbm>>
      %dma_wait3A_386 = arith.constant 0 : i32
      %dma_wait3A_387 = arith.constant 0 : i32
      %dma_wait3A_388 = tpu.memref_slice %arg2[%dma_wait3A_386, %dma_wait3A_387] : memref<16x1000000xf32, #tpu.memory_space<hbm>> -> memref<16x128xf32, #tpu.memory_space<hbm>>
      tpu.wait_dma2 semaphore(%arg42 : memref<!tpu.dma_semaphore, #tpu.memory_space<semaphore_mem>>) src(%dma_wait3A_388 : memref<16x128xf32, #tpu.memory_space<hbm>>) dst(%arg9 : memref<16x128xf32, #tpu.memory_space<vmem>>)
      %dma_wait3A_389 = arith.constant 0 : i32
      %dma_wait3A_390 = arith.constant 0 : i32
      %dma_wait3A_391 = tpu.memref_slice %arg3[%dma_wait3A_389, %dma_wait3A_390] : memref<16x1000000xf32, #tpu.memory_space<hbm>> -> memref<16x128xf32, #tpu.memory_space<hbm>>
      %dma_wait3A_392 = arith.constant 0 : i32
      %dma_wait3A_393 = arith.constant 0 : i32
      %dma_wait3A_394 = tpu.memref_slice %arg3[%dma_wait3A_392, %dma_wait3A_393] : memref<16x1000000xf32, #tpu.memory_space<hbm>> -> memref<16x128xf32, #tpu.memory_space<hbm>>
      tpu.wait_dma2 semaphore(%arg42 : memref<!tpu.dma_semaphore, #tpu.memory_space<semaphore_mem>>) src(%dma_wait3A_394 : memref<16x128xf32, #tpu.memory_space<hbm>>) dst(%arg25 : memref<16x128xf32, #tpu.memory_space<vmem>>)
      %slice3A_395 = vector.extract_strided_slice %and3A_380 {offsets = [0], sizes = [1], strides = [1]} : vector<16xi32> to vector<1xi32>
      %squeeze3A_396 = vector.extract %slice3A_395[0] : i32 from vector<1xi32>
      %broadcast_in_dim3A_397 = vector.broadcast %squeeze3A_396 : i32 to vector<16xi32>
      %slice3A_398 = vector.extract_strided_slice %and3A_383 {offsets = [0], sizes = [1], strides = [1]} : vector<16xi32> to vector<1xi32>
      %squeeze3A_399 = vector.extract %slice3A_398[0] : i32 from vector<1xi32>
      %broadcast_in_dim3A_400 = vector.broadcast %squeeze3A_399 : i32 to vector<16xi32>
      %gather3A_401 = tpu.vector_load_idx %arg9[%iota3A, %broadcast_in_dim3A_397] : memref<16x128xf32, #tpu.memory_space<vmem>>[vector<16xi32>, vector<16xi32>], vector<16xf32>,
      %gather3A_402 = tpu.vector_load_idx %arg25[%iota3A, %broadcast_in_dim3A_400] : memref<16x128xf32, #tpu.memory_space<vmem>>[vector<16xi32>, vector<16xi32>], vector<16xf32>,
      %mul3A_403 = arith.mulf %gather3A_401, %gather3A_402 : vector<16xf32>
      %add3A_404 = arith.addf %scan3A_370, %mul3A_403 : vector<16xf32>
      %dma_wait3A_405 = arith.constant 0 : i32
      %dma_wait3A_406 = arith.constant 0 : i32
      %dma_wait3A_407 = tpu.memref_slice %arg2[%dma_wait3A_405, %dma_wait3A_406] : memref<16x1000000xf32, #tpu.memory_space<hbm>> -> memref<16x128xf32, #tpu.memory_space<hbm>>
      %dma_wait3A_408 = arith.constant 0 : i32
      %dma_wait3A_409 = arith.constant 0 : i32
      %dma_wait3A_410 = tpu.memref_slice %arg2[%dma_wait3A_408, %dma_wait3A_409] : memref<16x1000000xf32, #tpu.memory_space<hbm>> -> memref<16x128xf32, #tpu.memory_space<hbm>>
      tpu.wait_dma2 semaphore(%arg43 : memref<!tpu.dma_semaphore, #tpu.memory_space<semaphore_mem>>) src(%dma_wait3A_410 : memref<16x128xf32, #tpu.memory_space<hbm>>) dst(%arg10 : memref<16x128xf32, #tpu.memory_space<vmem>>)
      %dma_wait3A_411 = arith.constant 0 : i32
      %dma_wait3A_412 = arith.constant 0 : i32
      %dma_wait3A_413 = tpu.memref_slice %arg3[%dma_wait3A_411, %dma_wait3A_412] : memref<16x1000000xf32, #tpu.memory_space<hbm>> -> memref<16x128xf32, #tpu.memory_space<hbm>>
      %dma_wait3A_414 = arith.constant 0 : i32
      %dma_wait3A_415 = arith.constant 0 : i32
      %dma_wait3A_416 = tpu.memref_slice %arg3[%dma_wait3A_414, %dma_wait3A_415] : memref<16x1000000xf32, #tpu.memory_space<hbm>> -> memref<16x128xf32, #tpu.memory_space<hbm>>
      tpu.wait_dma2 semaphore(%arg43 : memref<!tpu.dma_semaphore, #tpu.memory_space<semaphore_mem>>) src(%dma_wait3A_416 : memref<16x128xf32, #tpu.memory_space<hbm>>) dst(%arg26 : memref<16x128xf32, #tpu.memory_space<vmem>>)
      %slice3A_417 = vector.extract_strided_slice %and3A_380 {offsets = [1], sizes = [1], strides = [1]} : vector<16xi32> to vector<1xi32>
      %squeeze3A_418 = vector.extract %slice3A_417[0] : i32 from vector<1xi32>
      %broadcast_in_dim3A_419 = vector.broadcast %squeeze3A_418 : i32 to vector<16xi32>
      %slice3A_420 = vector.extract_strided_slice %and3A_383 {offsets = [1], sizes = [1], strides = [1]} : vector<16xi32> to vector<1xi32>
      %squeeze3A_421 = vector.extract %slice3A_420[0] : i32 from vector<1xi32>
      %broadcast_in_dim3A_422 = vector.broadcast %squeeze3A_421 : i32 to vector<16xi32>
      %gather3A_423 = tpu.vector_load_idx %arg10[%iota3A, %broadcast_in_dim3A_419] : memref<16x128xf32, #tpu.memory_space<vmem>>[vector<16xi32>, vector<16xi32>], vector<16xf32>,
      %gather3A_424 = tpu.vector_load_idx %arg26[%iota3A, %broadcast_in_dim3A_422] : memref<16x128xf32, #tpu.memory_space<vmem>>[vector<16xi32>, vector<16xi32>], vector<16xf32>,
      %mul3A_425 = arith.mulf %gather3A_423, %gather3A_424 : vector<16xf32>
      %add3A_426 = arith.addf %add3A_404, %mul3A_425 : vector<16xf32>
      %dma_wait3A_427 = arith.constant 0 : i32
      %dma_wait3A_428 = arith.constant 0 : i32
      %dma_wait3A_429 = tpu.memref_slice %arg2[%dma_wait3A_427, %dma_wait3A_428] : memref<16x1000000xf32, #tpu.memory_space<hbm>> -> memref<16x128xf32, #tpu.memory_space<hbm>>
      %dma_wait3A_430 = arith.constant 0 : i32
      %dma_wait3A_431 = arith.constant 0 : i32
      %dma_wait3A_432 = tpu.memref_slice %arg2[%dma_wait3A_430, %dma_wait3A_431] : memref<16x1000000xf32, #tpu.memory_space<hbm>> -> memref<16x128xf32, #tpu.memory_space<hbm>>
      tpu.wait_dma2 semaphore(%arg44 : memref<!tpu.dma_semaphore, #tpu.memory_space<semaphore_mem>>) src(%dma_wait3A_432 : memref<16x128xf32, #tpu.memory_space<hbm>>) dst(%arg11 : memref<16x128xf32, #tpu.memory_space<vmem>>)
      %dma_wait3A_433 = arith.constant 0 : i32
      %dma_wait3A_434 = arith.constant 0 : i32
      %dma_wait3A_435 = tpu.memref_slice %arg3[%dma_wait3A_433, %dma_wait3A_434] : memref<16x1000000xf32, #tpu.memory_space<hbm>> -> memref<16x128xf32, #tpu.memory_space<hbm>>
      %dma_wait3A_436 = arith.constant 0 : i32
      %dma_wait3A_437 = arith.constant 0 : i32
      %dma_wait3A_438 = tpu.memref_slice %arg3[%dma_wait3A_436, %dma_wait3A_437] : memref<16x1000000xf32, #tpu.memory_space<hbm>> -> memref<16x128xf32, #tpu.memory_space<hbm>>
      tpu.wait_dma2 semaphore(%arg44 : memref<!tpu.dma_semaphore, #tpu.memory_space<semaphore_mem>>) src(%dma_wait3A_438 : memref<16x128xf32, #tpu.memory_space<hbm>>) dst(%arg27 : memref<16x128xf32, #tpu.memory_space<vmem>>)
      %slice3A_439 = vector.extract_strided_slice %and3A_380 {offsets = [2], sizes = [1], strides = [1]} : vector<16xi32> to vector<1xi32>
      %squeeze3A_440 = vector.extract %slice3A_439[0] : i32 from vector<1xi32>
      %broadcast_in_dim3A_441 = vector.broadcast %squeeze3A_440 : i32 to vector<16xi32>
      %slice3A_442 = vector.extract_strided_slice %and3A_383 {offsets = [2], sizes = [1], strides = [1]} : vector<16xi32> to vector<1xi32>
      %squeeze3A_443 = vector.extract %slice3A_442[0] : i32 from vector<1xi32>
      %broadcast_in_dim3A_444 = vector.broadcast %squeeze3A_443 : i32 to vector<16xi32>
      %gather3A_445 = tpu.vector_load_idx %arg11[%iota3A, %broadcast_in_dim3A_441] : memref<16x128xf32, #tpu.memory_space<vmem>>[vector<16xi32>, vector<16xi32>], vector<16xf32>,
      %gather3A_446 = tpu.vector_load_idx %arg27[%iota3A, %broadcast_in_dim3A_444] : memref<16x128xf32, #tpu.memory_space<vmem>>[vector<16xi32>, vector<16xi32>], vector<16xf32>,
      %mul3A_447 = arith.mulf %gather3A_445, %gather3A_446 : vector<16xf32>
      %add3A_448 = arith.addf %add3A_426, %mul3A_447 : vector<16xf32>
      %dma_wait3A_449 = arith.constant 0 : i32
      %dma_wait3A_450 = arith.constant 0 : i32
      %dma_wait3A_451 = tpu.memref_slice %arg2[%dma_wait3A_449, %dma_wait3A_450] : memref<16x1000000xf32, #tpu.memory_space<hbm>> -> memref<16x128xf32, #tpu.memory_space<hbm>>
      %dma_wait3A_452 = arith.constant 0 : i32
      %dma_wait3A_453 = arith.constant 0 : i32
      %dma_wait3A_454 = tpu.memref_slice %arg2[%dma_wait3A_452, %dma_wait3A_453] : memref<16x1000000xf32, #tpu.memory_space<hbm>> -> memref<16x128xf32, #tpu.memory_space<hbm>>
      tpu.wait_dma2 semaphore(%arg45 : memref<!tpu.dma_semaphore, #tpu.memory_space<semaphore_mem>>) src(%dma_wait3A_454 : memref<16x128xf32, #tpu.memory_space<hbm>>) dst(%arg12 : memref<16x128xf32, #tpu.memory_space<vmem>>)
      %dma_wait3A_455 = arith.constant 0 : i32
      %dma_wait3A_456 = arith.constant 0 : i32
      %dma_wait3A_457 = tpu.memref_slice %arg3[%dma_wait3A_455, %dma_wait3A_456] : memref<16x1000000xf32, #tpu.memory_space<hbm>> -> memref<16x128xf32, #tpu.memory_space<hbm>>
      %dma_wait3A_458 = arith.constant 0 : i32
      %dma_wait3A_459 = arith.constant 0 : i32
      %dma_wait3A_460 = tpu.memref_slice %arg3[%dma_wait3A_458, %dma_wait3A_459] : memref<16x1000000xf32, #tpu.memory_space<hbm>> -> memref<16x128xf32, #tpu.memory_space<hbm>>
      tpu.wait_dma2 semaphore(%arg45 : memref<!tpu.dma_semaphore, #tpu.memory_space<semaphore_mem>>) src(%dma_wait3A_460 : memref<16x128xf32, #tpu.memory_space<hbm>>) dst(%arg28 : memref<16x128xf32, #tpu.memory_space<vmem>>)
      %slice3A_461 = vector.extract_strided_slice %and3A_380 {offsets = [3], sizes = [1], strides = [1]} : vector<16xi32> to vector<1xi32>
      %squeeze3A_462 = vector.extract %slice3A_461[0] : i32 from vector<1xi32>
      %broadcast_in_dim3A_463 = vector.broadcast %squeeze3A_462 : i32 to vector<16xi32>
      %slice3A_464 = vector.extract_strided_slice %and3A_383 {offsets = [3], sizes = [1], strides = [1]} : vector<16xi32> to vector<1xi32>
      %squeeze3A_465 = vector.extract %slice3A_464[0] : i32 from vector<1xi32>
      %broadcast_in_dim3A_466 = vector.broadcast %squeeze3A_465 : i32 to vector<16xi32>
      %gather3A_467 = tpu.vector_load_idx %arg12[%iota3A, %broadcast_in_dim3A_463] : memref<16x128xf32, #tpu.memory_space<vmem>>[vector<16xi32>, vector<16xi32>], vector<16xf32>,
      %gather3A_468 = tpu.vector_load_idx %arg28[%iota3A, %broadcast_in_dim3A_466] : memref<16x128xf32, #tpu.memory_space<vmem>>[vector<16xi32>, vector<16xi32>], vector<16xf32>,
      %mul3A_469 = arith.mulf %gather3A_467, %gather3A_468 : vector<16xf32>
      %add3A_470 = arith.addf %add3A_448, %mul3A_469 : vector<16xf32>
      %dma_wait3A_471 = arith.constant 0 : i32
      %dma_wait3A_472 = arith.constant 0 : i32
      %dma_wait3A_473 = tpu.memref_slice %arg2[%dma_wait3A_471, %dma_wait3A_472] : memref<16x1000000xf32, #tpu.memory_space<hbm>> -> memref<16x128xf32, #tpu.memory_space<hbm>>
      %dma_wait3A_474 = arith.constant 0 : i32
      %dma_wait3A_475 = arith.constant 0 : i32
      %dma_wait3A_476 = tpu.memref_slice %arg2[%dma_wait3A_474, %dma_wait3A_475] : memref<16x1000000xf32, #tpu.memory_space<hbm>> -> memref<16x128xf32, #tpu.memory_space<hbm>>
      tpu.wait_dma2 semaphore(%arg46 : memref<!tpu.dma_semaphore, #tpu.memory_space<semaphore_mem>>) src(%dma_wait3A_476 : memref<16x128xf32, #tpu.memory_space<hbm>>) dst(%arg13 : memref<16x128xf32, #tpu.memory_space<vmem>>)
      %dma_wait3A_477 = arith.constant 0 : i32
      %dma_wait3A_478 = arith.constant 0 : i32
      %dma_wait3A_479 = tpu.memref_slice %arg3[%dma_wait3A_477, %dma_wait3A_478] : memref<16x1000000xf32, #tpu.memory_space<hbm>> -> memref<16x128xf32, #tpu.memory_space<hbm>>
      %dma_wait3A_480 = arith.constant 0 : i32
      %dma_wait3A_481 = arith.constant 0 : i32
      %dma_wait3A_482 = tpu.memref_slice %arg3[%dma_wait3A_480, %dma_wait3A_481] : memref<16x1000000xf32, #tpu.memory_space<hbm>> -> memref<16x128xf32, #tpu.memory_space<hbm>>
      tpu.wait_dma2 semaphore(%arg46 : memref<!tpu.dma_semaphore, #tpu.memory_space<semaphore_mem>>) src(%dma_wait3A_482 : memref<16x128xf32, #tpu.memory_space<hbm>>) dst(%arg29 : memref<16x128xf32, #tpu.memory_space<vmem>>)
      %slice3A_483 = vector.extract_strided_slice %and3A_380 {offsets = [4], sizes = [1], strides = [1]} : vector<16xi32> to vector<1xi32>
      %squeeze3A_484 = vector.extract %slice3A_483[0] : i32 from vector<1xi32>
      %broadcast_in_dim3A_485 = vector.broadcast %squeeze3A_484 : i32 to vector<16xi32>
      %slice3A_486 = vector.extract_strided_slice %and3A_383 {offsets = [4], sizes = [1], strides = [1]} : vector<16xi32> to vector<1xi32>
      %squeeze3A_487 = vector.extract %slice3A_486[0] : i32 from vector<1xi32>
      %broadcast_in_dim3A_488 = vector.broadcast %squeeze3A_487 : i32 to vector<16xi32>
      %gather3A_489 = tpu.vector_load_idx %arg13[%iota3A, %broadcast_in_dim3A_485] : memref<16x128xf32, #tpu.memory_space<vmem>>[vector<16xi32>, vector<16xi32>], vector<16xf32>,
      %gather3A_490 = tpu.vector_load_idx %arg29[%iota3A, %broadcast_in_dim3A_488] : memref<16x128xf32, #tpu.memory_space<vmem>>[vector<16xi32>, vector<16xi32>], vector<16xf32>,
      %mul3A_491 = arith.mulf %gather3A_489, %gather3A_490 : vector<16xf32>
      %add3A_492 = arith.addf %add3A_470, %mul3A_491 : vector<16xf32>
      %dma_wait3A_493 = arith.constant 0 : i32
      %dma_wait3A_494 = arith.constant 0 : i32
      %dma_wait3A_495 = tpu.memref_slice %arg2[%dma_wait3A_493, %dma_wait3A_494] : memref<16x1000000xf32, #tpu.memory_space<hbm>> -> memref<16x128xf32, #tpu.memory_space<hbm>>
      %dma_wait3A_496 = arith.constant 0 : i32
      %dma_wait3A_497 = arith.constant 0 : i32
      %dma_wait3A_498 = tpu.memref_slice %arg2[%dma_wait3A_496, %dma_wait3A_497] : memref<16x1000000xf32, #tpu.memory_space<hbm>> -> memref<16x128xf32, #tpu.memory_space<hbm>>
      tpu.wait_dma2 semaphore(%arg47 : memref<!tpu.dma_semaphore, #tpu.memory_space<semaphore_mem>>) src(%dma_wait3A_498 : memref<16x128xf32, #tpu.memory_space<hbm>>) dst(%arg14 : memref<16x128xf32, #tpu.memory_space<vmem>>)
      %dma_wait3A_499 = arith.constant 0 : i32
      %dma_wait3A_500 = arith.constant 0 : i32
      %dma_wait3A_501 = tpu.memref_slice %arg3[%dma_wait3A_499, %dma_wait3A_500] : memref<16x1000000xf32, #tpu.memory_space<hbm>> -> memref<16x128xf32, #tpu.memory_space<hbm>>
      %dma_wait3A_502 = arith.constant 0 : i32
      %dma_wait3A_503 = arith.constant 0 : i32
      %dma_wait3A_504 = tpu.memref_slice %arg3[%dma_wait3A_502, %dma_wait3A_503] : memref<16x1000000xf32, #tpu.memory_space<hbm>> -> memref<16x128xf32, #tpu.memory_space<hbm>>
      tpu.wait_dma2 semaphore(%arg47 : memref<!tpu.dma_semaphore, #tpu.memory_space<semaphore_mem>>) src(%dma_wait3A_504 : memref<16x128xf32, #tpu.memory_space<hbm>>) dst(%arg30 : memref<16x128xf32, #tpu.memory_space<vmem>>)
      %slice3A_505 = vector.extract_strided_slice %and3A_380 {offsets = [5], sizes = [1], strides = [1]} : vector<16xi32> to vector<1xi32>
      %squeeze3A_506 = vector.extract %slice3A_505[0] : i32 from vector<1xi32>
      %broadcast_in_dim3A_507 = vector.broadcast %squeeze3A_506 : i32 to vector<16xi32>
      %slice3A_508 = vector.extract_strided_slice %and3A_383 {offsets = [5], sizes = [1], strides = [1]} : vector<16xi32> to vector<1xi32>
      %squeeze3A_509 = vector.extract %slice3A_508[0] : i32 from vector<1xi32>
      %broadcast_in_dim3A_510 = vector.broadcast %squeeze3A_509 : i32 to vector<16xi32>
      %gather3A_511 = tpu.vector_load_idx %arg14[%iota3A, %broadcast_in_dim3A_507] : memref<16x128xf32, #tpu.memory_space<vmem>>[vector<16xi32>, vector<16xi32>], vector<16xf32>,
      %gather3A_512 = tpu.vector_load_idx %arg30[%iota3A, %broadcast_in_dim3A_510] : memref<16x128xf32, #tpu.memory_space<vmem>>[vector<16xi32>, vector<16xi32>], vector<16xf32>,
      %mul3A_513 = arith.mulf %gather3A_511, %gather3A_512 : vector<16xf32>
      %add3A_514 = arith.addf %add3A_492, %mul3A_513 : vector<16xf32>
      %dma_wait3A_515 = arith.constant 0 : i32
      %dma_wait3A_516 = arith.constant 0 : i32
      %dma_wait3A_517 = tpu.memref_slice %arg2[%dma_wait3A_515, %dma_wait3A_516] : memref<16x1000000xf32, #tpu.memory_space<hbm>> -> memref<16x128xf32, #tpu.memory_space<hbm>>
      %dma_wait3A_518 = arith.constant 0 : i32
      %dma_wait3A_519 = arith.constant 0 : i32
      %dma_wait3A_520 = tpu.memref_slice %arg2[%dma_wait3A_518, %dma_wait3A_519] : memref<16x1000000xf32, #tpu.memory_space<hbm>> -> memref<16x128xf32, #tpu.memory_space<hbm>>
      tpu.wait_dma2 semaphore(%arg48 : memref<!tpu.dma_semaphore, #tpu.memory_space<semaphore_mem>>) src(%dma_wait3A_520 : memref<16x128xf32, #tpu.memory_space<hbm>>) dst(%arg15 : memref<16x128xf32, #tpu.memory_space<vmem>>)
      %dma_wait3A_521 = arith.constant 0 : i32
      %dma_wait3A_522 = arith.constant 0 : i32
      %dma_wait3A_523 = tpu.memref_slice %arg3[%dma_wait3A_521, %dma_wait3A_522] : memref<16x1000000xf32, #tpu.memory_space<hbm>> -> memref<16x128xf32, #tpu.memory_space<hbm>>
      %dma_wait3A_524 = arith.constant 0 : i32
      %dma_wait3A_525 = arith.constant 0 : i32
      %dma_wait3A_526 = tpu.memref_slice %arg3[%dma_wait3A_524, %dma_wait3A_525] : memref<16x1000000xf32, #tpu.memory_space<hbm>> -> memref<16x128xf32, #tpu.memory_space<hbm>>
      tpu.wait_dma2 semaphore(%arg48 : memref<!tpu.dma_semaphore, #tpu.memory_space<semaphore_mem>>) src(%dma_wait3A_526 : memref<16x128xf32, #tpu.memory_space<hbm>>) dst(%arg31 : memref<16x128xf32, #tpu.memory_space<vmem>>)
      %slice3A_527 = vector.extract_strided_slice %and3A_380 {offsets = [6], sizes = [1], strides = [1]} : vector<16xi32> to vector<1xi32>
      %squeeze3A_528 = vector.extract %slice3A_527[0] : i32 from vector<1xi32>
      %broadcast_in_dim3A_529 = vector.broadcast %squeeze3A_528 : i32 to vector<16xi32>
      %slice3A_530 = vector.extract_strided_slice %and3A_383 {offsets = [6], sizes = [1], strides = [1]} : vector<16xi32> to vector<1xi32>
      %squeeze3A_531 = vector.extract %slice3A_530[0] : i32 from vector<1xi32>
      %broadcast_in_dim3A_532 = vector.broadcast %squeeze3A_531 : i32 to vector<16xi32>
      %gather3A_533 = tpu.vector_load_idx %arg15[%iota3A, %broadcast_in_dim3A_529] : memref<16x128xf32, #tpu.memory_space<vmem>>[vector<16xi32>, vector<16xi32>], vector<16xf32>,
      %gather3A_534 = tpu.vector_load_idx %arg31[%iota3A, %broadcast_in_dim3A_532] : memref<16x128xf32, #tpu.memory_space<vmem>>[vector<16xi32>, vector<16xi32>], vector<16xf32>,
      %mul3A_535 = arith.mulf %gather3A_533, %gather3A_534 : vector<16xf32>
      %add3A_536 = arith.addf %add3A_514, %mul3A_535 : vector<16xf32>
      %dma_wait3A_537 = arith.constant 0 : i32
      %dma_wait3A_538 = arith.constant 0 : i32
      %dma_wait3A_539 = tpu.memref_slice %arg2[%dma_wait3A_537, %dma_wait3A_538] : memref<16x1000000xf32, #tpu.memory_space<hbm>> -> memref<16x128xf32, #tpu.memory_space<hbm>>
      %dma_wait3A_540 = arith.constant 0 : i32
      %dma_wait3A_541 = arith.constant 0 : i32
      %dma_wait3A_542 = tpu.memref_slice %arg2[%dma_wait3A_540, %dma_wait3A_541] : memref<16x1000000xf32, #tpu.memory_space<hbm>> -> memref<16x128xf32, #tpu.memory_space<hbm>>
      tpu.wait_dma2 semaphore(%arg49 : memref<!tpu.dma_semaphore, #tpu.memory_space<semaphore_mem>>) src(%dma_wait3A_542 : memref<16x128xf32, #tpu.memory_space<hbm>>) dst(%arg16 : memref<16x128xf32, #tpu.memory_space<vmem>>)
      %dma_wait3A_543 = arith.constant 0 : i32
      %dma_wait3A_544 = arith.constant 0 : i32
      %dma_wait3A_545 = tpu.memref_slice %arg3[%dma_wait3A_543, %dma_wait3A_544] : memref<16x1000000xf32, #tpu.memory_space<hbm>> -> memref<16x128xf32, #tpu.memory_space<hbm>>
      %dma_wait3A_546 = arith.constant 0 : i32
      %dma_wait3A_547 = arith.constant 0 : i32
      %dma_wait3A_548 = tpu.memref_slice %arg3[%dma_wait3A_546, %dma_wait3A_547] : memref<16x1000000xf32, #tpu.memory_space<hbm>> -> memref<16x128xf32, #tpu.memory_space<hbm>>
      tpu.wait_dma2 semaphore(%arg49 : memref<!tpu.dma_semaphore, #tpu.memory_space<semaphore_mem>>) src(%dma_wait3A_548 : memref<16x128xf32, #tpu.memory_space<hbm>>) dst(%arg32 : memref<16x128xf32, #tpu.memory_space<vmem>>)
      %slice3A_549 = vector.extract_strided_slice %and3A_380 {offsets = [7], sizes = [1], strides = [1]} : vector<16xi32> to vector<1xi32>
      %squeeze3A_550 = vector.extract %slice3A_549[0] : i32 from vector<1xi32>
      %broadcast_in_dim3A_551 = vector.broadcast %squeeze3A_550 : i32 to vector<16xi32>
      %slice3A_552 = vector.extract_strided_slice %and3A_383 {offsets = [7], sizes = [1], strides = [1]} : vector<16xi32> to vector<1xi32>
      %squeeze3A_553 = vector.extract %slice3A_552[0] : i32 from vector<1xi32>
      %broadcast_in_dim3A_554 = vector.broadcast %squeeze3A_553 : i32 to vector<16xi32>
      %gather3A_555 = tpu.vector_load_idx %arg16[%iota3A, %broadcast_in_dim3A_551] : memref<16x128xf32, #tpu.memory_space<vmem>>[vector<16xi32>, vector<16xi32>], vector<16xf32>,
      %gather3A_556 = tpu.vector_load_idx %arg32[%iota3A, %broadcast_in_dim3A_554] : memref<16x128xf32, #tpu.memory_space<vmem>>[vector<16xi32>, vector<16xi32>], vector<16xf32>,
      %mul3A_557 = arith.mulf %gather3A_555, %gather3A_556 : vector<16xf32>
      %add3A_558 = arith.addf %add3A_536, %mul3A_557 : vector<16xf32>
      %lt3A = arith.constant 31 : i32
      %lt3A_559 = arith.cmpi slt, %scan3A_369, %lt3A : i32
      %convert_element_type3A = arith.extui %lt3A_559 : i1 to i32
      %cond3A = arith.constant 0 : i32
      %cond3A_560 = arith.cmpi ne, %convert_element_type3A, %cond3A : i32
      scf.if %cond3A_560 {
        %add3A_754 = arith.constant 16 : i32
        %add3A_755 = arith.addi %mul3A_374, %add3A_754 : i32
        %broadcast_in_dim3A_756 = vector.broadcast %add3A_755 : i32 to vector<16xi32>
        %add3A_757 = arith.addi %iota3A, %broadcast_in_dim3A_756 : vector<16xi32>
        %gather3A_758 = tpu.vector_load_idx %arg7[%add3A_757] : memref<528xi32, #tpu.memory_space<vmem>>[vector<16xi32>], vector<16xi32>,
        %gather3A_759 = tpu.vector_load_idx %arg8[%add3A_757] : memref<528xi32, #tpu.memory_space<vmem>>[vector<16xi32>], vector<16xi32>,
        %slice3A_760 = vector.extract_strided_slice %gather3A_758 {offsets = [0], sizes = [1], strides = [1]} : vector<16xi32> to vector<1xi32>
        %squeeze3A_761 = vector.extract %slice3A_760[0] : i32 from vector<1xi32>
        %shift_right_arithmetic3A_762 = arith.constant 7 : i32
        %shift_right_arithmetic3A_763 = arith.shrsi %squeeze3A_761, %shift_right_arithmetic3A_762 : i32
        %mul3A_764 = arith.constant 128 : i32
        %mul3A_765 = arith.muli %shift_right_arithmetic3A_763, %mul3A_764 : i32
        %multiple_of3A_766 = tpu.assume_multiple %mul3A_765, 128 : i32
        %slice3A_767 = vector.extract_strided_slice %gather3A_759 {offsets = [0], sizes = [1], strides = [1]} : vector<16xi32> to vector<1xi32>
        %squeeze3A_768 = vector.extract %slice3A_767[0] : i32 from vector<1xi32>
        %shift_right_arithmetic3A_769 = arith.constant 7 : i32
        %shift_right_arithmetic3A_770 = arith.shrsi %squeeze3A_768, %shift_right_arithmetic3A_769 : i32
        %mul3A_771 = arith.constant 128 : i32
        %mul3A_772 = arith.muli %shift_right_arithmetic3A_770, %mul3A_771 : i32
        %multiple_of3A_773 = tpu.assume_multiple %mul3A_772, 128 : i32
        %dma_start3A_774 = arith.constant 0 : i32
        %dma_start3A_775 = tpu.memref_slice %arg2[%dma_start3A_774, %multiple_of3A_766] : memref<16x1000000xf32, #tpu.memory_space<hbm>> -> memref<16x128xf32, #tpu.memory_space<hbm>>
        %dma_start3A_776 = arith.constant 0 : i32
        %dma_start3A_777 = tpu.memref_slice %arg2[%dma_start3A_776, %multiple_of3A_766] : memref<16x1000000xf32, #tpu.memory_space<hbm>> -> memref<16x128xf32, #tpu.memory_space<hbm>>
        tpu.enqueue_dma source(%dma_start3A_777 : memref<16x128xf32, #tpu.memory_space<hbm>>) target(%arg9 : memref<16x128xf32, #tpu.memory_space<vmem>>) target_semaphore(%arg42 : memref<!tpu.dma_semaphore, #tpu.memory_space<semaphore_mem>>)
        %dma_start3A_778 = arith.constant 0 : i32
        %dma_start3A_779 = tpu.memref_slice %arg3[%dma_start3A_778, %multiple_of3A_773] : memref<16x1000000xf32, #tpu.memory_space<hbm>> -> memref<16x128xf32, #tpu.memory_space<hbm>>
        %dma_start3A_780 = arith.constant 0 : i32
        %dma_start3A_781 = tpu.memref_slice %arg3[%dma_start3A_780, %multiple_of3A_773] : memref<16x1000000xf32, #tpu.memory_space<hbm>> -> memref<16x128xf32, #tpu.memory_space<hbm>>
        tpu.enqueue_dma source(%dma_start3A_781 : memref<16x128xf32, #tpu.memory_space<hbm>>) target(%arg25 : memref<16x128xf32, #tpu.memory_space<vmem>>) target_semaphore(%arg42 : memref<!tpu.dma_semaphore, #tpu.memory_space<semaphore_mem>>)
        %slice3A_782 = vector.extract_strided_slice %gather3A_758 {offsets = [1], sizes = [1], strides = [1]} : vector<16xi32> to vector<1xi32>
        %squeeze3A_783 = vector.extract %slice3A_782[0] : i32 from vector<1xi32>
        %shift_right_arithmetic3A_784 = arith.constant 7 : i32
        %shift_right_arithmetic3A_785 = arith.shrsi %squeeze3A_783, %shift_right_arithmetic3A_784 : i32
        %mul3A_786 = arith.constant 128 : i32
        %mul3A_787 = arith.muli %shift_right_arithmetic3A_785, %mul3A_786 : i32
        %multiple_of3A_788 = tpu.assume_multiple %mul3A_787, 128 : i32
        %slice3A_789 = vector.extract_strided_slice %gather3A_759 {offsets = [1], sizes = [1], strides = [1]} : vector<16xi32> to vector<1xi32>
        %squeeze3A_790 = vector.extract %slice3A_789[0] : i32 from vector<1xi32>
        %shift_right_arithmetic3A_791 = arith.constant 7 : i32
        %shift_right_arithmetic3A_792 = arith.shrsi %squeeze3A_790, %shift_right_arithmetic3A_791 : i32
        %mul3A_793 = arith.constant 128 : i32
        %mul3A_794 = arith.muli %shift_right_arithmetic3A_792, %mul3A_793 : i32
        %multiple_of3A_795 = tpu.assume_multiple %mul3A_794, 128 : i32
        %dma_start3A_796 = arith.constant 0 : i32
        %dma_start3A_797 = tpu.memref_slice %arg2[%dma_start3A_796, %multiple_of3A_788] : memref<16x1000000xf32, #tpu.memory_space<hbm>> -> memref<16x128xf32, #tpu.memory_space<hbm>>
        %dma_start3A_798 = arith.constant 0 : i32
        %dma_start3A_799 = tpu.memref_slice %arg2[%dma_start3A_798, %multiple_of3A_788] : memref<16x1000000xf32, #tpu.memory_space<hbm>> -> memref<16x128xf32, #tpu.memory_space<hbm>>
        tpu.enqueue_dma source(%dma_start3A_799 : memref<16x128xf32, #tpu.memory_space<hbm>>) target(%arg10 : memref<16x128xf32, #tpu.memory_space<vmem>>) target_semaphore(%arg43 : memref<!tpu.dma_semaphore, #tpu.memory_space<semaphore_mem>>)
        %dma_start3A_800 = arith.constant 0 : i32
        %dma_start3A_801 = tpu.memref_slice %arg3[%dma_start3A_800, %multiple_of3A_795] : memref<16x1000000xf32, #tpu.memory_space<hbm>> -> memref<16x128xf32, #tpu.memory_space<hbm>>
        %dma_start3A_802 = arith.constant 0 : i32
        %dma_start3A_803 = tpu.memref_slice %arg3[%dma_start3A_802, %multiple_of3A_795] : memref<16x1000000xf32, #tpu.memory_space<hbm>> -> memref<16x128xf32, #tpu.memory_space<hbm>>
        tpu.enqueue_dma source(%dma_start3A_803 : memref<16x128xf32, #tpu.memory_space<hbm>>) target(%arg26 : memref<16x128xf32, #tpu.memory_space<vmem>>) target_semaphore(%arg43 : memref<!tpu.dma_semaphore, #tpu.memory_space<semaphore_mem>>)
        %slice3A_804 = vector.extract_strided_slice %gather3A_758 {offsets = [2], sizes = [1], strides = [1]} : vector<16xi32> to vector<1xi32>
        %squeeze3A_805 = vector.extract %slice3A_804[0] : i32 from vector<1xi32>
        %shift_right_arithmetic3A_806 = arith.constant 7 : i32
        %shift_right_arithmetic3A_807 = arith.shrsi %squeeze3A_805, %shift_right_arithmetic3A_806 : i32
        %mul3A_808 = arith.constant 128 : i32
        %mul3A_809 = arith.muli %shift_right_arithmetic3A_807, %mul3A_808 : i32
        %multiple_of3A_810 = tpu.assume_multiple %mul3A_809, 128 : i32
        %slice3A_811 = vector.extract_strided_slice %gather3A_759 {offsets = [2], sizes = [1], strides = [1]} : vector<16xi32> to vector<1xi32>
        %squeeze3A_812 = vector.extract %slice3A_811[0] : i32 from vector<1xi32>
        %shift_right_arithmetic3A_813 = arith.constant 7 : i32
        %shift_right_arithmetic3A_814 = arith.shrsi %squeeze3A_812, %shift_right_arithmetic3A_813 : i32
        %mul3A_815 = arith.constant 128 : i32
        %mul3A_816 = arith.muli %shift_right_arithmetic3A_814, %mul3A_815 : i32
        %multiple_of3A_817 = tpu.assume_multiple %mul3A_816, 128 : i32
        %dma_start3A_818 = arith.constant 0 : i32
        %dma_start3A_819 = tpu.memref_slice %arg2[%dma_start3A_818, %multiple_of3A_810] : memref<16x1000000xf32, #tpu.memory_space<hbm>> -> memref<16x128xf32, #tpu.memory_space<hbm>>
        %dma_start3A_820 = arith.constant 0 : i32
        %dma_start3A_821 = tpu.memref_slice %arg2[%dma_start3A_820, %multiple_of3A_810] : memref<16x1000000xf32, #tpu.memory_space<hbm>> -> memref<16x128xf32, #tpu.memory_space<hbm>>
        tpu.enqueue_dma source(%dma_start3A_821 : memref<16x128xf32, #tpu.memory_space<hbm>>) target(%arg11 : memref<16x128xf32, #tpu.memory_space<vmem>>) target_semaphore(%arg44 : memref<!tpu.dma_semaphore, #tpu.memory_space<semaphore_mem>>)
        %dma_start3A_822 = arith.constant 0 : i32
        %dma_start3A_823 = tpu.memref_slice %arg3[%dma_start3A_822, %multiple_of3A_817] : memref<16x1000000xf32, #tpu.memory_space<hbm>> -> memref<16x128xf32, #tpu.memory_space<hbm>>
        %dma_start3A_824 = arith.constant 0 : i32
        %dma_start3A_825 = tpu.memref_slice %arg3[%dma_start3A_824, %multiple_of3A_817] : memref<16x1000000xf32, #tpu.memory_space<hbm>> -> memref<16x128xf32, #tpu.memory_space<hbm>>
        tpu.enqueue_dma source(%dma_start3A_825 : memref<16x128xf32, #tpu.memory_space<hbm>>) target(%arg27 : memref<16x128xf32, #tpu.memory_space<vmem>>) target_semaphore(%arg44 : memref<!tpu.dma_semaphore, #tpu.memory_space<semaphore_mem>>)
        %slice3A_826 = vector.extract_strided_slice %gather3A_758 {offsets = [3], sizes = [1], strides = [1]} : vector<16xi32> to vector<1xi32>
        %squeeze3A_827 = vector.extract %slice3A_826[0] : i32 from vector<1xi32>
        %shift_right_arithmetic3A_828 = arith.constant 7 : i32
        %shift_right_arithmetic3A_829 = arith.shrsi %squeeze3A_827, %shift_right_arithmetic3A_828 : i32
        %mul3A_830 = arith.constant 128 : i32
        %mul3A_831 = arith.muli %shift_right_arithmetic3A_829, %mul3A_830 : i32
        %multiple_of3A_832 = tpu.assume_multiple %mul3A_831, 128 : i32
        %slice3A_833 = vector.extract_strided_slice %gather3A_759 {offsets = [3], sizes = [1], strides = [1]} : vector<16xi32> to vector<1xi32>
        %squeeze3A_834 = vector.extract %slice3A_833[0] : i32 from vector<1xi32>
        %shift_right_arithmetic3A_835 = arith.constant 7 : i32
        %shift_right_arithmetic3A_836 = arith.shrsi %squeeze3A_834, %shift_right_arithmetic3A_835 : i32
        %mul3A_837 = arith.constant 128 : i32
        %mul3A_838 = arith.muli %shift_right_arithmetic3A_836, %mul3A_837 : i32
        %multiple_of3A_839 = tpu.assume_multiple %mul3A_838, 128 : i32
        %dma_start3A_840 = arith.constant 0 : i32
        %dma_start3A_841 = tpu.memref_slice %arg2[%dma_start3A_840, %multiple_of3A_832] : memref<16x1000000xf32, #tpu.memory_space<hbm>> -> memref<16x128xf32, #tpu.memory_space<hbm>>
        %dma_start3A_842 = arith.constant 0 : i32
        %dma_start3A_843 = tpu.memref_slice %arg2[%dma_start3A_842, %multiple_of3A_832] : memref<16x1000000xf32, #tpu.memory_space<hbm>> -> memref<16x128xf32, #tpu.memory_space<hbm>>
        tpu.enqueue_dma source(%dma_start3A_843 : memref<16x128xf32, #tpu.memory_space<hbm>>) target(%arg12 : memref<16x128xf32, #tpu.memory_space<vmem>>) target_semaphore(%arg45 : memref<!tpu.dma_semaphore, #tpu.memory_space<semaphore_mem>>)
        %dma_start3A_844 = arith.constant 0 : i32
        %dma_start3A_845 = tpu.memref_slice %arg3[%dma_start3A_844, %multiple_of3A_839] : memref<16x1000000xf32, #tpu.memory_space<hbm>> -> memref<16x128xf32, #tpu.memory_space<hbm>>
        %dma_start3A_846 = arith.constant 0 : i32
        %dma_start3A_847 = tpu.memref_slice %arg3[%dma_start3A_846, %multiple_of3A_839] : memref<16x1000000xf32, #tpu.memory_space<hbm>> -> memref<16x128xf32, #tpu.memory_space<hbm>>
        tpu.enqueue_dma source(%dma_start3A_847 : memref<16x128xf32, #tpu.memory_space<hbm>>) target(%arg28 : memref<16x128xf32, #tpu.memory_space<vmem>>) target_semaphore(%arg45 : memref<!tpu.dma_semaphore, #tpu.memory_space<semaphore_mem>>)
        %slice3A_848 = vector.extract_strided_slice %gather3A_758 {offsets = [4], sizes = [1], strides = [1]} : vector<16xi32> to vector<1xi32>
        %squeeze3A_849 = vector.extract %slice3A_848[0] : i32 from vector<1xi32>
        %shift_right_arithmetic3A_850 = arith.constant 7 : i32
        %shift_right_arithmetic3A_851 = arith.shrsi %squeeze3A_849, %shift_right_arithmetic3A_850 : i32
        %mul3A_852 = arith.constant 128 : i32
        %mul3A_853 = arith.muli %shift_right_arithmetic3A_851, %mul3A_852 : i32
        %multiple_of3A_854 = tpu.assume_multiple %mul3A_853, 128 : i32
        %slice3A_855 = vector.extract_strided_slice %gather3A_759 {offsets = [4], sizes = [1], strides = [1]} : vector<16xi32> to vector<1xi32>
        %squeeze3A_856 = vector.extract %slice3A_855[0] : i32 from vector<1xi32>
        %shift_right_arithmetic3A_857 = arith.constant 7 : i32
        %shift_right_arithmetic3A_858 = arith.shrsi %squeeze3A_856, %shift_right_arithmetic3A_857 : i32
        %mul3A_859 = arith.constant 128 : i32
        %mul3A_860 = arith.muli %shift_right_arithmetic3A_858, %mul3A_859 : i32
        %multiple_of3A_861 = tpu.assume_multiple %mul3A_860, 128 : i32
        %dma_start3A_862 = arith.constant 0 : i32
        %dma_start3A_863 = tpu.memref_slice %arg2[%dma_start3A_862, %multiple_of3A_854] : memref<16x1000000xf32, #tpu.memory_space<hbm>> -> memref<16x128xf32, #tpu.memory_space<hbm>>
        %dma_start3A_864 = arith.constant 0 : i32
        %dma_start3A_865 = tpu.memref_slice %arg2[%dma_start3A_864, %multiple_of3A_854] : memref<16x1000000xf32, #tpu.memory_space<hbm>> -> memref<16x128xf32, #tpu.memory_space<hbm>>
        tpu.enqueue_dma source(%dma_start3A_865 : memref<16x128xf32, #tpu.memory_space<hbm>>) target(%arg13 : memref<16x128xf32, #tpu.memory_space<vmem>>) target_semaphore(%arg46 : memref<!tpu.dma_semaphore, #tpu.memory_space<semaphore_mem>>)
        %dma_start3A_866 = arith.constant 0 : i32
        %dma_start3A_867 = tpu.memref_slice %arg3[%dma_start3A_866, %multiple_of3A_861] : memref<16x1000000xf32, #tpu.memory_space<hbm>> -> memref<16x128xf32, #tpu.memory_space<hbm>>
        %dma_start3A_868 = arith.constant 0 : i32
        %dma_start3A_869 = tpu.memref_slice %arg3[%dma_start3A_868, %multiple_of3A_861] : memref<16x1000000xf32, #tpu.memory_space<hbm>> -> memref<16x128xf32, #tpu.memory_space<hbm>>
        tpu.enqueue_dma source(%dma_start3A_869 : memref<16x128xf32, #tpu.memory_space<hbm>>) target(%arg29 : memref<16x128xf32, #tpu.memory_space<vmem>>) target_semaphore(%arg46 : memref<!tpu.dma_semaphore, #tpu.memory_space<semaphore_mem>>)
        %slice3A_870 = vector.extract_strided_slice %gather3A_758 {offsets = [5], sizes = [1], strides = [1]} : vector<16xi32> to vector<1xi32>
        %squeeze3A_871 = vector.extract %slice3A_870[0] : i32 from vector<1xi32>
        %shift_right_arithmetic3A_872 = arith.constant 7 : i32
        %shift_right_arithmetic3A_873 = arith.shrsi %squeeze3A_871, %shift_right_arithmetic3A_872 : i32
        %mul3A_874 = arith.constant 128 : i32
        %mul3A_875 = arith.muli %shift_right_arithmetic3A_873, %mul3A_874 : i32
        %multiple_of3A_876 = tpu.assume_multiple %mul3A_875, 128 : i32
        %slice3A_877 = vector.extract_strided_slice %gather3A_759 {offsets = [5], sizes = [1], strides = [1]} : vector<16xi32> to vector<1xi32>
        %squeeze3A_878 = vector.extract %slice3A_877[0] : i32 from vector<1xi32>
        %shift_right_arithmetic3A_879 = arith.constant 7 : i32
        %shift_right_arithmetic3A_880 = arith.shrsi %squeeze3A_878, %shift_right_arithmetic3A_879 : i32
        %mul3A_881 = arith.constant 128 : i32
        %mul3A_882 = arith.muli %shift_right_arithmetic3A_880, %mul3A_881 : i32
        %multiple_of3A_883 = tpu.assume_multiple %mul3A_882, 128 : i32
        %dma_start3A_884 = arith.constant 0 : i32
        %dma_start3A_885 = tpu.memref_slice %arg2[%dma_start3A_884, %multiple_of3A_876] : memref<16x1000000xf32, #tpu.memory_space<hbm>> -> memref<16x128xf32, #tpu.memory_space<hbm>>
        %dma_start3A_886 = arith.constant 0 : i32
        %dma_start3A_887 = tpu.memref_slice %arg2[%dma_start3A_886, %multiple_of3A_876] : memref<16x1000000xf32, #tpu.memory_space<hbm>> -> memref<16x128xf32, #tpu.memory_space<hbm>>
        tpu.enqueue_dma source(%dma_start3A_887 : memref<16x128xf32, #tpu.memory_space<hbm>>) target(%arg14 : memref<16x128xf32, #tpu.memory_space<vmem>>) target_semaphore(%arg47 : memref<!tpu.dma_semaphore, #tpu.memory_space<semaphore_mem>>)
        %dma_start3A_888 = arith.constant 0 : i32
        %dma_start3A_889 = tpu.memref_slice %arg3[%dma_start3A_888, %multiple_of3A_883] : memref<16x1000000xf32, #tpu.memory_space<hbm>> -> memref<16x128xf32, #tpu.memory_space<hbm>>
        %dma_start3A_890 = arith.constant 0 : i32
        %dma_start3A_891 = tpu.memref_slice %arg3[%dma_start3A_890, %multiple_of3A_883] : memref<16x1000000xf32, #tpu.memory_space<hbm>> -> memref<16x128xf32, #tpu.memory_space<hbm>>
        tpu.enqueue_dma source(%dma_start3A_891 : memref<16x128xf32, #tpu.memory_space<hbm>>) target(%arg30 : memref<16x128xf32, #tpu.memory_space<vmem>>) target_semaphore(%arg47 : memref<!tpu.dma_semaphore, #tpu.memory_space<semaphore_mem>>)
        %slice3A_892 = vector.extract_strided_slice %gather3A_758 {offsets = [6], sizes = [1], strides = [1]} : vector<16xi32> to vector<1xi32>
        %squeeze3A_893 = vector.extract %slice3A_892[0] : i32 from vector<1xi32>
        %shift_right_arithmetic3A_894 = arith.constant 7 : i32
        %shift_right_arithmetic3A_895 = arith.shrsi %squeeze3A_893, %shift_right_arithmetic3A_894 : i32
        %mul3A_896 = arith.constant 128 : i32
        %mul3A_897 = arith.muli %shift_right_arithmetic3A_895, %mul3A_896 : i32
        %multiple_of3A_898 = tpu.assume_multiple %mul3A_897, 128 : i32
        %slice3A_899 = vector.extract_strided_slice %gather3A_759 {offsets = [6], sizes = [1], strides = [1]} : vector<16xi32> to vector<1xi32>
        %squeeze3A_900 = vector.extract %slice3A_899[0] : i32 from vector<1xi32>
        %shift_right_arithmetic3A_901 = arith.constant 7 : i32
        %shift_right_arithmetic3A_902 = arith.shrsi %squeeze3A_900, %shift_right_arithmetic3A_901 : i32
        %mul3A_903 = arith.constant 128 : i32
        %mul3A_904 = arith.muli %shift_right_arithmetic3A_902, %mul3A_903 : i32
        %multiple_of3A_905 = tpu.assume_multiple %mul3A_904, 128 : i32
        %dma_start3A_906 = arith.constant 0 : i32
        %dma_start3A_907 = tpu.memref_slice %arg2[%dma_start3A_906, %multiple_of3A_898] : memref<16x1000000xf32, #tpu.memory_space<hbm>> -> memref<16x128xf32, #tpu.memory_space<hbm>>
        %dma_start3A_908 = arith.constant 0 : i32
        %dma_start3A_909 = tpu.memref_slice %arg2[%dma_start3A_908, %multiple_of3A_898] : memref<16x1000000xf32, #tpu.memory_space<hbm>> -> memref<16x128xf32, #tpu.memory_space<hbm>>
        tpu.enqueue_dma source(%dma_start3A_909 : memref<16x128xf32, #tpu.memory_space<hbm>>) target(%arg15 : memref<16x128xf32, #tpu.memory_space<vmem>>) target_semaphore(%arg48 : memref<!tpu.dma_semaphore, #tpu.memory_space<semaphore_mem>>)
        %dma_start3A_910 = arith.constant 0 : i32
        %dma_start3A_911 = tpu.memref_slice %arg3[%dma_start3A_910, %multiple_of3A_905] : memref<16x1000000xf32, #tpu.memory_space<hbm>> -> memref<16x128xf32, #tpu.memory_space<hbm>>
        %dma_start3A_912 = arith.constant 0 : i32
        %dma_start3A_913 = tpu.memref_slice %arg3[%dma_start3A_912, %multiple_of3A_905] : memref<16x1000000xf32, #tpu.memory_space<hbm>> -> memref<16x128xf32, #tpu.memory_space<hbm>>
        tpu.enqueue_dma source(%dma_start3A_913 : memref<16x128xf32, #tpu.memory_space<hbm>>) target(%arg31 : memref<16x128xf32, #tpu.memory_space<vmem>>) target_semaphore(%arg48 : memref<!tpu.dma_semaphore, #tpu.memory_space<semaphore_mem>>)
        %slice3A_914 = vector.extract_strided_slice %gather3A_758 {offsets = [7], sizes = [1], strides = [1]} : vector<16xi32> to vector<1xi32>
        %squeeze3A_915 = vector.extract %slice3A_914[0] : i32 from vector<1xi32>
        %shift_right_arithmetic3A_916 = arith.constant 7 : i32
        %shift_right_arithmetic3A_917 = arith.shrsi %squeeze3A_915, %shift_right_arithmetic3A_916 : i32
        %mul3A_918 = arith.constant 128 : i32
        %mul3A_919 = arith.muli %shift_right_arithmetic3A_917, %mul3A_918 : i32
        %multiple_of3A_920 = tpu.assume_multiple %mul3A_919, 128 : i32
        %slice3A_921 = vector.extract_strided_slice %gather3A_759 {offsets = [7], sizes = [1], strides = [1]} : vector<16xi32> to vector<1xi32>
        %squeeze3A_922 = vector.extract %slice3A_921[0] : i32 from vector<1xi32>
        %shift_right_arithmetic3A_923 = arith.constant 7 : i32
        %shift_right_arithmetic3A_924 = arith.shrsi %squeeze3A_922, %shift_right_arithmetic3A_923 : i32
        %mul3A_925 = arith.constant 128 : i32
        %mul3A_926 = arith.muli %shift_right_arithmetic3A_924, %mul3A_925 : i32
        %multiple_of3A_927 = tpu.assume_multiple %mul3A_926, 128 : i32
        %dma_start3A_928 = arith.constant 0 : i32
        %dma_start3A_929 = tpu.memref_slice %arg2[%dma_start3A_928, %multiple_of3A_920] : memref<16x1000000xf32, #tpu.memory_space<hbm>> -> memref<16x128xf32, #tpu.memory_space<hbm>>
        %dma_start3A_930 = arith.constant 0 : i32
        %dma_start3A_931 = tpu.memref_slice %arg2[%dma_start3A_930, %multiple_of3A_920] : memref<16x1000000xf32, #tpu.memory_space<hbm>> -> memref<16x128xf32, #tpu.memory_space<hbm>>
        tpu.enqueue_dma source(%dma_start3A_931 : memref<16x128xf32, #tpu.memory_space<hbm>>) target(%arg16 : memref<16x128xf32, #tpu.memory_space<vmem>>) target_semaphore(%arg49 : memref<!tpu.dma_semaphore, #tpu.memory_space<semaphore_mem>>)
        %dma_start3A_932 = arith.constant 0 : i32
        %dma_start3A_933 = tpu.memref_slice %arg3[%dma_start3A_932, %multiple_of3A_927] : memref<16x1000000xf32, #tpu.memory_space<hbm>> -> memref<16x128xf32, #tpu.memory_space<hbm>>
        %dma_start3A_934 = arith.constant 0 : i32
        %dma_start3A_935 = tpu.memref_slice %arg3[%dma_start3A_934, %multiple_of3A_927] : memref<16x1000000xf32, #tpu.memory_space<hbm>> -> memref<16x128xf32, #tpu.memory_space<hbm>>
        tpu.enqueue_dma source(%dma_start3A_935 : memref<16x128xf32, #tpu.memory_space<hbm>>) target(%arg32 : memref<16x128xf32, #tpu.memory_space<vmem>>) target_semaphore(%arg49 : memref<!tpu.dma_semaphore, #tpu.memory_space<semaphore_mem>>)
      } else {
      }
      %add3A_561 = arith.constant 8 : i32
      %add3A_562 = arith.addi %mul3A_374, %add3A_561 : i32
      %broadcast_in_dim3A_563 = vector.broadcast %add3A_562 : i32 to vector<16xi32>
      %add3A_564 = arith.addi %iota3A, %broadcast_in_dim3A_563 : vector<16xi32>
      %gather3A_565 = tpu.vector_load_idx %arg7[%add3A_564] : memref<528xi32, #tpu.memory_space<vmem>>[vector<16xi32>], vector<16xi32>,
      %gather3A_566 = tpu.vector_load_idx %arg8[%add3A_564] : memref<528xi32, #tpu.memory_space<vmem>>[vector<16xi32>], vector<16xi32>,
      %and3A_567 = arith.constant 127 : i32
      %and3A_568 = vector.broadcast %and3A_567 : i32 to vector<16xi32>
      %and3A_569 = arith.andi %gather3A_565, %and3A_568 : vector<16xi32>
      %and3A_570 = arith.constant 127 : i32
      %and3A_571 = vector.broadcast %and3A_570 : i32 to vector<16xi32>
      %and3A_572 = arith.andi %gather3A_566, %and3A_571 : vector<16xi32>
      %dma_wait3A_573 = arith.constant 0 : i32
      %dma_wait3A_574 = arith.constant 0 : i32
      %dma_wait3A_575 = tpu.memref_slice %arg2[%dma_wait3A_573, %dma_wait3A_574] : memref<16x1000000xf32, #tpu.memory_space<hbm>> -> memref<16x128xf32, #tpu.memory_space<hbm>>
      %dma_wait3A_576 = arith.constant 0 : i32
      %dma_wait3A_577 = arith.constant 0 : i32
      %dma_wait3A_578 = tpu.memref_slice %arg2[%dma_wait3A_576, %dma_wait3A_577] : memref<16x1000000xf32, #tpu.memory_space<hbm>> -> memref<16x128xf32, #tpu.memory_space<hbm>>
      tpu.wait_dma2 semaphore(%arg50 : memref<!tpu.dma_semaphore, #tpu.memory_space<semaphore_mem>>) src(%dma_wait3A_578 : memref<16x128xf32, #tpu.memory_space<hbm>>) dst(%arg17 : memref<16x128xf32, #tpu.memory_space<vmem>>)
      %dma_wait3A_579 = arith.constant 0 : i32
      %dma_wait3A_580 = arith.constant 0 : i32
      %dma_wait3A_581 = tpu.memref_slice %arg3[%dma_wait3A_579, %dma_wait3A_580] : memref<16x1000000xf32, #tpu.memory_space<hbm>> -> memref<16x128xf32, #tpu.memory_space<hbm>>
      %dma_wait3A_582 = arith.constant 0 : i32
      %dma_wait3A_583 = arith.constant 0 : i32
      %dma_wait3A_584 = tpu.memref_slice %arg3[%dma_wait3A_582, %dma_wait3A_583] : memref<16x1000000xf32, #tpu.memory_space<hbm>> -> memref<16x128xf32, #tpu.memory_space<hbm>>
      tpu.wait_dma2 semaphore(%arg50 : memref<!tpu.dma_semaphore, #tpu.memory_space<semaphore_mem>>) src(%dma_wait3A_584 : memref<16x128xf32, #tpu.memory_space<hbm>>) dst(%arg33 : memref<16x128xf32, #tpu.memory_space<vmem>>)
      %slice3A_585 = vector.extract_strided_slice %and3A_569 {offsets = [0], sizes = [1], strides = [1]} : vector<16xi32> to vector<1xi32>
      %squeeze3A_586 = vector.extract %slice3A_585[0] : i32 from vector<1xi32>
      %broadcast_in_dim3A_587 = vector.broadcast %squeeze3A_586 : i32 to vector<16xi32>
      %slice3A_588 = vector.extract_strided_slice %and3A_572 {offsets = [0], sizes = [1], strides = [1]} : vector<16xi32> to vector<1xi32>
      %squeeze3A_589 = vector.extract %slice3A_588[0] : i32 from vector<1xi32>
      %broadcast_in_dim3A_590 = vector.broadcast %squeeze3A_589 : i32 to vector<16xi32>
      %gather3A_591 = tpu.vector_load_idx %arg17[%iota3A, %broadcast_in_dim3A_587] : memref<16x128xf32, #tpu.memory_space<vmem>>[vector<16xi32>, vector<16xi32>], vector<16xf32>,
      %gather3A_592 = tpu.vector_load_idx %arg33[%iota3A, %broadcast_in_dim3A_590] : memref<16x128xf32, #tpu.memory_space<vmem>>[vector<16xi32>, vector<16xi32>], vector<16xf32>,
      %mul3A_593 = arith.mulf %gather3A_591, %gather3A_592 : vector<16xf32>
      %add3A_594 = arith.addf %add3A_558, %mul3A_593 : vector<16xf32>
      %dma_wait3A_595 = arith.constant 0 : i32
      %dma_wait3A_596 = arith.constant 0 : i32
      %dma_wait3A_597 = tpu.memref_slice %arg2[%dma_wait3A_595, %dma_wait3A_596] : memref<16x1000000xf32, #tpu.memory_space<hbm>> -> memref<16x128xf32, #tpu.memory_space<hbm>>
      %dma_wait3A_598 = arith.constant 0 : i32
      %dma_wait3A_599 = arith.constant 0 : i32
      %dma_wait3A_600 = tpu.memref_slice %arg2[%dma_wait3A_598, %dma_wait3A_599] : memref<16x1000000xf32, #tpu.memory_space<hbm>> -> memref<16x128xf32, #tpu.memory_space<hbm>>
      tpu.wait_dma2 semaphore(%arg51 : memref<!tpu.dma_semaphore, #tpu.memory_space<semaphore_mem>>) src(%dma_wait3A_600 : memref<16x128xf32, #tpu.memory_space<hbm>>) dst(%arg18 : memref<16x128xf32, #tpu.memory_space<vmem>>)
      %dma_wait3A_601 = arith.constant 0 : i32
      %dma_wait3A_602 = arith.constant 0 : i32
      %dma_wait3A_603 = tpu.memref_slice %arg3[%dma_wait3A_601, %dma_wait3A_602] : memref<16x1000000xf32, #tpu.memory_space<hbm>> -> memref<16x128xf32, #tpu.memory_space<hbm>>
      %dma_wait3A_604 = arith.constant 0 : i32
      %dma_wait3A_605 = arith.constant 0 : i32
      %dma_wait3A_606 = tpu.memref_slice %arg3[%dma_wait3A_604, %dma_wait3A_605] : memref<16x1000000xf32, #tpu.memory_space<hbm>> -> memref<16x128xf32, #tpu.memory_space<hbm>>
      tpu.wait_dma2 semaphore(%arg51 : memref<!tpu.dma_semaphore, #tpu.memory_space<semaphore_mem>>) src(%dma_wait3A_606 : memref<16x128xf32, #tpu.memory_space<hbm>>) dst(%arg34 : memref<16x128xf32, #tpu.memory_space<vmem>>)
      %slice3A_607 = vector.extract_strided_slice %and3A_569 {offsets = [1], sizes = [1], strides = [1]} : vector<16xi32> to vector<1xi32>
      %squeeze3A_608 = vector.extract %slice3A_607[0] : i32 from vector<1xi32>
      %broadcast_in_dim3A_609 = vector.broadcast %squeeze3A_608 : i32 to vector<16xi32>
      %slice3A_610 = vector.extract_strided_slice %and3A_572 {offsets = [1], sizes = [1], strides = [1]} : vector<16xi32> to vector<1xi32>
      %squeeze3A_611 = vector.extract %slice3A_610[0] : i32 from vector<1xi32>
      %broadcast_in_dim3A_612 = vector.broadcast %squeeze3A_611 : i32 to vector<16xi32>
      %gather3A_613 = tpu.vector_load_idx %arg18[%iota3A, %broadcast_in_dim3A_609] : memref<16x128xf32, #tpu.memory_space<vmem>>[vector<16xi32>, vector<16xi32>], vector<16xf32>,
      %gather3A_614 = tpu.vector_load_idx %arg34[%iota3A, %broadcast_in_dim3A_612] : memref<16x128xf32, #tpu.memory_space<vmem>>[vector<16xi32>, vector<16xi32>], vector<16xf32>,
      %mul3A_615 = arith.mulf %gather3A_613, %gather3A_614 : vector<16xf32>
      %add3A_616 = arith.addf %add3A_594, %mul3A_615 : vector<16xf32>
      %dma_wait3A_617 = arith.constant 0 : i32
      %dma_wait3A_618 = arith.constant 0 : i32
      %dma_wait3A_619 = tpu.memref_slice %arg2[%dma_wait3A_617, %dma_wait3A_618] : memref<16x1000000xf32, #tpu.memory_space<hbm>> -> memref<16x128xf32, #tpu.memory_space<hbm>>
      %dma_wait3A_620 = arith.constant 0 : i32
      %dma_wait3A_621 = arith.constant 0 : i32
      %dma_wait3A_622 = tpu.memref_slice %arg2[%dma_wait3A_620, %dma_wait3A_621] : memref<16x1000000xf32, #tpu.memory_space<hbm>> -> memref<16x128xf32, #tpu.memory_space<hbm>>
      tpu.wait_dma2 semaphore(%arg52 : memref<!tpu.dma_semaphore, #tpu.memory_space<semaphore_mem>>) src(%dma_wait3A_622 : memref<16x128xf32, #tpu.memory_space<hbm>>) dst(%arg19 : memref<16x128xf32, #tpu.memory_space<vmem>>)
      %dma_wait3A_623 = arith.constant 0 : i32
      %dma_wait3A_624 = arith.constant 0 : i32
      %dma_wait3A_625 = tpu.memref_slice %arg3[%dma_wait3A_623, %dma_wait3A_624] : memref<16x1000000xf32, #tpu.memory_space<hbm>> -> memref<16x128xf32, #tpu.memory_space<hbm>>
      %dma_wait3A_626 = arith.constant 0 : i32
      %dma_wait3A_627 = arith.constant 0 : i32
      %dma_wait3A_628 = tpu.memref_slice %arg3[%dma_wait3A_626, %dma_wait3A_627] : memref<16x1000000xf32, #tpu.memory_space<hbm>> -> memref<16x128xf32, #tpu.memory_space<hbm>>
      tpu.wait_dma2 semaphore(%arg52 : memref<!tpu.dma_semaphore, #tpu.memory_space<semaphore_mem>>) src(%dma_wait3A_628 : memref<16x128xf32, #tpu.memory_space<hbm>>) dst(%arg35 : memref<16x128xf32, #tpu.memory_space<vmem>>)
      %slice3A_629 = vector.extract_strided_slice %and3A_569 {offsets = [2], sizes = [1], strides = [1]} : vector<16xi32> to vector<1xi32>
      %squeeze3A_630 = vector.extract %slice3A_629[0] : i32 from vector<1xi32>
      %broadcast_in_dim3A_631 = vector.broadcast %squeeze3A_630 : i32 to vector<16xi32>
      %slice3A_632 = vector.extract_strided_slice %and3A_572 {offsets = [2], sizes = [1], strides = [1]} : vector<16xi32> to vector<1xi32>
      %squeeze3A_633 = vector.extract %slice3A_632[0] : i32 from vector<1xi32>
      %broadcast_in_dim3A_634 = vector.broadcast %squeeze3A_633 : i32 to vector<16xi32>
      %gather3A_635 = tpu.vector_load_idx %arg19[%iota3A, %broadcast_in_dim3A_631] : memref<16x128xf32, #tpu.memory_space<vmem>>[vector<16xi32>, vector<16xi32>], vector<16xf32>,
      %gather3A_636 = tpu.vector_load_idx %arg35[%iota3A, %broadcast_in_dim3A_634] : memref<16x128xf32, #tpu.memory_space<vmem>>[vector<16xi32>, vector<16xi32>], vector<16xf32>,
      %mul3A_637 = arith.mulf %gather3A_635, %gather3A_636 : vector<16xf32>
      %add3A_638 = arith.addf %add3A_616, %mul3A_637 : vector<16xf32>
      %dma_wait3A_639 = arith.constant 0 : i32
      %dma_wait3A_640 = arith.constant 0 : i32
      %dma_wait3A_641 = tpu.memref_slice %arg2[%dma_wait3A_639, %dma_wait3A_640] : memref<16x1000000xf32, #tpu.memory_space<hbm>> -> memref<16x128xf32, #tpu.memory_space<hbm>>
      %dma_wait3A_642 = arith.constant 0 : i32
      %dma_wait3A_643 = arith.constant 0 : i32
      %dma_wait3A_644 = tpu.memref_slice %arg2[%dma_wait3A_642, %dma_wait3A_643] : memref<16x1000000xf32, #tpu.memory_space<hbm>> -> memref<16x128xf32, #tpu.memory_space<hbm>>
      tpu.wait_dma2 semaphore(%arg53 : memref<!tpu.dma_semaphore, #tpu.memory_space<semaphore_mem>>) src(%dma_wait3A_644 : memref<16x128xf32, #tpu.memory_space<hbm>>) dst(%arg20 : memref<16x128xf32, #tpu.memory_space<vmem>>)
      %dma_wait3A_645 = arith.constant 0 : i32
      %dma_wait3A_646 = arith.constant 0 : i32
      %dma_wait3A_647 = tpu.memref_slice %arg3[%dma_wait3A_645, %dma_wait3A_646] : memref<16x1000000xf32, #tpu.memory_space<hbm>> -> memref<16x128xf32, #tpu.memory_space<hbm>>
      %dma_wait3A_648 = arith.constant 0 : i32
      %dma_wait3A_649 = arith.constant 0 : i32
      %dma_wait3A_650 = tpu.memref_slice %arg3[%dma_wait3A_648, %dma_wait3A_649] : memref<16x1000000xf32, #tpu.memory_space<hbm>> -> memref<16x128xf32, #tpu.memory_space<hbm>>
      tpu.wait_dma2 semaphore(%arg53 : memref<!tpu.dma_semaphore, #tpu.memory_space<semaphore_mem>>) src(%dma_wait3A_650 : memref<16x128xf32, #tpu.memory_space<hbm>>) dst(%arg36 : memref<16x128xf32, #tpu.memory_space<vmem>>)
      %slice3A_651 = vector.extract_strided_slice %and3A_569 {offsets = [3], sizes = [1], strides = [1]} : vector<16xi32> to vector<1xi32>
      %squeeze3A_652 = vector.extract %slice3A_651[0] : i32 from vector<1xi32>
      %broadcast_in_dim3A_653 = vector.broadcast %squeeze3A_652 : i32 to vector<16xi32>
      %slice3A_654 = vector.extract_strided_slice %and3A_572 {offsets = [3], sizes = [1], strides = [1]} : vector<16xi32> to vector<1xi32>
      %squeeze3A_655 = vector.extract %slice3A_654[0] : i32 from vector<1xi32>
      %broadcast_in_dim3A_656 = vector.broadcast %squeeze3A_655 : i32 to vector<16xi32>
      %gather3A_657 = tpu.vector_load_idx %arg20[%iota3A, %broadcast_in_dim3A_653] : memref<16x128xf32, #tpu.memory_space<vmem>>[vector<16xi32>, vector<16xi32>], vector<16xf32>,
      %gather3A_658 = tpu.vector_load_idx %arg36[%iota3A, %broadcast_in_dim3A_656] : memref<16x128xf32, #tpu.memory_space<vmem>>[vector<16xi32>, vector<16xi32>], vector<16xf32>,
      %mul3A_659 = arith.mulf %gather3A_657, %gather3A_658 : vector<16xf32>
      %add3A_660 = arith.addf %add3A_638, %mul3A_659 : vector<16xf32>
      %dma_wait3A_661 = arith.constant 0 : i32
      %dma_wait3A_662 = arith.constant 0 : i32
      %dma_wait3A_663 = tpu.memref_slice %arg2[%dma_wait3A_661, %dma_wait3A_662] : memref<16x1000000xf32, #tpu.memory_space<hbm>> -> memref<16x128xf32, #tpu.memory_space<hbm>>
      %dma_wait3A_664 = arith.constant 0 : i32
      %dma_wait3A_665 = arith.constant 0 : i32
      %dma_wait3A_666 = tpu.memref_slice %arg2[%dma_wait3A_664, %dma_wait3A_665] : memref<16x1000000xf32, #tpu.memory_space<hbm>> -> memref<16x128xf32, #tpu.memory_space<hbm>>
      tpu.wait_dma2 semaphore(%arg54 : memref<!tpu.dma_semaphore, #tpu.memory_space<semaphore_mem>>) src(%dma_wait3A_666 : memref<16x128xf32, #tpu.memory_space<hbm>>) dst(%arg21 : memref<16x128xf32, #tpu.memory_space<vmem>>)
      %dma_wait3A_667 = arith.constant 0 : i32
      %dma_wait3A_668 = arith.constant 0 : i32
      %dma_wait3A_669 = tpu.memref_slice %arg3[%dma_wait3A_667, %dma_wait3A_668] : memref<16x1000000xf32, #tpu.memory_space<hbm>> -> memref<16x128xf32, #tpu.memory_space<hbm>>
      %dma_wait3A_670 = arith.constant 0 : i32
      %dma_wait3A_671 = arith.constant 0 : i32
      %dma_wait3A_672 = tpu.memref_slice %arg3[%dma_wait3A_670, %dma_wait3A_671] : memref<16x1000000xf32, #tpu.memory_space<hbm>> -> memref<16x128xf32, #tpu.memory_space<hbm>>
      tpu.wait_dma2 semaphore(%arg54 : memref<!tpu.dma_semaphore, #tpu.memory_space<semaphore_mem>>) src(%dma_wait3A_672 : memref<16x128xf32, #tpu.memory_space<hbm>>) dst(%arg37 : memref<16x128xf32, #tpu.memory_space<vmem>>)
      %slice3A_673 = vector.extract_strided_slice %and3A_569 {offsets = [4], sizes = [1], strides = [1]} : vector<16xi32> to vector<1xi32>
      %squeeze3A_674 = vector.extract %slice3A_673[0] : i32 from vector<1xi32>
      %broadcast_in_dim3A_675 = vector.broadcast %squeeze3A_674 : i32 to vector<16xi32>
      %slice3A_676 = vector.extract_strided_slice %and3A_572 {offsets = [4], sizes = [1], strides = [1]} : vector<16xi32> to vector<1xi32>
      %squeeze3A_677 = vector.extract %slice3A_676[0] : i32 from vector<1xi32>
      %broadcast_in_dim3A_678 = vector.broadcast %squeeze3A_677 : i32 to vector<16xi32>
      %gather3A_679 = tpu.vector_load_idx %arg21[%iota3A, %broadcast_in_dim3A_675] : memref<16x128xf32, #tpu.memory_space<vmem>>[vector<16xi32>, vector<16xi32>], vector<16xf32>,
      %gather3A_680 = tpu.vector_load_idx %arg37[%iota3A, %broadcast_in_dim3A_678] : memref<16x128xf32, #tpu.memory_space<vmem>>[vector<16xi32>, vector<16xi32>], vector<16xf32>,
      %mul3A_681 = arith.mulf %gather3A_679, %gather3A_680 : vector<16xf32>
      %add3A_682 = arith.addf %add3A_660, %mul3A_681 : vector<16xf32>
      %dma_wait3A_683 = arith.constant 0 : i32
      %dma_wait3A_684 = arith.constant 0 : i32
      %dma_wait3A_685 = tpu.memref_slice %arg2[%dma_wait3A_683, %dma_wait3A_684] : memref<16x1000000xf32, #tpu.memory_space<hbm>> -> memref<16x128xf32, #tpu.memory_space<hbm>>
      %dma_wait3A_686 = arith.constant 0 : i32
      %dma_wait3A_687 = arith.constant 0 : i32
      %dma_wait3A_688 = tpu.memref_slice %arg2[%dma_wait3A_686, %dma_wait3A_687] : memref<16x1000000xf32, #tpu.memory_space<hbm>> -> memref<16x128xf32, #tpu.memory_space<hbm>>
      tpu.wait_dma2 semaphore(%arg55 : memref<!tpu.dma_semaphore, #tpu.memory_space<semaphore_mem>>) src(%dma_wait3A_688 : memref<16x128xf32, #tpu.memory_space<hbm>>) dst(%arg22 : memref<16x128xf32, #tpu.memory_space<vmem>>)
      %dma_wait3A_689 = arith.constant 0 : i32
      %dma_wait3A_690 = arith.constant 0 : i32
      %dma_wait3A_691 = tpu.memref_slice %arg3[%dma_wait3A_689, %dma_wait3A_690] : memref<16x1000000xf32, #tpu.memory_space<hbm>> -> memref<16x128xf32, #tpu.memory_space<hbm>>
      %dma_wait3A_692 = arith.constant 0 : i32
      %dma_wait3A_693 = arith.constant 0 : i32
      %dma_wait3A_694 = tpu.memref_slice %arg3[%dma_wait3A_692, %dma_wait3A_693] : memref<16x1000000xf32, #tpu.memory_space<hbm>> -> memref<16x128xf32, #tpu.memory_space<hbm>>
      tpu.wait_dma2 semaphore(%arg55 : memref<!tpu.dma_semaphore, #tpu.memory_space<semaphore_mem>>) src(%dma_wait3A_694 : memref<16x128xf32, #tpu.memory_space<hbm>>) dst(%arg38 : memref<16x128xf32, #tpu.memory_space<vmem>>)
      %slice3A_695 = vector.extract_strided_slice %and3A_569 {offsets = [5], sizes = [1], strides = [1]} : vector<16xi32> to vector<1xi32>
      %squeeze3A_696 = vector.extract %slice3A_695[0] : i32 from vector<1xi32>
      %broadcast_in_dim3A_697 = vector.broadcast %squeeze3A_696 : i32 to vector<16xi32>
      %slice3A_698 = vector.extract_strided_slice %and3A_572 {offsets = [5], sizes = [1], strides = [1]} : vector<16xi32> to vector<1xi32>
      %squeeze3A_699 = vector.extract %slice3A_698[0] : i32 from vector<1xi32>
      %broadcast_in_dim3A_700 = vector.broadcast %squeeze3A_699 : i32 to vector<16xi32>
      %gather3A_701 = tpu.vector_load_idx %arg22[%iota3A, %broadcast_in_dim3A_697] : memref<16x128xf32, #tpu.memory_space<vmem>>[vector<16xi32>, vector<16xi32>], vector<16xf32>,
      %gather3A_702 = tpu.vector_load_idx %arg38[%iota3A, %broadcast_in_dim3A_700] : memref<16x128xf32, #tpu.memory_space<vmem>>[vector<16xi32>, vector<16xi32>], vector<16xf32>,
      %mul3A_703 = arith.mulf %gather3A_701, %gather3A_702 : vector<16xf32>
      %add3A_704 = arith.addf %add3A_682, %mul3A_703 : vector<16xf32>
      %dma_wait3A_705 = arith.constant 0 : i32
      %dma_wait3A_706 = arith.constant 0 : i32
      %dma_wait3A_707 = tpu.memref_slice %arg2[%dma_wait3A_705, %dma_wait3A_706] : memref<16x1000000xf32, #tpu.memory_space<hbm>> -> memref<16x128xf32, #tpu.memory_space<hbm>>
      %dma_wait3A_708 = arith.constant 0 : i32
      %dma_wait3A_709 = arith.constant 0 : i32
      %dma_wait3A_710 = tpu.memref_slice %arg2[%dma_wait3A_708, %dma_wait3A_709] : memref<16x1000000xf32, #tpu.memory_space<hbm>> -> memref<16x128xf32, #tpu.memory_space<hbm>>
      tpu.wait_dma2 semaphore(%arg56 : memref<!tpu.dma_semaphore, #tpu.memory_space<semaphore_mem>>) src(%dma_wait3A_710 : memref<16x128xf32, #tpu.memory_space<hbm>>) dst(%arg23 : memref<16x128xf32, #tpu.memory_space<vmem>>)
      %dma_wait3A_711 = arith.constant 0 : i32
      %dma_wait3A_712 = arith.constant 0 : i32
      %dma_wait3A_713 = tpu.memref_slice %arg3[%dma_wait3A_711, %dma_wait3A_712] : memref<16x1000000xf32, #tpu.memory_space<hbm>> -> memref<16x128xf32, #tpu.memory_space<hbm>>
      %dma_wait3A_714 = arith.constant 0 : i32
      %dma_wait3A_715 = arith.constant 0 : i32
      %dma_wait3A_716 = tpu.memref_slice %arg3[%dma_wait3A_714, %dma_wait3A_715] : memref<16x1000000xf32, #tpu.memory_space<hbm>> -> memref<16x128xf32, #tpu.memory_space<hbm>>
      tpu.wait_dma2 semaphore(%arg56 : memref<!tpu.dma_semaphore, #tpu.memory_space<semaphore_mem>>) src(%dma_wait3A_716 : memref<16x128xf32, #tpu.memory_space<hbm>>) dst(%arg39 : memref<16x128xf32, #tpu.memory_space<vmem>>)
      %slice3A_717 = vector.extract_strided_slice %and3A_569 {offsets = [6], sizes = [1], strides = [1]} : vector<16xi32> to vector<1xi32>
      %squeeze3A_718 = vector.extract %slice3A_717[0] : i32 from vector<1xi32>
      %broadcast_in_dim3A_719 = vector.broadcast %squeeze3A_718 : i32 to vector<16xi32>
      %slice3A_720 = vector.extract_strided_slice %and3A_572 {offsets = [6], sizes = [1], strides = [1]} : vector<16xi32> to vector<1xi32>
      %squeeze3A_721 = vector.extract %slice3A_720[0] : i32 from vector<1xi32>
      %broadcast_in_dim3A_722 = vector.broadcast %squeeze3A_721 : i32 to vector<16xi32>
      %gather3A_723 = tpu.vector_load_idx %arg23[%iota3A, %broadcast_in_dim3A_719] : memref<16x128xf32, #tpu.memory_space<vmem>>[vector<16xi32>, vector<16xi32>], vector<16xf32>,
      %gather3A_724 = tpu.vector_load_idx %arg39[%iota3A, %broadcast_in_dim3A_722] : memref<16x128xf32, #tpu.memory_space<vmem>>[vector<16xi32>, vector<16xi32>], vector<16xf32>,
      %mul3A_725 = arith.mulf %gather3A_723, %gather3A_724 : vector<16xf32>
      %add3A_726 = arith.addf %add3A_704, %mul3A_725 : vector<16xf32>
      %dma_wait3A_727 = arith.constant 0 : i32
      %dma_wait3A_728 = arith.constant 0 : i32
      %dma_wait3A_729 = tpu.memref_slice %arg2[%dma_wait3A_727, %dma_wait3A_728] : memref<16x1000000xf32, #tpu.memory_space<hbm>> -> memref<16x128xf32, #tpu.memory_space<hbm>>
      %dma_wait3A_730 = arith.constant 0 : i32
      %dma_wait3A_731 = arith.constant 0 : i32
      %dma_wait3A_732 = tpu.memref_slice %arg2[%dma_wait3A_730, %dma_wait3A_731] : memref<16x1000000xf32, #tpu.memory_space<hbm>> -> memref<16x128xf32, #tpu.memory_space<hbm>>
      tpu.wait_dma2 semaphore(%arg57 : memref<!tpu.dma_semaphore, #tpu.memory_space<semaphore_mem>>) src(%dma_wait3A_732 : memref<16x128xf32, #tpu.memory_space<hbm>>) dst(%arg24 : memref<16x128xf32, #tpu.memory_space<vmem>>)
      %dma_wait3A_733 = arith.constant 0 : i32
      %dma_wait3A_734 = arith.constant 0 : i32
      %dma_wait3A_735 = tpu.memref_slice %arg3[%dma_wait3A_733, %dma_wait3A_734] : memref<16x1000000xf32, #tpu.memory_space<hbm>> -> memref<16x128xf32, #tpu.memory_space<hbm>>
      %dma_wait3A_736 = arith.constant 0 : i32
      %dma_wait3A_737 = arith.constant 0 : i32
      %dma_wait3A_738 = tpu.memref_slice %arg3[%dma_wait3A_736, %dma_wait3A_737] : memref<16x1000000xf32, #tpu.memory_space<hbm>> -> memref<16x128xf32, #tpu.memory_space<hbm>>
      tpu.wait_dma2 semaphore(%arg57 : memref<!tpu.dma_semaphore, #tpu.memory_space<semaphore_mem>>) src(%dma_wait3A_738 : memref<16x128xf32, #tpu.memory_space<hbm>>) dst(%arg40 : memref<16x128xf32, #tpu.memory_space<vmem>>)
      %slice3A_739 = vector.extract_strided_slice %and3A_569 {offsets = [7], sizes = [1], strides = [1]} : vector<16xi32> to vector<1xi32>
      %squeeze3A_740 = vector.extract %slice3A_739[0] : i32 from vector<1xi32>
      %broadcast_in_dim3A_741 = vector.broadcast %squeeze3A_740 : i32 to vector<16xi32>
      %slice3A_742 = vector.extract_strided_slice %and3A_572 {offsets = [7], sizes = [1], strides = [1]} : vector<16xi32> to vector<1xi32>
      %squeeze3A_743 = vector.extract %slice3A_742[0] : i32 from vector<1xi32>
      %broadcast_in_dim3A_744 = vector.broadcast %squeeze3A_743 : i32 to vector<16xi32>
      %gather3A_745 = tpu.vector_load_idx %arg24[%iota3A, %broadcast_in_dim3A_741] : memref<16x128xf32, #tpu.memory_space<vmem>>[vector<16xi32>, vector<16xi32>], vector<16xf32>,
      %gather3A_746 = tpu.vector_load_idx %arg40[%iota3A, %broadcast_in_dim3A_744] : memref<16x128xf32, #tpu.memory_space<vmem>>[vector<16xi32>, vector<16xi32>], vector<16xf32>,
      %mul3A_747 = arith.mulf %gather3A_745, %gather3A_746 : vector<16xf32>
      %add3A_748 = arith.addf %add3A_726, %mul3A_747 : vector<16xf32>
      %lt3A_749 = arith.constant 31 : i32
      %lt3A_750 = arith.cmpi slt, %scan3A_369, %lt3A_749 : i32
      %convert_element_type3A_751 = arith.extui %lt3A_750 : i1 to i32
      %cond3A_752 = arith.constant 0 : i32
      %cond3A_753 = arith.cmpi ne, %convert_element_type3A_751, %cond3A_752 : i32
      scf.if %cond3A_753 {
        %add3A_754 = arith.constant 24 : i32
        %add3A_755 = arith.addi %mul3A_374, %add3A_754 : i32
        %broadcast_in_dim3A_756 = vector.broadcast %add3A_755 : i32 to vector<16xi32>
        %add3A_757 = arith.addi %iota3A, %broadcast_in_dim3A_756 : vector<16xi32>
        %gather3A_758 = tpu.vector_load_idx %arg7[%add3A_757] : memref<528xi32, #tpu.memory_space<vmem>>[vector<16xi32>], vector<16xi32>,
        %gather3A_759 = tpu.vector_load_idx %arg8[%add3A_757] : memref<528xi32, #tpu.memory_space<vmem>>[vector<16xi32>], vector<16xi32>,
        %slice3A_760 = vector.extract_strided_slice %gather3A_758 {offsets = [0], sizes = [1], strides = [1]} : vector<16xi32> to vector<1xi32>
        %squeeze3A_761 = vector.extract %slice3A_760[0] : i32 from vector<1xi32>
        %shift_right_arithmetic3A_762 = arith.constant 7 : i32
        %shift_right_arithmetic3A_763 = arith.shrsi %squeeze3A_761, %shift_right_arithmetic3A_762 : i32
        %mul3A_764 = arith.constant 128 : i32
        %mul3A_765 = arith.muli %shift_right_arithmetic3A_763, %mul3A_764 : i32
        %multiple_of3A_766 = tpu.assume_multiple %mul3A_765, 128 : i32
        %slice3A_767 = vector.extract_strided_slice %gather3A_759 {offsets = [0], sizes = [1], strides = [1]} : vector<16xi32> to vector<1xi32>
        %squeeze3A_768 = vector.extract %slice3A_767[0] : i32 from vector<1xi32>
        %shift_right_arithmetic3A_769 = arith.constant 7 : i32
        %shift_right_arithmetic3A_770 = arith.shrsi %squeeze3A_768, %shift_right_arithmetic3A_769 : i32
        %mul3A_771 = arith.constant 128 : i32
        %mul3A_772 = arith.muli %shift_right_arithmetic3A_770, %mul3A_771 : i32
        %multiple_of3A_773 = tpu.assume_multiple %mul3A_772, 128 : i32
        %dma_start3A_774 = arith.constant 0 : i32
        %dma_start3A_775 = tpu.memref_slice %arg2[%dma_start3A_774, %multiple_of3A_766] : memref<16x1000000xf32, #tpu.memory_space<hbm>> -> memref<16x128xf32, #tpu.memory_space<hbm>>
        %dma_start3A_776 = arith.constant 0 : i32
        %dma_start3A_777 = tpu.memref_slice %arg2[%dma_start3A_776, %multiple_of3A_766] : memref<16x1000000xf32, #tpu.memory_space<hbm>> -> memref<16x128xf32, #tpu.memory_space<hbm>>
        tpu.enqueue_dma source(%dma_start3A_777 : memref<16x128xf32, #tpu.memory_space<hbm>>) target(%arg17 : memref<16x128xf32, #tpu.memory_space<vmem>>) target_semaphore(%arg50 : memref<!tpu.dma_semaphore, #tpu.memory_space<semaphore_mem>>)
        %dma_start3A_778 = arith.constant 0 : i32
        %dma_start3A_779 = tpu.memref_slice %arg3[%dma_start3A_778, %multiple_of3A_773] : memref<16x1000000xf32, #tpu.memory_space<hbm>> -> memref<16x128xf32, #tpu.memory_space<hbm>>
        %dma_start3A_780 = arith.constant 0 : i32
        %dma_start3A_781 = tpu.memref_slice %arg3[%dma_start3A_780, %multiple_of3A_773] : memref<16x1000000xf32, #tpu.memory_space<hbm>> -> memref<16x128xf32, #tpu.memory_space<hbm>>
        tpu.enqueue_dma source(%dma_start3A_781 : memref<16x128xf32, #tpu.memory_space<hbm>>) target(%arg33 : memref<16x128xf32, #tpu.memory_space<vmem>>) target_semaphore(%arg50 : memref<!tpu.dma_semaphore, #tpu.memory_space<semaphore_mem>>)
        %slice3A_782 = vector.extract_strided_slice %gather3A_758 {offsets = [1], sizes = [1], strides = [1]} : vector<16xi32> to vector<1xi32>
        %squeeze3A_783 = vector.extract %slice3A_782[0] : i32 from vector<1xi32>
        %shift_right_arithmetic3A_784 = arith.constant 7 : i32
        %shift_right_arithmetic3A_785 = arith.shrsi %squeeze3A_783, %shift_right_arithmetic3A_784 : i32
        %mul3A_786 = arith.constant 128 : i32
        %mul3A_787 = arith.muli %shift_right_arithmetic3A_785, %mul3A_786 : i32
        %multiple_of3A_788 = tpu.assume_multiple %mul3A_787, 128 : i32
        %slice3A_789 = vector.extract_strided_slice %gather3A_759 {offsets = [1], sizes = [1], strides = [1]} : vector<16xi32> to vector<1xi32>
        %squeeze3A_790 = vector.extract %slice3A_789[0] : i32 from vector<1xi32>
        %shift_right_arithmetic3A_791 = arith.constant 7 : i32
        %shift_right_arithmetic3A_792 = arith.shrsi %squeeze3A_790, %shift_right_arithmetic3A_791 : i32
        %mul3A_793 = arith.constant 128 : i32
        %mul3A_794 = arith.muli %shift_right_arithmetic3A_792, %mul3A_793 : i32
        %multiple_of3A_795 = tpu.assume_multiple %mul3A_794, 128 : i32
        %dma_start3A_796 = arith.constant 0 : i32
        %dma_start3A_797 = tpu.memref_slice %arg2[%dma_start3A_796, %multiple_of3A_788] : memref<16x1000000xf32, #tpu.memory_space<hbm>> -> memref<16x128xf32, #tpu.memory_space<hbm>>
        %dma_start3A_798 = arith.constant 0 : i32
        %dma_start3A_799 = tpu.memref_slice %arg2[%dma_start3A_798, %multiple_of3A_788] : memref<16x1000000xf32, #tpu.memory_space<hbm>> -> memref<16x128xf32, #tpu.memory_space<hbm>>
        tpu.enqueue_dma source(%dma_start3A_799 : memref<16x128xf32, #tpu.memory_space<hbm>>) target(%arg18 : memref<16x128xf32, #tpu.memory_space<vmem>>) target_semaphore(%arg51 : memref<!tpu.dma_semaphore, #tpu.memory_space<semaphore_mem>>)
        %dma_start3A_800 = arith.constant 0 : i32
        %dma_start3A_801 = tpu.memref_slice %arg3[%dma_start3A_800, %multiple_of3A_795] : memref<16x1000000xf32, #tpu.memory_space<hbm>> -> memref<16x128xf32, #tpu.memory_space<hbm>>
        %dma_start3A_802 = arith.constant 0 : i32
        %dma_start3A_803 = tpu.memref_slice %arg3[%dma_start3A_802, %multiple_of3A_795] : memref<16x1000000xf32, #tpu.memory_space<hbm>> -> memref<16x128xf32, #tpu.memory_space<hbm>>
        tpu.enqueue_dma source(%dma_start3A_803 : memref<16x128xf32, #tpu.memory_space<hbm>>) target(%arg34 : memref<16x128xf32, #tpu.memory_space<vmem>>) target_semaphore(%arg51 : memref<!tpu.dma_semaphore, #tpu.memory_space<semaphore_mem>>)
        %slice3A_804 = vector.extract_strided_slice %gather3A_758 {offsets = [2], sizes = [1], strides = [1]} : vector<16xi32> to vector<1xi32>
        %squeeze3A_805 = vector.extract %slice3A_804[0] : i32 from vector<1xi32>
        %shift_right_arithmetic3A_806 = arith.constant 7 : i32
        %shift_right_arithmetic3A_807 = arith.shrsi %squeeze3A_805, %shift_right_arithmetic3A_806 : i32
        %mul3A_808 = arith.constant 128 : i32
        %mul3A_809 = arith.muli %shift_right_arithmetic3A_807, %mul3A_808 : i32
        %multiple_of3A_810 = tpu.assume_multiple %mul3A_809, 128 : i32
        %slice3A_811 = vector.extract_strided_slice %gather3A_759 {offsets = [2], sizes = [1], strides = [1]} : vector<16xi32> to vector<1xi32>
        %squeeze3A_812 = vector.extract %slice3A_811[0] : i32 from vector<1xi32>
        %shift_right_arithmetic3A_813 = arith.constant 7 : i32
        %shift_right_arithmetic3A_814 = arith.shrsi %squeeze3A_812, %shift_right_arithmetic3A_813 : i32
        %mul3A_815 = arith.constant 128 : i32
        %mul3A_816 = arith.muli %shift_right_arithmetic3A_814, %mul3A_815 : i32
        %multiple_of3A_817 = tpu.assume_multiple %mul3A_816, 128 : i32
        %dma_start3A_818 = arith.constant 0 : i32
        %dma_start3A_819 = tpu.memref_slice %arg2[%dma_start3A_818, %multiple_of3A_810] : memref<16x1000000xf32, #tpu.memory_space<hbm>> -> memref<16x128xf32, #tpu.memory_space<hbm>>
        %dma_start3A_820 = arith.constant 0 : i32
        %dma_start3A_821 = tpu.memref_slice %arg2[%dma_start3A_820, %multiple_of3A_810] : memref<16x1000000xf32, #tpu.memory_space<hbm>> -> memref<16x128xf32, #tpu.memory_space<hbm>>
        tpu.enqueue_dma source(%dma_start3A_821 : memref<16x128xf32, #tpu.memory_space<hbm>>) target(%arg19 : memref<16x128xf32, #tpu.memory_space<vmem>>) target_semaphore(%arg52 : memref<!tpu.dma_semaphore, #tpu.memory_space<semaphore_mem>>)
        %dma_start3A_822 = arith.constant 0 : i32
        %dma_start3A_823 = tpu.memref_slice %arg3[%dma_start3A_822, %multiple_of3A_817] : memref<16x1000000xf32, #tpu.memory_space<hbm>> -> memref<16x128xf32, #tpu.memory_space<hbm>>
        %dma_start3A_824 = arith.constant 0 : i32
        %dma_start3A_825 = tpu.memref_slice %arg3[%dma_start3A_824, %multiple_of3A_817] : memref<16x1000000xf32, #tpu.memory_space<hbm>> -> memref<16x128xf32, #tpu.memory_space<hbm>>
        tpu.enqueue_dma source(%dma_start3A_825 : memref<16x128xf32, #tpu.memory_space<hbm>>) target(%arg35 : memref<16x128xf32, #tpu.memory_space<vmem>>) target_semaphore(%arg52 : memref<!tpu.dma_semaphore, #tpu.memory_space<semaphore_mem>>)
        %slice3A_826 = vector.extract_strided_slice %gather3A_758 {offsets = [3], sizes = [1], strides = [1]} : vector<16xi32> to vector<1xi32>
        %squeeze3A_827 = vector.extract %slice3A_826[0] : i32 from vector<1xi32>
        %shift_right_arithmetic3A_828 = arith.constant 7 : i32
        %shift_right_arithmetic3A_829 = arith.shrsi %squeeze3A_827, %shift_right_arithmetic3A_828 : i32
        %mul3A_830 = arith.constant 128 : i32
        %mul3A_831 = arith.muli %shift_right_arithmetic3A_829, %mul3A_830 : i32
        %multiple_of3A_832 = tpu.assume_multiple %mul3A_831, 128 : i32
        %slice3A_833 = vector.extract_strided_slice %gather3A_759 {offsets = [3], sizes = [1], strides = [1]} : vector<16xi32> to vector<1xi32>
        %squeeze3A_834 = vector.extract %slice3A_833[0] : i32 from vector<1xi32>
        %shift_right_arithmetic3A_835 = arith.constant 7 : i32
        %shift_right_arithmetic3A_836 = arith.shrsi %squeeze3A_834, %shift_right_arithmetic3A_835 : i32
        %mul3A_837 = arith.constant 128 : i32
        %mul3A_838 = arith.muli %shift_right_arithmetic3A_836, %mul3A_837 : i32
        %multiple_of3A_839 = tpu.assume_multiple %mul3A_838, 128 : i32
        %dma_start3A_840 = arith.constant 0 : i32
        %dma_start3A_841 = tpu.memref_slice %arg2[%dma_start3A_840, %multiple_of3A_832] : memref<16x1000000xf32, #tpu.memory_space<hbm>> -> memref<16x128xf32, #tpu.memory_space<hbm>>
        %dma_start3A_842 = arith.constant 0 : i32
        %dma_start3A_843 = tpu.memref_slice %arg2[%dma_start3A_842, %multiple_of3A_832] : memref<16x1000000xf32, #tpu.memory_space<hbm>> -> memref<16x128xf32, #tpu.memory_space<hbm>>
        tpu.enqueue_dma source(%dma_start3A_843 : memref<16x128xf32, #tpu.memory_space<hbm>>) target(%arg20 : memref<16x128xf32, #tpu.memory_space<vmem>>) target_semaphore(%arg53 : memref<!tpu.dma_semaphore, #tpu.memory_space<semaphore_mem>>)
        %dma_start3A_844 = arith.constant 0 : i32
        %dma_start3A_845 = tpu.memref_slice %arg3[%dma_start3A_844, %multiple_of3A_839] : memref<16x1000000xf32, #tpu.memory_space<hbm>> -> memref<16x128xf32, #tpu.memory_space<hbm>>
        %dma_start3A_846 = arith.constant 0 : i32
        %dma_start3A_847 = tpu.memref_slice %arg3[%dma_start3A_846, %multiple_of3A_839] : memref<16x1000000xf32, #tpu.memory_space<hbm>> -> memref<16x128xf32, #tpu.memory_space<hbm>>
        tpu.enqueue_dma source(%dma_start3A_847 : memref<16x128xf32, #tpu.memory_space<hbm>>) target(%arg36 : memref<16x128xf32, #tpu.memory_space<vmem>>) target_semaphore(%arg53 : memref<!tpu.dma_semaphore, #tpu.memory_space<semaphore_mem>>)
        %slice3A_848 = vector.extract_strided_slice %gather3A_758 {offsets = [4], sizes = [1], strides = [1]} : vector<16xi32> to vector<1xi32>
        %squeeze3A_849 = vector.extract %slice3A_848[0] : i32 from vector<1xi32>
        %shift_right_arithmetic3A_850 = arith.constant 7 : i32
        %shift_right_arithmetic3A_851 = arith.shrsi %squeeze3A_849, %shift_right_arithmetic3A_850 : i32
        %mul3A_852 = arith.constant 128 : i32
        %mul3A_853 = arith.muli %shift_right_arithmetic3A_851, %mul3A_852 : i32
        %multiple_of3A_854 = tpu.assume_multiple %mul3A_853, 128 : i32
        %slice3A_855 = vector.extract_strided_slice %gather3A_759 {offsets = [4], sizes = [1], strides = [1]} : vector<16xi32> to vector<1xi32>
        %squeeze3A_856 = vector.extract %slice3A_855[0] : i32 from vector<1xi32>
        %shift_right_arithmetic3A_857 = arith.constant 7 : i32
        %shift_right_arithmetic3A_858 = arith.shrsi %squeeze3A_856, %shift_right_arithmetic3A_857 : i32
        %mul3A_859 = arith.constant 128 : i32
        %mul3A_860 = arith.muli %shift_right_arithmetic3A_858, %mul3A_859 : i32
        %multiple_of3A_861 = tpu.assume_multiple %mul3A_860, 128 : i32
        %dma_start3A_862 = arith.constant 0 : i32
        %dma_start3A_863 = tpu.memref_slice %arg2[%dma_start3A_862, %multiple_of3A_854] : memref<16x1000000xf32, #tpu.memory_space<hbm>> -> memref<16x128xf32, #tpu.memory_space<hbm>>
        %dma_start3A_864 = arith.constant 0 : i32
        %dma_start3A_865 = tpu.memref_slice %arg2[%dma_start3A_864, %multiple_of3A_854] : memref<16x1000000xf32, #tpu.memory_space<hbm>> -> memref<16x128xf32, #tpu.memory_space<hbm>>
        tpu.enqueue_dma source(%dma_start3A_865 : memref<16x128xf32, #tpu.memory_space<hbm>>) target(%arg21 : memref<16x128xf32, #tpu.memory_space<vmem>>) target_semaphore(%arg54 : memref<!tpu.dma_semaphore, #tpu.memory_space<semaphore_mem>>)
        %dma_start3A_866 = arith.constant 0 : i32
        %dma_start3A_867 = tpu.memref_slice %arg3[%dma_start3A_866, %multiple_of3A_861] : memref<16x1000000xf32, #tpu.memory_space<hbm>> -> memref<16x128xf32, #tpu.memory_space<hbm>>
        %dma_start3A_868 = arith.constant 0 : i32
        %dma_start3A_869 = tpu.memref_slice %arg3[%dma_start3A_868, %multiple_of3A_861] : memref<16x1000000xf32, #tpu.memory_space<hbm>> -> memref<16x128xf32, #tpu.memory_space<hbm>>
        tpu.enqueue_dma source(%dma_start3A_869 : memref<16x128xf32, #tpu.memory_space<hbm>>) target(%arg37 : memref<16x128xf32, #tpu.memory_space<vmem>>) target_semaphore(%arg54 : memref<!tpu.dma_semaphore, #tpu.memory_space<semaphore_mem>>)
        %slice3A_870 = vector.extract_strided_slice %gather3A_758 {offsets = [5], sizes = [1], strides = [1]} : vector<16xi32> to vector<1xi32>
        %squeeze3A_871 = vector.extract %slice3A_870[0] : i32 from vector<1xi32>
        %shift_right_arithmetic3A_872 = arith.constant 7 : i32
        %shift_right_arithmetic3A_873 = arith.shrsi %squeeze3A_871, %shift_right_arithmetic3A_872 : i32
        %mul3A_874 = arith.constant 128 : i32
        %mul3A_875 = arith.muli %shift_right_arithmetic3A_873, %mul3A_874 : i32
        %multiple_of3A_876 = tpu.assume_multiple %mul3A_875, 128 : i32
        %slice3A_877 = vector.extract_strided_slice %gather3A_759 {offsets = [5], sizes = [1], strides = [1]} : vector<16xi32> to vector<1xi32>
        %squeeze3A_878 = vector.extract %slice3A_877[0] : i32 from vector<1xi32>
        %shift_right_arithmetic3A_879 = arith.constant 7 : i32
        %shift_right_arithmetic3A_880 = arith.shrsi %squeeze3A_878, %shift_right_arithmetic3A_879 : i32
        %mul3A_881 = arith.constant 128 : i32
        %mul3A_882 = arith.muli %shift_right_arithmetic3A_880, %mul3A_881 : i32
        %multiple_of3A_883 = tpu.assume_multiple %mul3A_882, 128 : i32
        %dma_start3A_884 = arith.constant 0 : i32
        %dma_start3A_885 = tpu.memref_slice %arg2[%dma_start3A_884, %multiple_of3A_876] : memref<16x1000000xf32, #tpu.memory_space<hbm>> -> memref<16x128xf32, #tpu.memory_space<hbm>>
        %dma_start3A_886 = arith.constant 0 : i32
        %dma_start3A_887 = tpu.memref_slice %arg2[%dma_start3A_886, %multiple_of3A_876] : memref<16x1000000xf32, #tpu.memory_space<hbm>> -> memref<16x128xf32, #tpu.memory_space<hbm>>
        tpu.enqueue_dma source(%dma_start3A_887 : memref<16x128xf32, #tpu.memory_space<hbm>>) target(%arg22 : memref<16x128xf32, #tpu.memory_space<vmem>>) target_semaphore(%arg55 : memref<!tpu.dma_semaphore, #tpu.memory_space<semaphore_mem>>)
        %dma_start3A_888 = arith.constant 0 : i32
        %dma_start3A_889 = tpu.memref_slice %arg3[%dma_start3A_888, %multiple_of3A_883] : memref<16x1000000xf32, #tpu.memory_space<hbm>> -> memref<16x128xf32, #tpu.memory_space<hbm>>
        %dma_start3A_890 = arith.constant 0 : i32
        %dma_start3A_891 = tpu.memref_slice %arg3[%dma_start3A_890, %multiple_of3A_883] : memref<16x1000000xf32, #tpu.memory_space<hbm>> -> memref<16x128xf32, #tpu.memory_space<hbm>>
        tpu.enqueue_dma source(%dma_start3A_891 : memref<16x128xf32, #tpu.memory_space<hbm>>) target(%arg38 : memref<16x128xf32, #tpu.memory_space<vmem>>) target_semaphore(%arg55 : memref<!tpu.dma_semaphore, #tpu.memory_space<semaphore_mem>>)
        %slice3A_892 = vector.extract_strided_slice %gather3A_758 {offsets = [6], sizes = [1], strides = [1]} : vector<16xi32> to vector<1xi32>
        %squeeze3A_893 = vector.extract %slice3A_892[0] : i32 from vector<1xi32>
        %shift_right_arithmetic3A_894 = arith.constant 7 : i32
        %shift_right_arithmetic3A_895 = arith.shrsi %squeeze3A_893, %shift_right_arithmetic3A_894 : i32
        %mul3A_896 = arith.constant 128 : i32
        %mul3A_897 = arith.muli %shift_right_arithmetic3A_895, %mul3A_896 : i32
        %multiple_of3A_898 = tpu.assume_multiple %mul3A_897, 128 : i32
        %slice3A_899 = vector.extract_strided_slice %gather3A_759 {offsets = [6], sizes = [1], strides = [1]} : vector<16xi32> to vector<1xi32>
        %squeeze3A_900 = vector.extract %slice3A_899[0] : i32 from vector<1xi32>
        %shift_right_arithmetic3A_901 = arith.constant 7 : i32
        %shift_right_arithmetic3A_902 = arith.shrsi %squeeze3A_900, %shift_right_arithmetic3A_901 : i32
        %mul3A_903 = arith.constant 128 : i32
        %mul3A_904 = arith.muli %shift_right_arithmetic3A_902, %mul3A_903 : i32
        %multiple_of3A_905 = tpu.assume_multiple %mul3A_904, 128 : i32
        %dma_start3A_906 = arith.constant 0 : i32
        %dma_start3A_907 = tpu.memref_slice %arg2[%dma_start3A_906, %multiple_of3A_898] : memref<16x1000000xf32, #tpu.memory_space<hbm>> -> memref<16x128xf32, #tpu.memory_space<hbm>>
        %dma_start3A_908 = arith.constant 0 : i32
        %dma_start3A_909 = tpu.memref_slice %arg2[%dma_start3A_908, %multiple_of3A_898] : memref<16x1000000xf32, #tpu.memory_space<hbm>> -> memref<16x128xf32, #tpu.memory_space<hbm>>
        tpu.enqueue_dma source(%dma_start3A_909 : memref<16x128xf32, #tpu.memory_space<hbm>>) target(%arg23 : memref<16x128xf32, #tpu.memory_space<vmem>>) target_semaphore(%arg56 : memref<!tpu.dma_semaphore, #tpu.memory_space<semaphore_mem>>)
        %dma_start3A_910 = arith.constant 0 : i32
        %dma_start3A_911 = tpu.memref_slice %arg3[%dma_start3A_910, %multiple_of3A_905] : memref<16x1000000xf32, #tpu.memory_space<hbm>> -> memref<16x128xf32, #tpu.memory_space<hbm>>
        %dma_start3A_912 = arith.constant 0 : i32
        %dma_start3A_913 = tpu.memref_slice %arg3[%dma_start3A_912, %multiple_of3A_905] : memref<16x1000000xf32, #tpu.memory_space<hbm>> -> memref<16x128xf32, #tpu.memory_space<hbm>>
        tpu.enqueue_dma source(%dma_start3A_913 : memref<16x128xf32, #tpu.memory_space<hbm>>) target(%arg39 : memref<16x128xf32, #tpu.memory_space<vmem>>) target_semaphore(%arg56 : memref<!tpu.dma_semaphore, #tpu.memory_space<semaphore_mem>>)
        %slice3A_914 = vector.extract_strided_slice %gather3A_758 {offsets = [7], sizes = [1], strides = [1]} : vector<16xi32> to vector<1xi32>
        %squeeze3A_915 = vector.extract %slice3A_914[0] : i32 from vector<1xi32>
        %shift_right_arithmetic3A_916 = arith.constant 7 : i32
        %shift_right_arithmetic3A_917 = arith.shrsi %squeeze3A_915, %shift_right_arithmetic3A_916 : i32
        %mul3A_918 = arith.constant 128 : i32
        %mul3A_919 = arith.muli %shift_right_arithmetic3A_917, %mul3A_918 : i32
        %multiple_of3A_920 = tpu.assume_multiple %mul3A_919, 128 : i32
        %slice3A_921 = vector.extract_strided_slice %gather3A_759 {offsets = [7], sizes = [1], strides = [1]} : vector<16xi32> to vector<1xi32>
        %squeeze3A_922 = vector.extract %slice3A_921[0] : i32 from vector<1xi32>
        %shift_right_arithmetic3A_923 = arith.constant 7 : i32
        %shift_right_arithmetic3A_924 = arith.shrsi %squeeze3A_922, %shift_right_arithmetic3A_923 : i32
        %mul3A_925 = arith.constant 128 : i32
        %mul3A_926 = arith.muli %shift_right_arithmetic3A_924, %mul3A_925 : i32
        %multiple_of3A_927 = tpu.assume_multiple %mul3A_926, 128 : i32
        %dma_start3A_928 = arith.constant 0 : i32
        %dma_start3A_929 = tpu.memref_slice %arg2[%dma_start3A_928, %multiple_of3A_920] : memref<16x1000000xf32, #tpu.memory_space<hbm>> -> memref<16x128xf32, #tpu.memory_space<hbm>>
        %dma_start3A_930 = arith.constant 0 : i32
        %dma_start3A_931 = tpu.memref_slice %arg2[%dma_start3A_930, %multiple_of3A_920] : memref<16x1000000xf32, #tpu.memory_space<hbm>> -> memref<16x128xf32, #tpu.memory_space<hbm>>
        tpu.enqueue_dma source(%dma_start3A_931 : memref<16x128xf32, #tpu.memory_space<hbm>>) target(%arg24 : memref<16x128xf32, #tpu.memory_space<vmem>>) target_semaphore(%arg57 : memref<!tpu.dma_semaphore, #tpu.memory_space<semaphore_mem>>)
        %dma_start3A_932 = arith.constant 0 : i32
        %dma_start3A_933 = tpu.memref_slice %arg3[%dma_start3A_932, %multiple_of3A_927] : memref<16x1000000xf32, #tpu.memory_space<hbm>> -> memref<16x128xf32, #tpu.memory_space<hbm>>
        %dma_start3A_934 = arith.constant 0 : i32
        %dma_start3A_935 = tpu.memref_slice %arg3[%dma_start3A_934, %multiple_of3A_927] : memref<16x1000000xf32, #tpu.memory_space<hbm>> -> memref<16x128xf32, #tpu.memory_space<hbm>>
        tpu.enqueue_dma source(%dma_start3A_935 : memref<16x128xf32, #tpu.memory_space<hbm>>) target(%arg40 : memref<16x128xf32, #tpu.memory_space<vmem>>) target_semaphore(%arg57 : memref<!tpu.dma_semaphore, #tpu.memory_space<semaphore_mem>>)
      } else {
      }
      scf.yield %add3A_748 : vector<16xf32>
    }
    %scan3A_365 = arith.constant 32 : i32
    tpu.vector_store_idx %arg41[%iota3A], %scan3A_364 : memref<128xf32, #tpu.memory_space<vmem>>[vector<16xi32>], vector<16xf32>,
    %mul3A_366 = arith.constant 128 : i32
    %mul3A_367 = arith.muli %add3A, %mul3A_366 : i32
    %multiple_of3A_368 = tpu.assume_multiple %mul3A_367, 128 : i32
    "tpu.region"() ({
      %run_scoped3A = tpu.sem_alloc : memref<!tpu.dma_semaphore, #tpu.memory_space<semaphore_mem>>
      %dma_start3A_369 = tpu.memref_slice %arg6[%multiple_of3A_368] : memref<4096xf32, #tpu.memory_space<hbm>> -> memref<128xf32, #tpu.memory_space<hbm>>
      %dma_start3A_370 = tpu.memref_slice %arg6[%multiple_of3A_368] : memref<4096xf32, #tpu.memory_space<hbm>> -> memref<128xf32, #tpu.memory_space<hbm>>
      tpu.enqueue_dma source(%arg41 : memref<128xf32, #tpu.memory_space<vmem>>) target(%dma_start3A_370 : memref<128xf32, #tpu.memory_space<hbm>>) target_semaphore(%run_scoped3A : memref<!tpu.dma_semaphore, #tpu.memory_space<semaphore_mem>>)
      %dma_wait3A = tpu.memref_slice %arg6[%multiple_of3A_368] : memref<4096xf32, #tpu.memory_space<hbm>> -> memref<128xf32, #tpu.memory_space<hbm>>
      %dma_wait3A_371 = tpu.memref_slice %arg6[%multiple_of3A_368] : memref<4096xf32, #tpu.memory_space<hbm>> -> memref<128xf32, #tpu.memory_space<hbm>>
      tpu.wait_dma2 semaphore(%run_scoped3A : memref<!tpu.dma_semaphore, #tpu.memory_space<semaphore_mem>>) src(%arg41 : memref<128xf32, #tpu.memory_space<vmem>>) dst(%dma_wait3A_371 : memref<128xf32, #tpu.memory_space<hbm>>)
      tpu.yield
    }) : () -> ()
    return
  }
}

#map = affine_map<(d0, d1) -> (0, 0)>
#map1 = affine_map<(d0, d1) -> (0)>
module attributes {stable_mosaic.version = 14 : i64} {
  func.func @_finalize(%arg0: i32, %arg1: i32, %arg2: memref<128x128xi32, #tpu.memory_space<hbm>>, %arg3: memref<128x128xi32, #tpu.memory_space<hbm>>, %arg4: memref<1000000xf32, #tpu.memory_space<hbm>>, %arg5: memref<1000000xf32, #tpu.memory_space<hbm>>, %arg6: memref<4096xf32, #tpu.memory_space<hbm>>, %arg7: memref<16384xf32, #tpu.memory_space<hbm>>, %arg8: memref<4x128xi32, #tpu.memory_space<vmem>>, %arg9: memref<4x128xi32, #tpu.memory_space<vmem>>, %arg10: memref<512xf32, #tpu.memory_space<vmem>>, %arg11: memref<512xf32, #tpu.memory_space<vmem>>, %arg12: memref<4096xf32, #tpu.memory_space<vmem>>, %arg13: memref<512xf32, #tpu.memory_space<vmem>>, %arg14: memref<!tpu.dma_semaphore, #tpu.memory_space<semaphore_mem>>) attributes {dimension_semantics = [#tpu.dimension_semantics<core_parallel>, #tpu.dimension_semantics<subcore_parallel>], iteration_bounds = array<i64: 2, 16>, scalar_prefetch = 0 : i64, scratch_operands = 7 : i64, tpu.core_type = #tpu.core_type<sc_vector_subcore>, window_params = [{transform_indices = #map}, {transform_indices = #map}, {transform_indices = #map1}, {transform_indices = #map1}, {transform_indices = #map1}, {transform_indices = #map1}]} {
    %mul3A = arith.constant 2 : i32
    %mul3A_0 = arith.muli %arg1, %mul3A : i32
    %add3A = arith.addi %mul3A_0, %arg0 : i32
    %mul3A_1 = arith.constant 4 : i32
    %mul3A_2 = arith.muli %add3A, %mul3A_1 : i32
    %add3A_3 = arith.constant 0 : i32
    %add3A_4 = arith.addi %mul3A_2, %add3A_3 : i32
    %dma_start3A = arith.constant 0 : i32
    %dma_start3A_5 = arith.constant 0 : i32
    %dma_start3A_6 = tpu.memref_slice %arg8[%dma_start3A, %dma_start3A_5] : memref<4x128xi32, #tpu.memory_space<vmem>> -> memref<1x128xi32, #tpu.memory_space<vmem>>
    %dma_start3A_7 = tpu.memref_squeeze %dma_start3A_6 : memref<1x128xi32, #tpu.memory_space<vmem>> -> memref<128xi32, #tpu.memory_space<vmem>>
    %dma_start3A_8 = arith.constant 0 : i32
    %dma_start3A_9 = tpu.memref_slice %arg2[%add3A_4, %dma_start3A_8] : memref<128x128xi32, #tpu.memory_space<hbm>> -> memref<1x128xi32, #tpu.memory_space<hbm>>
    %dma_start3A_10 = tpu.memref_squeeze %dma_start3A_9 : memref<1x128xi32, #tpu.memory_space<hbm>> -> memref<128xi32, #tpu.memory_space<hbm>>
    %dma_start3A_11 = arith.constant 0 : i32
    %dma_start3A_12 = tpu.memref_slice %arg8[%dma_start3A, %dma_start3A_11] : memref<4x128xi32, #tpu.memory_space<vmem>> -> memref<1x128xi32, #tpu.memory_space<vmem>>
    %dma_start3A_13 = tpu.memref_squeeze %dma_start3A_12 : memref<1x128xi32, #tpu.memory_space<vmem>> -> memref<128xi32, #tpu.memory_space<vmem>>
    %dma_start3A_14 = arith.constant 0 : i32
    %dma_start3A_15 = tpu.memref_slice %arg2[%add3A_4, %dma_start3A_14] : memref<128x128xi32, #tpu.memory_space<hbm>> -> memref<1x128xi32, #tpu.memory_space<hbm>>
    %dma_start3A_16 = tpu.memref_squeeze %dma_start3A_15 : memref<1x128xi32, #tpu.memory_space<hbm>> -> memref<128xi32, #tpu.memory_space<hbm>>
    tpu.enqueue_dma source(%dma_start3A_16 : memref<128xi32, #tpu.memory_space<hbm>>) target(%dma_start3A_13 : memref<128xi32, #tpu.memory_space<vmem>>) target_semaphore(%arg14 : memref<!tpu.dma_semaphore, #tpu.memory_space<semaphore_mem>>)
    %mul3A_17 = arith.constant 4 : i32
    %mul3A_18 = arith.muli %add3A, %mul3A_17 : i32
    %add3A_19 = arith.constant 0 : i32
    %add3A_20 = arith.addi %mul3A_18, %add3A_19 : i32
    %dma_start3A_21 = arith.constant 0 : i32
    %dma_start3A_22 = arith.constant 0 : i32
    %dma_start3A_23 = tpu.memref_slice %arg9[%dma_start3A_21, %dma_start3A_22] : memref<4x128xi32, #tpu.memory_space<vmem>> -> memref<1x128xi32, #tpu.memory_space<vmem>>
    %dma_start3A_24 = tpu.memref_squeeze %dma_start3A_23 : memref<1x128xi32, #tpu.memory_space<vmem>> -> memref<128xi32, #tpu.memory_space<vmem>>
    %dma_start3A_25 = arith.constant 0 : i32
    %dma_start3A_26 = tpu.memref_slice %arg3[%add3A_20, %dma_start3A_25] : memref<128x128xi32, #tpu.memory_space<hbm>> -> memref<1x128xi32, #tpu.memory_space<hbm>>
    %dma_start3A_27 = tpu.memref_squeeze %dma_start3A_26 : memref<1x128xi32, #tpu.memory_space<hbm>> -> memref<128xi32, #tpu.memory_space<hbm>>
    %dma_start3A_28 = arith.constant 0 : i32
    %dma_start3A_29 = tpu.memref_slice %arg9[%dma_start3A_21, %dma_start3A_28] : memref<4x128xi32, #tpu.memory_space<vmem>> -> memref<1x128xi32, #tpu.memory_space<vmem>>
    %dma_start3A_30 = tpu.memref_squeeze %dma_start3A_29 : memref<1x128xi32, #tpu.memory_space<vmem>> -> memref<128xi32, #tpu.memory_space<vmem>>
    %dma_start3A_31 = arith.constant 0 : i32
    %dma_start3A_32 = tpu.memref_slice %arg3[%add3A_20, %dma_start3A_31] : memref<128x128xi32, #tpu.memory_space<hbm>> -> memref<1x128xi32, #tpu.memory_space<hbm>>
    %dma_start3A_33 = tpu.memref_squeeze %dma_start3A_32 : memref<1x128xi32, #tpu.memory_space<hbm>> -> memref<128xi32, #tpu.memory_space<hbm>>
    tpu.enqueue_dma source(%dma_start3A_33 : memref<128xi32, #tpu.memory_space<hbm>>) target(%dma_start3A_30 : memref<128xi32, #tpu.memory_space<vmem>>) target_semaphore(%arg14 : memref<!tpu.dma_semaphore, #tpu.memory_space<semaphore_mem>>)
    %mul3A_34 = arith.constant 4 : i32
    %mul3A_35 = arith.muli %add3A, %mul3A_34 : i32
    %add3A_36 = arith.constant 1 : i32
    %add3A_37 = arith.addi %mul3A_35, %add3A_36 : i32
    %dma_start3A_38 = arith.constant 1 : i32
    %dma_start3A_39 = arith.constant 0 : i32
    %dma_start3A_40 = tpu.memref_slice %arg8[%dma_start3A_38, %dma_start3A_39] : memref<4x128xi32, #tpu.memory_space<vmem>> -> memref<1x128xi32, #tpu.memory_space<vmem>>
    %dma_start3A_41 = tpu.memref_squeeze %dma_start3A_40 : memref<1x128xi32, #tpu.memory_space<vmem>> -> memref<128xi32, #tpu.memory_space<vmem>>
    %dma_start3A_42 = arith.constant 0 : i32
    %dma_start3A_43 = tpu.memref_slice %arg2[%add3A_37, %dma_start3A_42] : memref<128x128xi32, #tpu.memory_space<hbm>> -> memref<1x128xi32, #tpu.memory_space<hbm>>
    %dma_start3A_44 = tpu.memref_squeeze %dma_start3A_43 : memref<1x128xi32, #tpu.memory_space<hbm>> -> memref<128xi32, #tpu.memory_space<hbm>>
    %dma_start3A_45 = arith.constant 0 : i32
    %dma_start3A_46 = tpu.memref_slice %arg8[%dma_start3A_38, %dma_start3A_45] : memref<4x128xi32, #tpu.memory_space<vmem>> -> memref<1x128xi32, #tpu.memory_space<vmem>>
    %dma_start3A_47 = tpu.memref_squeeze %dma_start3A_46 : memref<1x128xi32, #tpu.memory_space<vmem>> -> memref<128xi32, #tpu.memory_space<vmem>>
    %dma_start3A_48 = arith.constant 0 : i32
    %dma_start3A_49 = tpu.memref_slice %arg2[%add3A_37, %dma_start3A_48] : memref<128x128xi32, #tpu.memory_space<hbm>> -> memref<1x128xi32, #tpu.memory_space<hbm>>
    %dma_start3A_50 = tpu.memref_squeeze %dma_start3A_49 : memref<1x128xi32, #tpu.memory_space<hbm>> -> memref<128xi32, #tpu.memory_space<hbm>>
    tpu.enqueue_dma source(%dma_start3A_50 : memref<128xi32, #tpu.memory_space<hbm>>) target(%dma_start3A_47 : memref<128xi32, #tpu.memory_space<vmem>>) target_semaphore(%arg14 : memref<!tpu.dma_semaphore, #tpu.memory_space<semaphore_mem>>)
    %mul3A_51 = arith.constant 4 : i32
    %mul3A_52 = arith.muli %add3A, %mul3A_51 : i32
    %add3A_53 = arith.constant 1 : i32
    %add3A_54 = arith.addi %mul3A_52, %add3A_53 : i32
    %dma_start3A_55 = arith.constant 1 : i32
    %dma_start3A_56 = arith.constant 0 : i32
    %dma_start3A_57 = tpu.memref_slice %arg9[%dma_start3A_55, %dma_start3A_56] : memref<4x128xi32, #tpu.memory_space<vmem>> -> memref<1x128xi32, #tpu.memory_space<vmem>>
    %dma_start3A_58 = tpu.memref_squeeze %dma_start3A_57 : memref<1x128xi32, #tpu.memory_space<vmem>> -> memref<128xi32, #tpu.memory_space<vmem>>
    %dma_start3A_59 = arith.constant 0 : i32
    %dma_start3A_60 = tpu.memref_slice %arg3[%add3A_54, %dma_start3A_59] : memref<128x128xi32, #tpu.memory_space<hbm>> -> memref<1x128xi32, #tpu.memory_space<hbm>>
    %dma_start3A_61 = tpu.memref_squeeze %dma_start3A_60 : memref<1x128xi32, #tpu.memory_space<hbm>> -> memref<128xi32, #tpu.memory_space<hbm>>
    %dma_start3A_62 = arith.constant 0 : i32
    %dma_start3A_63 = tpu.memref_slice %arg9[%dma_start3A_55, %dma_start3A_62] : memref<4x128xi32, #tpu.memory_space<vmem>> -> memref<1x128xi32, #tpu.memory_space<vmem>>
    %dma_start3A_64 = tpu.memref_squeeze %dma_start3A_63 : memref<1x128xi32, #tpu.memory_space<vmem>> -> memref<128xi32, #tpu.memory_space<vmem>>
    %dma_start3A_65 = arith.constant 0 : i32
    %dma_start3A_66 = tpu.memref_slice %arg3[%add3A_54, %dma_start3A_65] : memref<128x128xi32, #tpu.memory_space<hbm>> -> memref<1x128xi32, #tpu.memory_space<hbm>>
    %dma_start3A_67 = tpu.memref_squeeze %dma_start3A_66 : memref<1x128xi32, #tpu.memory_space<hbm>> -> memref<128xi32, #tpu.memory_space<hbm>>
    tpu.enqueue_dma source(%dma_start3A_67 : memref<128xi32, #tpu.memory_space<hbm>>) target(%dma_start3A_64 : memref<128xi32, #tpu.memory_space<vmem>>) target_semaphore(%arg14 : memref<!tpu.dma_semaphore, #tpu.memory_space<semaphore_mem>>)
    %mul3A_68 = arith.constant 4 : i32
    %mul3A_69 = arith.muli %add3A, %mul3A_68 : i32
    %add3A_70 = arith.constant 2 : i32
    %add3A_71 = arith.addi %mul3A_69, %add3A_70 : i32
    %dma_start3A_72 = arith.constant 2 : i32
    %dma_start3A_73 = arith.constant 0 : i32
    %dma_start3A_74 = tpu.memref_slice %arg8[%dma_start3A_72, %dma_start3A_73] : memref<4x128xi32, #tpu.memory_space<vmem>> -> memref<1x128xi32, #tpu.memory_space<vmem>>
    %dma_start3A_75 = tpu.memref_squeeze %dma_start3A_74 : memref<1x128xi32, #tpu.memory_space<vmem>> -> memref<128xi32, #tpu.memory_space<vmem>>
    %dma_start3A_76 = arith.constant 0 : i32
    %dma_start3A_77 = tpu.memref_slice %arg2[%add3A_71, %dma_start3A_76] : memref<128x128xi32, #tpu.memory_space<hbm>> -> memref<1x128xi32, #tpu.memory_space<hbm>>
    %dma_start3A_78 = tpu.memref_squeeze %dma_start3A_77 : memref<1x128xi32, #tpu.memory_space<hbm>> -> memref<128xi32, #tpu.memory_space<hbm>>
    %dma_start3A_79 = arith.constant 0 : i32
    %dma_start3A_80 = tpu.memref_slice %arg8[%dma_start3A_72, %dma_start3A_79] : memref<4x128xi32, #tpu.memory_space<vmem>> -> memref<1x128xi32, #tpu.memory_space<vmem>>
    %dma_start3A_81 = tpu.memref_squeeze %dma_start3A_80 : memref<1x128xi32, #tpu.memory_space<vmem>> -> memref<128xi32, #tpu.memory_space<vmem>>
    %dma_start3A_82 = arith.constant 0 : i32
    %dma_start3A_83 = tpu.memref_slice %arg2[%add3A_71, %dma_start3A_82] : memref<128x128xi32, #tpu.memory_space<hbm>> -> memref<1x128xi32, #tpu.memory_space<hbm>>
    %dma_start3A_84 = tpu.memref_squeeze %dma_start3A_83 : memref<1x128xi32, #tpu.memory_space<hbm>> -> memref<128xi32, #tpu.memory_space<hbm>>
    tpu.enqueue_dma source(%dma_start3A_84 : memref<128xi32, #tpu.memory_space<hbm>>) target(%dma_start3A_81 : memref<128xi32, #tpu.memory_space<vmem>>) target_semaphore(%arg14 : memref<!tpu.dma_semaphore, #tpu.memory_space<semaphore_mem>>)
    %mul3A_85 = arith.constant 4 : i32
    %mul3A_86 = arith.muli %add3A, %mul3A_85 : i32
    %add3A_87 = arith.constant 2 : i32
    %add3A_88 = arith.addi %mul3A_86, %add3A_87 : i32
    %dma_start3A_89 = arith.constant 2 : i32
    %dma_start3A_90 = arith.constant 0 : i32
    %dma_start3A_91 = tpu.memref_slice %arg9[%dma_start3A_89, %dma_start3A_90] : memref<4x128xi32, #tpu.memory_space<vmem>> -> memref<1x128xi32, #tpu.memory_space<vmem>>
    %dma_start3A_92 = tpu.memref_squeeze %dma_start3A_91 : memref<1x128xi32, #tpu.memory_space<vmem>> -> memref<128xi32, #tpu.memory_space<vmem>>
    %dma_start3A_93 = arith.constant 0 : i32
    %dma_start3A_94 = tpu.memref_slice %arg3[%add3A_88, %dma_start3A_93] : memref<128x128xi32, #tpu.memory_space<hbm>> -> memref<1x128xi32, #tpu.memory_space<hbm>>
    %dma_start3A_95 = tpu.memref_squeeze %dma_start3A_94 : memref<1x128xi32, #tpu.memory_space<hbm>> -> memref<128xi32, #tpu.memory_space<hbm>>
    %dma_start3A_96 = arith.constant 0 : i32
    %dma_start3A_97 = tpu.memref_slice %arg9[%dma_start3A_89, %dma_start3A_96] : memref<4x128xi32, #tpu.memory_space<vmem>> -> memref<1x128xi32, #tpu.memory_space<vmem>>
    %dma_start3A_98 = tpu.memref_squeeze %dma_start3A_97 : memref<1x128xi32, #tpu.memory_space<vmem>> -> memref<128xi32, #tpu.memory_space<vmem>>
    %dma_start3A_99 = arith.constant 0 : i32
    %dma_start3A_100 = tpu.memref_slice %arg3[%add3A_88, %dma_start3A_99] : memref<128x128xi32, #tpu.memory_space<hbm>> -> memref<1x128xi32, #tpu.memory_space<hbm>>
    %dma_start3A_101 = tpu.memref_squeeze %dma_start3A_100 : memref<1x128xi32, #tpu.memory_space<hbm>> -> memref<128xi32, #tpu.memory_space<hbm>>
    tpu.enqueue_dma source(%dma_start3A_101 : memref<128xi32, #tpu.memory_space<hbm>>) target(%dma_start3A_98 : memref<128xi32, #tpu.memory_space<vmem>>) target_semaphore(%arg14 : memref<!tpu.dma_semaphore, #tpu.memory_space<semaphore_mem>>)
    %mul3A_102 = arith.constant 4 : i32
    %mul3A_103 = arith.muli %add3A, %mul3A_102 : i32
    %add3A_104 = arith.constant 3 : i32
    %add3A_105 = arith.addi %mul3A_103, %add3A_104 : i32
    %dma_start3A_106 = arith.constant 3 : i32
    %dma_start3A_107 = arith.constant 0 : i32
    %dma_start3A_108 = tpu.memref_slice %arg8[%dma_start3A_106, %dma_start3A_107] : memref<4x128xi32, #tpu.memory_space<vmem>> -> memref<1x128xi32, #tpu.memory_space<vmem>>
    %dma_start3A_109 = tpu.memref_squeeze %dma_start3A_108 : memref<1x128xi32, #tpu.memory_space<vmem>> -> memref<128xi32, #tpu.memory_space<vmem>>
    %dma_start3A_110 = arith.constant 0 : i32
    %dma_start3A_111 = tpu.memref_slice %arg2[%add3A_105, %dma_start3A_110] : memref<128x128xi32, #tpu.memory_space<hbm>> -> memref<1x128xi32, #tpu.memory_space<hbm>>
    %dma_start3A_112 = tpu.memref_squeeze %dma_start3A_111 : memref<1x128xi32, #tpu.memory_space<hbm>> -> memref<128xi32, #tpu.memory_space<hbm>>
    %dma_start3A_113 = arith.constant 0 : i32
    %dma_start3A_114 = tpu.memref_slice %arg8[%dma_start3A_106, %dma_start3A_113] : memref<4x128xi32, #tpu.memory_space<vmem>> -> memref<1x128xi32, #tpu.memory_space<vmem>>
    %dma_start3A_115 = tpu.memref_squeeze %dma_start3A_114 : memref<1x128xi32, #tpu.memory_space<vmem>> -> memref<128xi32, #tpu.memory_space<vmem>>
    %dma_start3A_116 = arith.constant 0 : i32
    %dma_start3A_117 = tpu.memref_slice %arg2[%add3A_105, %dma_start3A_116] : memref<128x128xi32, #tpu.memory_space<hbm>> -> memref<1x128xi32, #tpu.memory_space<hbm>>
    %dma_start3A_118 = tpu.memref_squeeze %dma_start3A_117 : memref<1x128xi32, #tpu.memory_space<hbm>> -> memref<128xi32, #tpu.memory_space<hbm>>
    tpu.enqueue_dma source(%dma_start3A_118 : memref<128xi32, #tpu.memory_space<hbm>>) target(%dma_start3A_115 : memref<128xi32, #tpu.memory_space<vmem>>) target_semaphore(%arg14 : memref<!tpu.dma_semaphore, #tpu.memory_space<semaphore_mem>>)
    %mul3A_119 = arith.constant 4 : i32
    %mul3A_120 = arith.muli %add3A, %mul3A_119 : i32
    %add3A_121 = arith.constant 3 : i32
    %add3A_122 = arith.addi %mul3A_120, %add3A_121 : i32
    %dma_start3A_123 = arith.constant 3 : i32
    %dma_start3A_124 = arith.constant 0 : i32
    %dma_start3A_125 = tpu.memref_slice %arg9[%dma_start3A_123, %dma_start3A_124] : memref<4x128xi32, #tpu.memory_space<vmem>> -> memref<1x128xi32, #tpu.memory_space<vmem>>
    %dma_start3A_126 = tpu.memref_squeeze %dma_start3A_125 : memref<1x128xi32, #tpu.memory_space<vmem>> -> memref<128xi32, #tpu.memory_space<vmem>>
    %dma_start3A_127 = arith.constant 0 : i32
    %dma_start3A_128 = tpu.memref_slice %arg3[%add3A_122, %dma_start3A_127] : memref<128x128xi32, #tpu.memory_space<hbm>> -> memref<1x128xi32, #tpu.memory_space<hbm>>
    %dma_start3A_129 = tpu.memref_squeeze %dma_start3A_128 : memref<1x128xi32, #tpu.memory_space<hbm>> -> memref<128xi32, #tpu.memory_space<hbm>>
    %dma_start3A_130 = arith.constant 0 : i32
    %dma_start3A_131 = tpu.memref_slice %arg9[%dma_start3A_123, %dma_start3A_130] : memref<4x128xi32, #tpu.memory_space<vmem>> -> memref<1x128xi32, #tpu.memory_space<vmem>>
    %dma_start3A_132 = tpu.memref_squeeze %dma_start3A_131 : memref<1x128xi32, #tpu.memory_space<vmem>> -> memref<128xi32, #tpu.memory_space<vmem>>
    %dma_start3A_133 = arith.constant 0 : i32
    %dma_start3A_134 = tpu.memref_slice %arg3[%add3A_122, %dma_start3A_133] : memref<128x128xi32, #tpu.memory_space<hbm>> -> memref<1x128xi32, #tpu.memory_space<hbm>>
    %dma_start3A_135 = tpu.memref_squeeze %dma_start3A_134 : memref<1x128xi32, #tpu.memory_space<hbm>> -> memref<128xi32, #tpu.memory_space<hbm>>
    tpu.enqueue_dma source(%dma_start3A_135 : memref<128xi32, #tpu.memory_space<hbm>>) target(%dma_start3A_132 : memref<128xi32, #tpu.memory_space<vmem>>) target_semaphore(%arg14 : memref<!tpu.dma_semaphore, #tpu.memory_space<semaphore_mem>>)
    tpu.enqueue_dma source(%arg6 : memref<4096xf32, #tpu.memory_space<hbm>>) target(%arg12 : memref<4096xf32, #tpu.memory_space<vmem>>) target_semaphore(%arg14 : memref<!tpu.dma_semaphore, #tpu.memory_space<semaphore_mem>>)
    %dma_wait3A = arith.constant 0 : i32
    %dma_wait3A_136 = arith.constant 0 : i32
    %dma_wait3A_137 = tpu.memref_slice %arg8[%dma_wait3A, %dma_wait3A_136] : memref<4x128xi32, #tpu.memory_space<vmem>> -> memref<1x128xi32, #tpu.memory_space<vmem>>
    %dma_wait3A_138 = tpu.memref_squeeze %dma_wait3A_137 : memref<1x128xi32, #tpu.memory_space<vmem>> -> memref<128xi32, #tpu.memory_space<vmem>>
    %dma_wait3A_139 = arith.constant 0 : i32
    %dma_wait3A_140 = tpu.memref_slice %arg2[%add3A_4, %dma_wait3A_139] : memref<128x128xi32, #tpu.memory_space<hbm>> -> memref<1x128xi32, #tpu.memory_space<hbm>>
    %dma_wait3A_141 = tpu.memref_squeeze %dma_wait3A_140 : memref<1x128xi32, #tpu.memory_space<hbm>> -> memref<128xi32, #tpu.memory_space<hbm>>
    %dma_wait3A_142 = arith.constant 0 : i32
    %dma_wait3A_143 = tpu.memref_slice %arg8[%dma_wait3A, %dma_wait3A_142] : memref<4x128xi32, #tpu.memory_space<vmem>> -> memref<1x128xi32, #tpu.memory_space<vmem>>
    %dma_wait3A_144 = tpu.memref_squeeze %dma_wait3A_143 : memref<1x128xi32, #tpu.memory_space<vmem>> -> memref<128xi32, #tpu.memory_space<vmem>>
    %dma_wait3A_145 = arith.constant 0 : i32
    %dma_wait3A_146 = tpu.memref_slice %arg2[%add3A_4, %dma_wait3A_145] : memref<128x128xi32, #tpu.memory_space<hbm>> -> memref<1x128xi32, #tpu.memory_space<hbm>>
    %dma_wait3A_147 = tpu.memref_squeeze %dma_wait3A_146 : memref<1x128xi32, #tpu.memory_space<hbm>> -> memref<128xi32, #tpu.memory_space<hbm>>
    tpu.wait_dma2 semaphore(%arg14 : memref<!tpu.dma_semaphore, #tpu.memory_space<semaphore_mem>>) src(%dma_wait3A_147 : memref<128xi32, #tpu.memory_space<hbm>>) dst(%dma_wait3A_144 : memref<128xi32, #tpu.memory_space<vmem>>)
    %dma_wait3A_148 = arith.constant 0 : i32
    %dma_wait3A_149 = arith.constant 0 : i32
    %dma_wait3A_150 = tpu.memref_slice %arg9[%dma_wait3A_148, %dma_wait3A_149] : memref<4x128xi32, #tpu.memory_space<vmem>> -> memref<1x128xi32, #tpu.memory_space<vmem>>
    %dma_wait3A_151 = tpu.memref_squeeze %dma_wait3A_150 : memref<1x128xi32, #tpu.memory_space<vmem>> -> memref<128xi32, #tpu.memory_space<vmem>>
    %dma_wait3A_152 = arith.constant 0 : i32
    %dma_wait3A_153 = tpu.memref_slice %arg3[%add3A_20, %dma_wait3A_152] : memref<128x128xi32, #tpu.memory_space<hbm>> -> memref<1x128xi32, #tpu.memory_space<hbm>>
    %dma_wait3A_154 = tpu.memref_squeeze %dma_wait3A_153 : memref<1x128xi32, #tpu.memory_space<hbm>> -> memref<128xi32, #tpu.memory_space<hbm>>
    %dma_wait3A_155 = arith.constant 0 : i32
    %dma_wait3A_156 = tpu.memref_slice %arg9[%dma_wait3A_148, %dma_wait3A_155] : memref<4x128xi32, #tpu.memory_space<vmem>> -> memref<1x128xi32, #tpu.memory_space<vmem>>
    %dma_wait3A_157 = tpu.memref_squeeze %dma_wait3A_156 : memref<1x128xi32, #tpu.memory_space<vmem>> -> memref<128xi32, #tpu.memory_space<vmem>>
    %dma_wait3A_158 = arith.constant 0 : i32
    %dma_wait3A_159 = tpu.memref_slice %arg3[%add3A_20, %dma_wait3A_158] : memref<128x128xi32, #tpu.memory_space<hbm>> -> memref<1x128xi32, #tpu.memory_space<hbm>>
    %dma_wait3A_160 = tpu.memref_squeeze %dma_wait3A_159 : memref<1x128xi32, #tpu.memory_space<hbm>> -> memref<128xi32, #tpu.memory_space<hbm>>
    tpu.wait_dma2 semaphore(%arg14 : memref<!tpu.dma_semaphore, #tpu.memory_space<semaphore_mem>>) src(%dma_wait3A_160 : memref<128xi32, #tpu.memory_space<hbm>>) dst(%dma_wait3A_157 : memref<128xi32, #tpu.memory_space<vmem>>)
    %dma_wait3A_161 = arith.constant 1 : i32
    %dma_wait3A_162 = arith.constant 0 : i32
    %dma_wait3A_163 = tpu.memref_slice %arg8[%dma_wait3A_161, %dma_wait3A_162] : memref<4x128xi32, #tpu.memory_space<vmem>> -> memref<1x128xi32, #tpu.memory_space<vmem>>
    %dma_wait3A_164 = tpu.memref_squeeze %dma_wait3A_163 : memref<1x128xi32, #tpu.memory_space<vmem>> -> memref<128xi32, #tpu.memory_space<vmem>>
    %dma_wait3A_165 = arith.constant 0 : i32
    %dma_wait3A_166 = tpu.memref_slice %arg2[%add3A_37, %dma_wait3A_165] : memref<128x128xi32, #tpu.memory_space<hbm>> -> memref<1x128xi32, #tpu.memory_space<hbm>>
    %dma_wait3A_167 = tpu.memref_squeeze %dma_wait3A_166 : memref<1x128xi32, #tpu.memory_space<hbm>> -> memref<128xi32, #tpu.memory_space<hbm>>
    %dma_wait3A_168 = arith.constant 0 : i32
    %dma_wait3A_169 = tpu.memref_slice %arg8[%dma_wait3A_161, %dma_wait3A_168] : memref<4x128xi32, #tpu.memory_space<vmem>> -> memref<1x128xi32, #tpu.memory_space<vmem>>
    %dma_wait3A_170 = tpu.memref_squeeze %dma_wait3A_169 : memref<1x128xi32, #tpu.memory_space<vmem>> -> memref<128xi32, #tpu.memory_space<vmem>>
    %dma_wait3A_171 = arith.constant 0 : i32
    %dma_wait3A_172 = tpu.memref_slice %arg2[%add3A_37, %dma_wait3A_171] : memref<128x128xi32, #tpu.memory_space<hbm>> -> memref<1x128xi32, #tpu.memory_space<hbm>>
    %dma_wait3A_173 = tpu.memref_squeeze %dma_wait3A_172 : memref<1x128xi32, #tpu.memory_space<hbm>> -> memref<128xi32, #tpu.memory_space<hbm>>
    tpu.wait_dma2 semaphore(%arg14 : memref<!tpu.dma_semaphore, #tpu.memory_space<semaphore_mem>>) src(%dma_wait3A_173 : memref<128xi32, #tpu.memory_space<hbm>>) dst(%dma_wait3A_170 : memref<128xi32, #tpu.memory_space<vmem>>)
    %dma_wait3A_174 = arith.constant 1 : i32
    %dma_wait3A_175 = arith.constant 0 : i32
    %dma_wait3A_176 = tpu.memref_slice %arg9[%dma_wait3A_174, %dma_wait3A_175] : memref<4x128xi32, #tpu.memory_space<vmem>> -> memref<1x128xi32, #tpu.memory_space<vmem>>
    %dma_wait3A_177 = tpu.memref_squeeze %dma_wait3A_176 : memref<1x128xi32, #tpu.memory_space<vmem>> -> memref<128xi32, #tpu.memory_space<vmem>>
    %dma_wait3A_178 = arith.constant 0 : i32
    %dma_wait3A_179 = tpu.memref_slice %arg3[%add3A_54, %dma_wait3A_178] : memref<128x128xi32, #tpu.memory_space<hbm>> -> memref<1x128xi32, #tpu.memory_space<hbm>>
    %dma_wait3A_180 = tpu.memref_squeeze %dma_wait3A_179 : memref<1x128xi32, #tpu.memory_space<hbm>> -> memref<128xi32, #tpu.memory_space<hbm>>
    %dma_wait3A_181 = arith.constant 0 : i32
    %dma_wait3A_182 = tpu.memref_slice %arg9[%dma_wait3A_174, %dma_wait3A_181] : memref<4x128xi32, #tpu.memory_space<vmem>> -> memref<1x128xi32, #tpu.memory_space<vmem>>
    %dma_wait3A_183 = tpu.memref_squeeze %dma_wait3A_182 : memref<1x128xi32, #tpu.memory_space<vmem>> -> memref<128xi32, #tpu.memory_space<vmem>>
    %dma_wait3A_184 = arith.constant 0 : i32
    %dma_wait3A_185 = tpu.memref_slice %arg3[%add3A_54, %dma_wait3A_184] : memref<128x128xi32, #tpu.memory_space<hbm>> -> memref<1x128xi32, #tpu.memory_space<hbm>>
    %dma_wait3A_186 = tpu.memref_squeeze %dma_wait3A_185 : memref<1x128xi32, #tpu.memory_space<hbm>> -> memref<128xi32, #tpu.memory_space<hbm>>
    tpu.wait_dma2 semaphore(%arg14 : memref<!tpu.dma_semaphore, #tpu.memory_space<semaphore_mem>>) src(%dma_wait3A_186 : memref<128xi32, #tpu.memory_space<hbm>>) dst(%dma_wait3A_183 : memref<128xi32, #tpu.memory_space<vmem>>)
    %dma_wait3A_187 = arith.constant 2 : i32
    %dma_wait3A_188 = arith.constant 0 : i32
    %dma_wait3A_189 = tpu.memref_slice %arg8[%dma_wait3A_187, %dma_wait3A_188] : memref<4x128xi32, #tpu.memory_space<vmem>> -> memref<1x128xi32, #tpu.memory_space<vmem>>
    %dma_wait3A_190 = tpu.memref_squeeze %dma_wait3A_189 : memref<1x128xi32, #tpu.memory_space<vmem>> -> memref<128xi32, #tpu.memory_space<vmem>>
    %dma_wait3A_191 = arith.constant 0 : i32
    %dma_wait3A_192 = tpu.memref_slice %arg2[%add3A_71, %dma_wait3A_191] : memref<128x128xi32, #tpu.memory_space<hbm>> -> memref<1x128xi32, #tpu.memory_space<hbm>>
    %dma_wait3A_193 = tpu.memref_squeeze %dma_wait3A_192 : memref<1x128xi32, #tpu.memory_space<hbm>> -> memref<128xi32, #tpu.memory_space<hbm>>
    %dma_wait3A_194 = arith.constant 0 : i32
    %dma_wait3A_195 = tpu.memref_slice %arg8[%dma_wait3A_187, %dma_wait3A_194] : memref<4x128xi32, #tpu.memory_space<vmem>> -> memref<1x128xi32, #tpu.memory_space<vmem>>
    %dma_wait3A_196 = tpu.memref_squeeze %dma_wait3A_195 : memref<1x128xi32, #tpu.memory_space<vmem>> -> memref<128xi32, #tpu.memory_space<vmem>>
    %dma_wait3A_197 = arith.constant 0 : i32
    %dma_wait3A_198 = tpu.memref_slice %arg2[%add3A_71, %dma_wait3A_197] : memref<128x128xi32, #tpu.memory_space<hbm>> -> memref<1x128xi32, #tpu.memory_space<hbm>>
    %dma_wait3A_199 = tpu.memref_squeeze %dma_wait3A_198 : memref<1x128xi32, #tpu.memory_space<hbm>> -> memref<128xi32, #tpu.memory_space<hbm>>
    tpu.wait_dma2 semaphore(%arg14 : memref<!tpu.dma_semaphore, #tpu.memory_space<semaphore_mem>>) src(%dma_wait3A_199 : memref<128xi32, #tpu.memory_space<hbm>>) dst(%dma_wait3A_196 : memref<128xi32, #tpu.memory_space<vmem>>)
    %dma_wait3A_200 = arith.constant 2 : i32
    %dma_wait3A_201 = arith.constant 0 : i32
    %dma_wait3A_202 = tpu.memref_slice %arg9[%dma_wait3A_200, %dma_wait3A_201] : memref<4x128xi32, #tpu.memory_space<vmem>> -> memref<1x128xi32, #tpu.memory_space<vmem>>
    %dma_wait3A_203 = tpu.memref_squeeze %dma_wait3A_202 : memref<1x128xi32, #tpu.memory_space<vmem>> -> memref<128xi32, #tpu.memory_space<vmem>>
    %dma_wait3A_204 = arith.constant 0 : i32
    %dma_wait3A_205 = tpu.memref_slice %arg3[%add3A_88, %dma_wait3A_204] : memref<128x128xi32, #tpu.memory_space<hbm>> -> memref<1x128xi32, #tpu.memory_space<hbm>>
    %dma_wait3A_206 = tpu.memref_squeeze %dma_wait3A_205 : memref<1x128xi32, #tpu.memory_space<hbm>> -> memref<128xi32, #tpu.memory_space<hbm>>
    %dma_wait3A_207 = arith.constant 0 : i32
    %dma_wait3A_208 = tpu.memref_slice %arg9[%dma_wait3A_200, %dma_wait3A_207] : memref<4x128xi32, #tpu.memory_space<vmem>> -> memref<1x128xi32, #tpu.memory_space<vmem>>
    %dma_wait3A_209 = tpu.memref_squeeze %dma_wait3A_208 : memref<1x128xi32, #tpu.memory_space<vmem>> -> memref<128xi32, #tpu.memory_space<vmem>>
    %dma_wait3A_210 = arith.constant 0 : i32
    %dma_wait3A_211 = tpu.memref_slice %arg3[%add3A_88, %dma_wait3A_210] : memref<128x128xi32, #tpu.memory_space<hbm>> -> memref<1x128xi32, #tpu.memory_space<hbm>>
    %dma_wait3A_212 = tpu.memref_squeeze %dma_wait3A_211 : memref<1x128xi32, #tpu.memory_space<hbm>> -> memref<128xi32, #tpu.memory_space<hbm>>
    tpu.wait_dma2 semaphore(%arg14 : memref<!tpu.dma_semaphore, #tpu.memory_space<semaphore_mem>>) src(%dma_wait3A_212 : memref<128xi32, #tpu.memory_space<hbm>>) dst(%dma_wait3A_209 : memref<128xi32, #tpu.memory_space<vmem>>)
    %dma_wait3A_213 = arith.constant 3 : i32
    %dma_wait3A_214 = arith.constant 0 : i32
    %dma_wait3A_215 = tpu.memref_slice %arg8[%dma_wait3A_213, %dma_wait3A_214] : memref<4x128xi32, #tpu.memory_space<vmem>> -> memref<1x128xi32, #tpu.memory_space<vmem>>
    %dma_wait3A_216 = tpu.memref_squeeze %dma_wait3A_215 : memref<1x128xi32, #tpu.memory_space<vmem>> -> memref<128xi32, #tpu.memory_space<vmem>>
    %dma_wait3A_217 = arith.constant 0 : i32
    %dma_wait3A_218 = tpu.memref_slice %arg2[%add3A_105, %dma_wait3A_217] : memref<128x128xi32, #tpu.memory_space<hbm>> -> memref<1x128xi32, #tpu.memory_space<hbm>>
    %dma_wait3A_219 = tpu.memref_squeeze %dma_wait3A_218 : memref<1x128xi32, #tpu.memory_space<hbm>> -> memref<128xi32, #tpu.memory_space<hbm>>
    %dma_wait3A_220 = arith.constant 0 : i32
    %dma_wait3A_221 = tpu.memref_slice %arg8[%dma_wait3A_213, %dma_wait3A_220] : memref<4x128xi32, #tpu.memory_space<vmem>> -> memref<1x128xi32, #tpu.memory_space<vmem>>
    %dma_wait3A_222 = tpu.memref_squeeze %dma_wait3A_221 : memref<1x128xi32, #tpu.memory_space<vmem>> -> memref<128xi32, #tpu.memory_space<vmem>>
    %dma_wait3A_223 = arith.constant 0 : i32
    %dma_wait3A_224 = tpu.memref_slice %arg2[%add3A_105, %dma_wait3A_223] : memref<128x128xi32, #tpu.memory_space<hbm>> -> memref<1x128xi32, #tpu.memory_space<hbm>>
    %dma_wait3A_225 = tpu.memref_squeeze %dma_wait3A_224 : memref<1x128xi32, #tpu.memory_space<hbm>> -> memref<128xi32, #tpu.memory_space<hbm>>
    tpu.wait_dma2 semaphore(%arg14 : memref<!tpu.dma_semaphore, #tpu.memory_space<semaphore_mem>>) src(%dma_wait3A_225 : memref<128xi32, #tpu.memory_space<hbm>>) dst(%dma_wait3A_222 : memref<128xi32, #tpu.memory_space<vmem>>)
    %dma_wait3A_226 = arith.constant 3 : i32
    %dma_wait3A_227 = arith.constant 0 : i32
    %dma_wait3A_228 = tpu.memref_slice %arg9[%dma_wait3A_226, %dma_wait3A_227] : memref<4x128xi32, #tpu.memory_space<vmem>> -> memref<1x128xi32, #tpu.memory_space<vmem>>
    %dma_wait3A_229 = tpu.memref_squeeze %dma_wait3A_228 : memref<1x128xi32, #tpu.memory_space<vmem>> -> memref<128xi32, #tpu.memory_space<vmem>>
    %dma_wait3A_230 = arith.constant 0 : i32
    %dma_wait3A_231 = tpu.memref_slice %arg3[%add3A_122, %dma_wait3A_230] : memref<128x128xi32, #tpu.memory_space<hbm>> -> memref<1x128xi32, #tpu.memory_space<hbm>>
    %dma_wait3A_232 = tpu.memref_squeeze %dma_wait3A_231 : memref<1x128xi32, #tpu.memory_space<hbm>> -> memref<128xi32, #tpu.memory_space<hbm>>
    %dma_wait3A_233 = arith.constant 0 : i32
    %dma_wait3A_234 = tpu.memref_slice %arg9[%dma_wait3A_226, %dma_wait3A_233] : memref<4x128xi32, #tpu.memory_space<vmem>> -> memref<1x128xi32, #tpu.memory_space<vmem>>
    %dma_wait3A_235 = tpu.memref_squeeze %dma_wait3A_234 : memref<1x128xi32, #tpu.memory_space<vmem>> -> memref<128xi32, #tpu.memory_space<vmem>>
    %dma_wait3A_236 = arith.constant 0 : i32
    %dma_wait3A_237 = tpu.memref_slice %arg3[%add3A_122, %dma_wait3A_236] : memref<128x128xi32, #tpu.memory_space<hbm>> -> memref<1x128xi32, #tpu.memory_space<hbm>>
    %dma_wait3A_238 = tpu.memref_squeeze %dma_wait3A_237 : memref<1x128xi32, #tpu.memory_space<hbm>> -> memref<128xi32, #tpu.memory_space<hbm>>
    tpu.wait_dma2 semaphore(%arg14 : memref<!tpu.dma_semaphore, #tpu.memory_space<semaphore_mem>>) src(%dma_wait3A_238 : memref<128xi32, #tpu.memory_space<hbm>>) dst(%dma_wait3A_235 : memref<128xi32, #tpu.memory_space<vmem>>)
    tpu.wait_dma2 semaphore(%arg14 : memref<!tpu.dma_semaphore, #tpu.memory_space<semaphore_mem>>) src(%arg6 : memref<4096xf32, #tpu.memory_space<hbm>>) dst(%arg12 : memref<4096xf32, #tpu.memory_space<vmem>>)
    %dma_start3A_239 = arith.constant 0 : i32
    %dma_start3A_240 = arith.constant 0 : i32
    %dma_start3A_241 = tpu.memref_slice %arg10[%dma_start3A_240] : memref<512xf32, #tpu.memory_space<vmem>> -> memref<128xf32, #tpu.memory_space<vmem>>
    %dma_start3A_242 = arith.constant 0 : i32
    %dma_start3A_243 = tpu.memref_slice %arg8[%dma_start3A_239, %dma_start3A_242] : memref<4x128xi32, #tpu.memory_space<vmem>> -> memref<1x128xi32, #tpu.memory_space<vmem>>
    %dma_start3A_244 = tpu.memref_squeeze %dma_start3A_243 : memref<1x128xi32, #tpu.memory_space<vmem>> -> memref<128xi32, #tpu.memory_space<vmem>>
    %dma_start3A_245 = arith.constant 0 : i32
    %dma_start3A_246 = tpu.memref_slice %arg4[%dma_start3A_245] : memref<1000000xf32, #tpu.memory_space<hbm>> -> memref<1000000xf32, #tpu.memory_space<hbm>>
    tpu.enqueue_indirect_dma source(%dma_start3A_246 : memref<1000000xf32, #tpu.memory_space<hbm>>) target(%dma_start3A_241 : memref<128xf32, #tpu.memory_space<vmem>>) offsets(%dma_start3A_244 : memref<128xi32, #tpu.memory_space<vmem>>) semaphore(%arg14 : memref<!tpu.dma_semaphore, #tpu.memory_space<semaphore_mem>>)
    %dma_start3A_247 = arith.constant 0 : i32
    %dma_start3A_248 = arith.constant 0 : i32
    %dma_start3A_249 = tpu.memref_slice %arg11[%dma_start3A_248] : memref<512xf32, #tpu.memory_space<vmem>> -> memref<128xf32, #tpu.memory_space<vmem>>
    %dma_start3A_250 = arith.constant 0 : i32
    %dma_start3A_251 = tpu.memref_slice %arg9[%dma_start3A_247, %dma_start3A_250] : memref<4x128xi32, #tpu.memory_space<vmem>> -> memref<1x128xi32, #tpu.memory_space<vmem>>
    %dma_start3A_252 = tpu.memref_squeeze %dma_start3A_251 : memref<1x128xi32, #tpu.memory_space<vmem>> -> memref<128xi32, #tpu.memory_space<vmem>>
    %dma_start3A_253 = arith.constant 0 : i32
    %dma_start3A_254 = tpu.memref_slice %arg5[%dma_start3A_253] : memref<1000000xf32, #tpu.memory_space<hbm>> -> memref<1000000xf32, #tpu.memory_space<hbm>>
    tpu.enqueue_indirect_dma source(%dma_start3A_254 : memref<1000000xf32, #tpu.memory_space<hbm>>) target(%dma_start3A_249 : memref<128xf32, #tpu.memory_space<vmem>>) offsets(%dma_start3A_252 : memref<128xi32, #tpu.memory_space<vmem>>) semaphore(%arg14 : memref<!tpu.dma_semaphore, #tpu.memory_space<semaphore_mem>>)
    %dma_start3A_255 = arith.constant 1 : i32
    %dma_start3A_256 = arith.constant 128 : i32
    %dma_start3A_257 = tpu.memref_slice %arg10[%dma_start3A_256] : memref<512xf32, #tpu.memory_space<vmem>> -> memref<128xf32, #tpu.memory_space<vmem>>
    %dma_start3A_258 = arith.constant 0 : i32
    %dma_start3A_259 = tpu.memref_slice %arg8[%dma_start3A_255, %dma_start3A_258] : memref<4x128xi32, #tpu.memory_space<vmem>> -> memref<1x128xi32, #tpu.memory_space<vmem>>
    %dma_start3A_260 = tpu.memref_squeeze %dma_start3A_259 : memref<1x128xi32, #tpu.memory_space<vmem>> -> memref<128xi32, #tpu.memory_space<vmem>>
    %dma_start3A_261 = arith.constant 0 : i32
    %dma_start3A_262 = tpu.memref_slice %arg4[%dma_start3A_261] : memref<1000000xf32, #tpu.memory_space<hbm>> -> memref<1000000xf32, #tpu.memory_space<hbm>>
    tpu.enqueue_indirect_dma source(%dma_start3A_262 : memref<1000000xf32, #tpu.memory_space<hbm>>) target(%dma_start3A_257 : memref<128xf32, #tpu.memory_space<vmem>>) offsets(%dma_start3A_260 : memref<128xi32, #tpu.memory_space<vmem>>) semaphore(%arg14 : memref<!tpu.dma_semaphore, #tpu.memory_space<semaphore_mem>>)
    %dma_start3A_263 = arith.constant 1 : i32
    %dma_start3A_264 = arith.constant 128 : i32
    %dma_start3A_265 = tpu.memref_slice %arg11[%dma_start3A_264] : memref<512xf32, #tpu.memory_space<vmem>> -> memref<128xf32, #tpu.memory_space<vmem>>
    %dma_start3A_266 = arith.constant 0 : i32
    %dma_start3A_267 = tpu.memref_slice %arg9[%dma_start3A_263, %dma_start3A_266] : memref<4x128xi32, #tpu.memory_space<vmem>> -> memref<1x128xi32, #tpu.memory_space<vmem>>
    %dma_start3A_268 = tpu.memref_squeeze %dma_start3A_267 : memref<1x128xi32, #tpu.memory_space<vmem>> -> memref<128xi32, #tpu.memory_space<vmem>>
    %dma_start3A_269 = arith.constant 0 : i32
    %dma_start3A_270 = tpu.memref_slice %arg5[%dma_start3A_269] : memref<1000000xf32, #tpu.memory_space<hbm>> -> memref<1000000xf32, #tpu.memory_space<hbm>>
    tpu.enqueue_indirect_dma source(%dma_start3A_270 : memref<1000000xf32, #tpu.memory_space<hbm>>) target(%dma_start3A_265 : memref<128xf32, #tpu.memory_space<vmem>>) offsets(%dma_start3A_268 : memref<128xi32, #tpu.memory_space<vmem>>) semaphore(%arg14 : memref<!tpu.dma_semaphore, #tpu.memory_space<semaphore_mem>>)
    %dma_start3A_271 = arith.constant 2 : i32
    %dma_start3A_272 = arith.constant 256 : i32
    %dma_start3A_273 = tpu.memref_slice %arg10[%dma_start3A_272] : memref<512xf32, #tpu.memory_space<vmem>> -> memref<128xf32, #tpu.memory_space<vmem>>
    %dma_start3A_274 = arith.constant 0 : i32
    %dma_start3A_275 = tpu.memref_slice %arg8[%dma_start3A_271, %dma_start3A_274] : memref<4x128xi32, #tpu.memory_space<vmem>> -> memref<1x128xi32, #tpu.memory_space<vmem>>
    %dma_start3A_276 = tpu.memref_squeeze %dma_start3A_275 : memref<1x128xi32, #tpu.memory_space<vmem>> -> memref<128xi32, #tpu.memory_space<vmem>>
    %dma_start3A_277 = arith.constant 0 : i32
    %dma_start3A_278 = tpu.memref_slice %arg4[%dma_start3A_277] : memref<1000000xf32, #tpu.memory_space<hbm>> -> memref<1000000xf32, #tpu.memory_space<hbm>>
    tpu.enqueue_indirect_dma source(%dma_start3A_278 : memref<1000000xf32, #tpu.memory_space<hbm>>) target(%dma_start3A_273 : memref<128xf32, #tpu.memory_space<vmem>>) offsets(%dma_start3A_276 : memref<128xi32, #tpu.memory_space<vmem>>) semaphore(%arg14 : memref<!tpu.dma_semaphore, #tpu.memory_space<semaphore_mem>>)
    %dma_start3A_279 = arith.constant 2 : i32
    %dma_start3A_280 = arith.constant 256 : i32
    %dma_start3A_281 = tpu.memref_slice %arg11[%dma_start3A_280] : memref<512xf32, #tpu.memory_space<vmem>> -> memref<128xf32, #tpu.memory_space<vmem>>
    %dma_start3A_282 = arith.constant 0 : i32
    %dma_start3A_283 = tpu.memref_slice %arg9[%dma_start3A_279, %dma_start3A_282] : memref<4x128xi32, #tpu.memory_space<vmem>> -> memref<1x128xi32, #tpu.memory_space<vmem>>
    %dma_start3A_284 = tpu.memref_squeeze %dma_start3A_283 : memref<1x128xi32, #tpu.memory_space<vmem>> -> memref<128xi32, #tpu.memory_space<vmem>>
    %dma_start3A_285 = arith.constant 0 : i32
    %dma_start3A_286 = tpu.memref_slice %arg5[%dma_start3A_285] : memref<1000000xf32, #tpu.memory_space<hbm>> -> memref<1000000xf32, #tpu.memory_space<hbm>>
    tpu.enqueue_indirect_dma source(%dma_start3A_286 : memref<1000000xf32, #tpu.memory_space<hbm>>) target(%dma_start3A_281 : memref<128xf32, #tpu.memory_space<vmem>>) offsets(%dma_start3A_284 : memref<128xi32, #tpu.memory_space<vmem>>) semaphore(%arg14 : memref<!tpu.dma_semaphore, #tpu.memory_space<semaphore_mem>>)
    %dma_start3A_287 = arith.constant 3 : i32
    %dma_start3A_288 = arith.constant 384 : i32
    %dma_start3A_289 = tpu.memref_slice %arg10[%dma_start3A_288] : memref<512xf32, #tpu.memory_space<vmem>> -> memref<128xf32, #tpu.memory_space<vmem>>
    %dma_start3A_290 = arith.constant 0 : i32
    %dma_start3A_291 = tpu.memref_slice %arg8[%dma_start3A_287, %dma_start3A_290] : memref<4x128xi32, #tpu.memory_space<vmem>> -> memref<1x128xi32, #tpu.memory_space<vmem>>
    %dma_start3A_292 = tpu.memref_squeeze %dma_start3A_291 : memref<1x128xi32, #tpu.memory_space<vmem>> -> memref<128xi32, #tpu.memory_space<vmem>>
    %dma_start3A_293 = arith.constant 0 : i32
    %dma_start3A_294 = tpu.memref_slice %arg4[%dma_start3A_293] : memref<1000000xf32, #tpu.memory_space<hbm>> -> memref<1000000xf32, #tpu.memory_space<hbm>>
    tpu.enqueue_indirect_dma source(%dma_start3A_294 : memref<1000000xf32, #tpu.memory_space<hbm>>) target(%dma_start3A_289 : memref<128xf32, #tpu.memory_space<vmem>>) offsets(%dma_start3A_292 : memref<128xi32, #tpu.memory_space<vmem>>) semaphore(%arg14 : memref<!tpu.dma_semaphore, #tpu.memory_space<semaphore_mem>>)
    %dma_start3A_295 = arith.constant 3 : i32
    %dma_start3A_296 = arith.constant 384 : i32
    %dma_start3A_297 = tpu.memref_slice %arg11[%dma_start3A_296] : memref<512xf32, #tpu.memory_space<vmem>> -> memref<128xf32, #tpu.memory_space<vmem>>
    %dma_start3A_298 = arith.constant 0 : i32
    %dma_start3A_299 = tpu.memref_slice %arg9[%dma_start3A_295, %dma_start3A_298] : memref<4x128xi32, #tpu.memory_space<vmem>> -> memref<1x128xi32, #tpu.memory_space<vmem>>
    %dma_start3A_300 = tpu.memref_squeeze %dma_start3A_299 : memref<1x128xi32, #tpu.memory_space<vmem>> -> memref<128xi32, #tpu.memory_space<vmem>>
    %dma_start3A_301 = arith.constant 0 : i32
    %dma_start3A_302 = tpu.memref_slice %arg5[%dma_start3A_301] : memref<1000000xf32, #tpu.memory_space<hbm>> -> memref<1000000xf32, #tpu.memory_space<hbm>>
    tpu.enqueue_indirect_dma source(%dma_start3A_302 : memref<1000000xf32, #tpu.memory_space<hbm>>) target(%dma_start3A_297 : memref<128xf32, #tpu.memory_space<vmem>>) offsets(%dma_start3A_300 : memref<128xi32, #tpu.memory_space<vmem>>) semaphore(%arg14 : memref<!tpu.dma_semaphore, #tpu.memory_space<semaphore_mem>>)
    %dma_wait3A_303 = arith.constant 0 : i32
    %dma_wait3A_304 = arith.constant 0 : i32
    %dma_wait3A_305 = tpu.memref_slice %arg10[%dma_wait3A_304] : memref<512xf32, #tpu.memory_space<vmem>> -> memref<128xf32, #tpu.memory_space<vmem>>
    %dma_wait3A_306 = arith.constant 0 : i32
    %dma_wait3A_307 = tpu.memref_slice %arg8[%dma_wait3A_303, %dma_wait3A_306] : memref<4x128xi32, #tpu.memory_space<vmem>> -> memref<1x128xi32, #tpu.memory_space<vmem>>
    %dma_wait3A_308 = tpu.memref_squeeze %dma_wait3A_307 : memref<1x128xi32, #tpu.memory_space<vmem>> -> memref<128xi32, #tpu.memory_space<vmem>>
    %dma_wait3A_309 = arith.constant 0 : i32
    %dma_wait3A_310 = tpu.memref_slice %arg4[%dma_wait3A_309] : memref<1000000xf32, #tpu.memory_space<hbm>> -> memref<1000000xf32, #tpu.memory_space<hbm>>
    tpu.wait_indirect_dma semaphore(%arg14 : memref<!tpu.dma_semaphore, #tpu.memory_space<semaphore_mem>>) src(%dma_wait3A_310 : memref<1000000xf32, #tpu.memory_space<hbm>>) dst(%dma_wait3A_305 : memref<128xf32, #tpu.memory_space<vmem>>)
    %dma_wait3A_311 = arith.constant 0 : i32
    %dma_wait3A_312 = arith.constant 0 : i32
    %dma_wait3A_313 = tpu.memref_slice %arg11[%dma_wait3A_312] : memref<512xf32, #tpu.memory_space<vmem>> -> memref<128xf32, #tpu.memory_space<vmem>>
    %dma_wait3A_314 = arith.constant 0 : i32
    %dma_wait3A_315 = tpu.memref_slice %arg9[%dma_wait3A_311, %dma_wait3A_314] : memref<4x128xi32, #tpu.memory_space<vmem>> -> memref<1x128xi32, #tpu.memory_space<vmem>>
    %dma_wait3A_316 = tpu.memref_squeeze %dma_wait3A_315 : memref<1x128xi32, #tpu.memory_space<vmem>> -> memref<128xi32, #tpu.memory_space<vmem>>
    %dma_wait3A_317 = arith.constant 0 : i32
    %dma_wait3A_318 = tpu.memref_slice %arg5[%dma_wait3A_317] : memref<1000000xf32, #tpu.memory_space<hbm>> -> memref<1000000xf32, #tpu.memory_space<hbm>>
    tpu.wait_indirect_dma semaphore(%arg14 : memref<!tpu.dma_semaphore, #tpu.memory_space<semaphore_mem>>) src(%dma_wait3A_318 : memref<1000000xf32, #tpu.memory_space<hbm>>) dst(%dma_wait3A_313 : memref<128xf32, #tpu.memory_space<vmem>>)
    %dma_wait3A_319 = arith.constant 1 : i32
    %dma_wait3A_320 = arith.constant 128 : i32
    %dma_wait3A_321 = tpu.memref_slice %arg10[%dma_wait3A_320] : memref<512xf32, #tpu.memory_space<vmem>> -> memref<128xf32, #tpu.memory_space<vmem>>
    %dma_wait3A_322 = arith.constant 0 : i32
    %dma_wait3A_323 = tpu.memref_slice %arg8[%dma_wait3A_319, %dma_wait3A_322] : memref<4x128xi32, #tpu.memory_space<vmem>> -> memref<1x128xi32, #tpu.memory_space<vmem>>
    %dma_wait3A_324 = tpu.memref_squeeze %dma_wait3A_323 : memref<1x128xi32, #tpu.memory_space<vmem>> -> memref<128xi32, #tpu.memory_space<vmem>>
    %dma_wait3A_325 = arith.constant 0 : i32
    %dma_wait3A_326 = tpu.memref_slice %arg4[%dma_wait3A_325] : memref<1000000xf32, #tpu.memory_space<hbm>> -> memref<1000000xf32, #tpu.memory_space<hbm>>
    tpu.wait_indirect_dma semaphore(%arg14 : memref<!tpu.dma_semaphore, #tpu.memory_space<semaphore_mem>>) src(%dma_wait3A_326 : memref<1000000xf32, #tpu.memory_space<hbm>>) dst(%dma_wait3A_321 : memref<128xf32, #tpu.memory_space<vmem>>)
    %dma_wait3A_327 = arith.constant 1 : i32
    %dma_wait3A_328 = arith.constant 128 : i32
    %dma_wait3A_329 = tpu.memref_slice %arg11[%dma_wait3A_328] : memref<512xf32, #tpu.memory_space<vmem>> -> memref<128xf32, #tpu.memory_space<vmem>>
    %dma_wait3A_330 = arith.constant 0 : i32
    %dma_wait3A_331 = tpu.memref_slice %arg9[%dma_wait3A_327, %dma_wait3A_330] : memref<4x128xi32, #tpu.memory_space<vmem>> -> memref<1x128xi32, #tpu.memory_space<vmem>>
    %dma_wait3A_332 = tpu.memref_squeeze %dma_wait3A_331 : memref<1x128xi32, #tpu.memory_space<vmem>> -> memref<128xi32, #tpu.memory_space<vmem>>
    %dma_wait3A_333 = arith.constant 0 : i32
    %dma_wait3A_334 = tpu.memref_slice %arg5[%dma_wait3A_333] : memref<1000000xf32, #tpu.memory_space<hbm>> -> memref<1000000xf32, #tpu.memory_space<hbm>>
    tpu.wait_indirect_dma semaphore(%arg14 : memref<!tpu.dma_semaphore, #tpu.memory_space<semaphore_mem>>) src(%dma_wait3A_334 : memref<1000000xf32, #tpu.memory_space<hbm>>) dst(%dma_wait3A_329 : memref<128xf32, #tpu.memory_space<vmem>>)
    %dma_wait3A_335 = arith.constant 2 : i32
    %dma_wait3A_336 = arith.constant 256 : i32
    %dma_wait3A_337 = tpu.memref_slice %arg10[%dma_wait3A_336] : memref<512xf32, #tpu.memory_space<vmem>> -> memref<128xf32, #tpu.memory_space<vmem>>
    %dma_wait3A_338 = arith.constant 0 : i32
    %dma_wait3A_339 = tpu.memref_slice %arg8[%dma_wait3A_335, %dma_wait3A_338] : memref<4x128xi32, #tpu.memory_space<vmem>> -> memref<1x128xi32, #tpu.memory_space<vmem>>
    %dma_wait3A_340 = tpu.memref_squeeze %dma_wait3A_339 : memref<1x128xi32, #tpu.memory_space<vmem>> -> memref<128xi32, #tpu.memory_space<vmem>>
    %dma_wait3A_341 = arith.constant 0 : i32
    %dma_wait3A_342 = tpu.memref_slice %arg4[%dma_wait3A_341] : memref<1000000xf32, #tpu.memory_space<hbm>> -> memref<1000000xf32, #tpu.memory_space<hbm>>
    tpu.wait_indirect_dma semaphore(%arg14 : memref<!tpu.dma_semaphore, #tpu.memory_space<semaphore_mem>>) src(%dma_wait3A_342 : memref<1000000xf32, #tpu.memory_space<hbm>>) dst(%dma_wait3A_337 : memref<128xf32, #tpu.memory_space<vmem>>)
    %dma_wait3A_343 = arith.constant 2 : i32
    %dma_wait3A_344 = arith.constant 256 : i32
    %dma_wait3A_345 = tpu.memref_slice %arg11[%dma_wait3A_344] : memref<512xf32, #tpu.memory_space<vmem>> -> memref<128xf32, #tpu.memory_space<vmem>>
    %dma_wait3A_346 = arith.constant 0 : i32
    %dma_wait3A_347 = tpu.memref_slice %arg9[%dma_wait3A_343, %dma_wait3A_346] : memref<4x128xi32, #tpu.memory_space<vmem>> -> memref<1x128xi32, #tpu.memory_space<vmem>>
    %dma_wait3A_348 = tpu.memref_squeeze %dma_wait3A_347 : memref<1x128xi32, #tpu.memory_space<vmem>> -> memref<128xi32, #tpu.memory_space<vmem>>
    %dma_wait3A_349 = arith.constant 0 : i32
    %dma_wait3A_350 = tpu.memref_slice %arg5[%dma_wait3A_349] : memref<1000000xf32, #tpu.memory_space<hbm>> -> memref<1000000xf32, #tpu.memory_space<hbm>>
    tpu.wait_indirect_dma semaphore(%arg14 : memref<!tpu.dma_semaphore, #tpu.memory_space<semaphore_mem>>) src(%dma_wait3A_350 : memref<1000000xf32, #tpu.memory_space<hbm>>) dst(%dma_wait3A_345 : memref<128xf32, #tpu.memory_space<vmem>>)
    %dma_wait3A_351 = arith.constant 3 : i32
    %dma_wait3A_352 = arith.constant 384 : i32
    %dma_wait3A_353 = tpu.memref_slice %arg10[%dma_wait3A_352] : memref<512xf32, #tpu.memory_space<vmem>> -> memref<128xf32, #tpu.memory_space<vmem>>
    %dma_wait3A_354 = arith.constant 0 : i32
    %dma_wait3A_355 = tpu.memref_slice %arg8[%dma_wait3A_351, %dma_wait3A_354] : memref<4x128xi32, #tpu.memory_space<vmem>> -> memref<1x128xi32, #tpu.memory_space<vmem>>
    %dma_wait3A_356 = tpu.memref_squeeze %dma_wait3A_355 : memref<1x128xi32, #tpu.memory_space<vmem>> -> memref<128xi32, #tpu.memory_space<vmem>>
    %dma_wait3A_357 = arith.constant 0 : i32
    %dma_wait3A_358 = tpu.memref_slice %arg4[%dma_wait3A_357] : memref<1000000xf32, #tpu.memory_space<hbm>> -> memref<1000000xf32, #tpu.memory_space<hbm>>
    tpu.wait_indirect_dma semaphore(%arg14 : memref<!tpu.dma_semaphore, #tpu.memory_space<semaphore_mem>>) src(%dma_wait3A_358 : memref<1000000xf32, #tpu.memory_space<hbm>>) dst(%dma_wait3A_353 : memref<128xf32, #tpu.memory_space<vmem>>)
    %dma_wait3A_359 = arith.constant 3 : i32
    %dma_wait3A_360 = arith.constant 384 : i32
    %dma_wait3A_361 = tpu.memref_slice %arg11[%dma_wait3A_360] : memref<512xf32, #tpu.memory_space<vmem>> -> memref<128xf32, #tpu.memory_space<vmem>>
    %dma_wait3A_362 = arith.constant 0 : i32
    %dma_wait3A_363 = tpu.memref_slice %arg9[%dma_wait3A_359, %dma_wait3A_362] : memref<4x128xi32, #tpu.memory_space<vmem>> -> memref<1x128xi32, #tpu.memory_space<vmem>>
    %dma_wait3A_364 = tpu.memref_squeeze %dma_wait3A_363 : memref<1x128xi32, #tpu.memory_space<vmem>> -> memref<128xi32, #tpu.memory_space<vmem>>
    %dma_wait3A_365 = arith.constant 0 : i32
    %dma_wait3A_366 = tpu.memref_slice %arg5[%dma_wait3A_365] : memref<1000000xf32, #tpu.memory_space<hbm>> -> memref<1000000xf32, #tpu.memory_space<hbm>>
    tpu.wait_indirect_dma semaphore(%arg14 : memref<!tpu.dma_semaphore, #tpu.memory_space<semaphore_mem>>) src(%dma_wait3A_366 : memref<1000000xf32, #tpu.memory_space<hbm>>) dst(%dma_wait3A_361 : memref<128xf32, #tpu.memory_space<vmem>>)
    %get3A = arith.constant 0 : index
    %get3A_367 = tpu.vector_load %arg12[%get3A] {strides = array<i32>} : memref<4096xf32, #tpu.memory_space<vmem>>, vector<16xf32>,
    %get3A_368 = arith.constant 128 : index
    %get3A_369 = tpu.vector_load %arg12[%get3A_368] {strides = array<i32>} : memref<4096xf32, #tpu.memory_space<vmem>>, vector<16xf32>,
    %add3A_370 = arith.addf %get3A_367, %get3A_369 : vector<16xf32>
    %get3A_371 = arith.constant 256 : index
    %get3A_372 = tpu.vector_load %arg12[%get3A_371] {strides = array<i32>} : memref<4096xf32, #tpu.memory_space<vmem>>, vector<16xf32>,
    %add3A_373 = arith.addf %add3A_370, %get3A_372 : vector<16xf32>
    %get3A_374 = arith.constant 384 : index
    %get3A_375 = tpu.vector_load %arg12[%get3A_374] {strides = array<i32>} : memref<4096xf32, #tpu.memory_space<vmem>>, vector<16xf32>,
    %add3A_376 = arith.addf %add3A_373, %get3A_375 : vector<16xf32>
    %get3A_377 = arith.constant 512 : index
    %get3A_378 = tpu.vector_load %arg12[%get3A_377] {strides = array<i32>} : memref<4096xf32, #tpu.memory_space<vmem>>, vector<16xf32>,
    %add3A_379 = arith.addf %add3A_376, %get3A_378 : vector<16xf32>
    %get3A_380 = arith.constant 640 : index
    %get3A_381 = tpu.vector_load %arg12[%get3A_380] {strides = array<i32>} : memref<4096xf32, #tpu.memory_space<vmem>>, vector<16xf32>,
    %add3A_382 = arith.addf %add3A_379, %get3A_381 : vector<16xf32>
    %get3A_383 = arith.constant 768 : index
    %get3A_384 = tpu.vector_load %arg12[%get3A_383] {strides = array<i32>} : memref<4096xf32, #tpu.memory_space<vmem>>, vector<16xf32>,
    %add3A_385 = arith.addf %add3A_382, %get3A_384 : vector<16xf32>
    %get3A_386 = arith.constant 896 : index
    %get3A_387 = tpu.vector_load %arg12[%get3A_386] {strides = array<i32>} : memref<4096xf32, #tpu.memory_space<vmem>>, vector<16xf32>,
    %add3A_388 = arith.addf %add3A_385, %get3A_387 : vector<16xf32>
    %get3A_389 = arith.constant 1024 : index
    %get3A_390 = tpu.vector_load %arg12[%get3A_389] {strides = array<i32>} : memref<4096xf32, #tpu.memory_space<vmem>>, vector<16xf32>,
    %add3A_391 = arith.addf %add3A_388, %get3A_390 : vector<16xf32>
    %get3A_392 = arith.constant 1152 : index
    %get3A_393 = tpu.vector_load %arg12[%get3A_392] {strides = array<i32>} : memref<4096xf32, #tpu.memory_space<vmem>>, vector<16xf32>,
    %add3A_394 = arith.addf %add3A_391, %get3A_393 : vector<16xf32>
    %get3A_395 = arith.constant 1280 : index
    %get3A_396 = tpu.vector_load %arg12[%get3A_395] {strides = array<i32>} : memref<4096xf32, #tpu.memory_space<vmem>>, vector<16xf32>,
    %add3A_397 = arith.addf %add3A_394, %get3A_396 : vector<16xf32>
    %get3A_398 = arith.constant 1408 : index
    %get3A_399 = tpu.vector_load %arg12[%get3A_398] {strides = array<i32>} : memref<4096xf32, #tpu.memory_space<vmem>>, vector<16xf32>,
    %add3A_400 = arith.addf %add3A_397, %get3A_399 : vector<16xf32>
    %get3A_401 = arith.constant 1536 : index
    %get3A_402 = tpu.vector_load %arg12[%get3A_401] {strides = array<i32>} : memref<4096xf32, #tpu.memory_space<vmem>>, vector<16xf32>,
    %add3A_403 = arith.addf %add3A_400, %get3A_402 : vector<16xf32>
    %get3A_404 = arith.constant 1664 : index
    %get3A_405 = tpu.vector_load %arg12[%get3A_404] {strides = array<i32>} : memref<4096xf32, #tpu.memory_space<vmem>>, vector<16xf32>,
    %add3A_406 = arith.addf %add3A_403, %get3A_405 : vector<16xf32>
    %get3A_407 = arith.constant 1792 : index
    %get3A_408 = tpu.vector_load %arg12[%get3A_407] {strides = array<i32>} : memref<4096xf32, #tpu.memory_space<vmem>>, vector<16xf32>,
    %add3A_409 = arith.addf %add3A_406, %get3A_408 : vector<16xf32>
    %get3A_410 = arith.constant 1920 : index
    %get3A_411 = tpu.vector_load %arg12[%get3A_410] {strides = array<i32>} : memref<4096xf32, #tpu.memory_space<vmem>>, vector<16xf32>,
    %add3A_412 = arith.addf %add3A_409, %get3A_411 : vector<16xf32>
    %get3A_413 = arith.constant 2048 : index
    %get3A_414 = tpu.vector_load %arg12[%get3A_413] {strides = array<i32>} : memref<4096xf32, #tpu.memory_space<vmem>>, vector<16xf32>,
    %add3A_415 = arith.addf %add3A_412, %get3A_414 : vector<16xf32>
    %get3A_416 = arith.constant 2176 : index
    %get3A_417 = tpu.vector_load %arg12[%get3A_416] {strides = array<i32>} : memref<4096xf32, #tpu.memory_space<vmem>>, vector<16xf32>,
    %add3A_418 = arith.addf %add3A_415, %get3A_417 : vector<16xf32>
    %get3A_419 = arith.constant 2304 : index
    %get3A_420 = tpu.vector_load %arg12[%get3A_419] {strides = array<i32>} : memref<4096xf32, #tpu.memory_space<vmem>>, vector<16xf32>,
    %add3A_421 = arith.addf %add3A_418, %get3A_420 : vector<16xf32>
    %get3A_422 = arith.constant 2432 : index
    %get3A_423 = tpu.vector_load %arg12[%get3A_422] {strides = array<i32>} : memref<4096xf32, #tpu.memory_space<vmem>>, vector<16xf32>,
    %add3A_424 = arith.addf %add3A_421, %get3A_423 : vector<16xf32>
    %get3A_425 = arith.constant 2560 : index
    %get3A_426 = tpu.vector_load %arg12[%get3A_425] {strides = array<i32>} : memref<4096xf32, #tpu.memory_space<vmem>>, vector<16xf32>,
    %add3A_427 = arith.addf %add3A_424, %get3A_426 : vector<16xf32>
    %get3A_428 = arith.constant 2688 : index
    %get3A_429 = tpu.vector_load %arg12[%get3A_428] {strides = array<i32>} : memref<4096xf32, #tpu.memory_space<vmem>>, vector<16xf32>,
    %add3A_430 = arith.addf %add3A_427, %get3A_429 : vector<16xf32>
    %get3A_431 = arith.constant 2816 : index
    %get3A_432 = tpu.vector_load %arg12[%get3A_431] {strides = array<i32>} : memref<4096xf32, #tpu.memory_space<vmem>>, vector<16xf32>,
    %add3A_433 = arith.addf %add3A_430, %get3A_432 : vector<16xf32>
    %get3A_434 = arith.constant 2944 : index
    %get3A_435 = tpu.vector_load %arg12[%get3A_434] {strides = array<i32>} : memref<4096xf32, #tpu.memory_space<vmem>>, vector<16xf32>,
    %add3A_436 = arith.addf %add3A_433, %get3A_435 : vector<16xf32>
    %get3A_437 = arith.constant 3072 : index
    %get3A_438 = tpu.vector_load %arg12[%get3A_437] {strides = array<i32>} : memref<4096xf32, #tpu.memory_space<vmem>>, vector<16xf32>,
    %add3A_439 = arith.addf %add3A_436, %get3A_438 : vector<16xf32>
    %get3A_440 = arith.constant 3200 : index
    %get3A_441 = tpu.vector_load %arg12[%get3A_440] {strides = array<i32>} : memref<4096xf32, #tpu.memory_space<vmem>>, vector<16xf32>,
    %add3A_442 = arith.addf %add3A_439, %get3A_441 : vector<16xf32>
    %get3A_443 = arith.constant 3328 : index
    %get3A_444 = tpu.vector_load %arg12[%get3A_443] {strides = array<i32>} : memref<4096xf32, #tpu.memory_space<vmem>>, vector<16xf32>,
    %add3A_445 = arith.addf %add3A_442, %get3A_444 : vector<16xf32>
    %get3A_446 = arith.constant 3456 : index
    %get3A_447 = tpu.vector_load %arg12[%get3A_446] {strides = array<i32>} : memref<4096xf32, #tpu.memory_space<vmem>>, vector<16xf32>,
    %add3A_448 = arith.addf %add3A_445, %get3A_447 : vector<16xf32>
    %get3A_449 = arith.constant 3584 : index
    %get3A_450 = tpu.vector_load %arg12[%get3A_449] {strides = array<i32>} : memref<4096xf32, #tpu.memory_space<vmem>>, vector<16xf32>,
    %add3A_451 = arith.addf %add3A_448, %get3A_450 : vector<16xf32>
    %get3A_452 = arith.constant 3712 : index
    %get3A_453 = tpu.vector_load %arg12[%get3A_452] {strides = array<i32>} : memref<4096xf32, #tpu.memory_space<vmem>>, vector<16xf32>,
    %add3A_454 = arith.addf %add3A_451, %get3A_453 : vector<16xf32>
    %get3A_455 = arith.constant 3840 : index
    %get3A_456 = tpu.vector_load %arg12[%get3A_455] {strides = array<i32>} : memref<4096xf32, #tpu.memory_space<vmem>>, vector<16xf32>,
    %add3A_457 = arith.addf %add3A_454, %get3A_456 : vector<16xf32>
    %get3A_458 = arith.constant 3968 : index
    %get3A_459 = tpu.vector_load %arg12[%get3A_458] {strides = array<i32>} : memref<4096xf32, #tpu.memory_space<vmem>>, vector<16xf32>,
    %add3A_460 = arith.addf %add3A_457, %get3A_459 : vector<16xf32>
    %reduce_sum3A = arith.constant true
    %reduce_sum3A_461 = vector.broadcast %reduce_sum3A : i1 to vector<16xi1>
    %reduce_sum3A_462 = tpu.scan <sum>, %add3A_460 masked %reduce_sum3A_461 : vector<16xf32>, vector<16xi1> -> vector<16xf32>
    %reduce_sum3A_463 = vector.extract %reduce_sum3A_462[15] : f32 from vector<16xf32>
    %scan3A = arith.constant 0 : i32
    %scan3A_464 = arith.constant 0 : i32
    %scan3A_465 = arith.constant 32 : i32
    %scan3A_466 = arith.addi %scan3A_464, %scan3A_465 : i32
    %scan3A_467 = arith.constant 4 : i32
    scf.for %scan3A_471 = %scan3A_464 to %scan3A_466 step %scan3A_467  : i32 {
      %mul3A_472 = arith.constant 16 : i32
      %mul3A_473 = arith.muli %scan3A_471, %mul3A_472 : i32
      %get3A_474 = arith.index_cast %mul3A_473 : i32 to index
      %get3A_475 = tpu.vector_load %arg10[%get3A_474] {strides = array<i32>} : memref<512xf32, #tpu.memory_space<vmem>>, vector<16xf32>,
      %add3A_476 = vector.broadcast %reduce_sum3A_463 : f32 to vector<16xf32>
      %add3A_477 = arith.addf %add3A_476, %get3A_475 : vector<16xf32>
      %get3A_478 = arith.index_cast %mul3A_473 : i32 to index
      %get3A_479 = tpu.vector_load %arg11[%get3A_478] {strides = array<i32>} : memref<512xf32, #tpu.memory_space<vmem>>, vector<16xf32>,
      %add3A_480 = arith.addf %add3A_477, %get3A_479 : vector<16xf32>
      %neg3A = arith.constant 0.000000e+00 : f32
      %neg3A_481 = vector.broadcast %neg3A : f32 to vector<16xf32>
      %neg3A_482 = arith.subf %neg3A_481, %add3A_480 : vector<16xf32>
      %exp3A = math.exp %neg3A_482 : vector<16xf32>
      %add3A_483 = arith.constant 1.000000e+00 : f32
      %add3A_484 = vector.broadcast %add3A_483 : f32 to vector<16xf32>
      %add3A_485 = arith.addf %add3A_484, %exp3A : vector<16xf32>
      %div3A = arith.constant 1.000000e+00 : f32
      %div3A_486 = vector.broadcast %div3A : f32 to vector<16xf32>
      %div3A_487 = arith.divf %div3A_486, %add3A_485 : vector<16xf32>
      %swap3A = arith.index_cast %mul3A_473 : i32 to index
      %swap3A_488 = tpu.vector_load %arg13[%swap3A] {strides = array<i32>} : memref<512xf32, #tpu.memory_space<vmem>>, vector<16xf32>,
      tpu.vector_store %arg13[%swap3A], %div3A_487 {strides = array<i32>} : memref<512xf32, #tpu.memory_space<vmem>>, vector<16xf32>,
      %scan3A_489 = arith.constant 1 : i32
      %scan3A_490 = arith.addi %scan3A_471, %scan3A_489 : i32
      %mul3A_491 = arith.constant 16 : i32
      %mul3A_492 = arith.muli %scan3A_490, %mul3A_491 : i32
      %get3A_493 = arith.index_cast %mul3A_492 : i32 to index
      %get3A_494 = tpu.vector_load %arg10[%get3A_493] {strides = array<i32>} : memref<512xf32, #tpu.memory_space<vmem>>, vector<16xf32>,
      %add3A_495 = vector.broadcast %reduce_sum3A_463 : f32 to vector<16xf32>
      %add3A_496 = arith.addf %add3A_495, %get3A_494 : vector<16xf32>
      %get3A_497 = arith.index_cast %mul3A_492 : i32 to index
      %get3A_498 = tpu.vector_load %arg11[%get3A_497] {strides = array<i32>} : memref<512xf32, #tpu.memory_space<vmem>>, vector<16xf32>,
      %add3A_499 = arith.addf %add3A_496, %get3A_498 : vector<16xf32>
      %neg3A_500 = arith.constant 0.000000e+00 : f32
      %neg3A_501 = vector.broadcast %neg3A_500 : f32 to vector<16xf32>
      %neg3A_502 = arith.subf %neg3A_501, %add3A_499 : vector<16xf32>
      %exp3A_503 = math.exp %neg3A_502 : vector<16xf32>
      %add3A_504 = arith.constant 1.000000e+00 : f32
      %add3A_505 = vector.broadcast %add3A_504 : f32 to vector<16xf32>
      %add3A_506 = arith.addf %add3A_505, %exp3A_503 : vector<16xf32>
      %div3A_507 = arith.constant 1.000000e+00 : f32
      %div3A_508 = vector.broadcast %div3A_507 : f32 to vector<16xf32>
      %div3A_509 = arith.divf %div3A_508, %add3A_506 : vector<16xf32>
      %swap3A_510 = arith.index_cast %mul3A_492 : i32 to index
      %swap3A_511 = tpu.vector_load %arg13[%swap3A_510] {strides = array<i32>} : memref<512xf32, #tpu.memory_space<vmem>>, vector<16xf32>,
      tpu.vector_store %arg13[%swap3A_510], %div3A_509 {strides = array<i32>} : memref<512xf32, #tpu.memory_space<vmem>>, vector<16xf32>,
      %scan3A_512 = arith.constant 2 : i32
      %scan3A_513 = arith.addi %scan3A_471, %scan3A_512 : i32
      %mul3A_514 = arith.constant 16 : i32
      %mul3A_515 = arith.muli %scan3A_513, %mul3A_514 : i32
      %get3A_516 = arith.index_cast %mul3A_515 : i32 to index
      %get3A_517 = tpu.vector_load %arg10[%get3A_516] {strides = array<i32>} : memref<512xf32, #tpu.memory_space<vmem>>, vector<16xf32>,
      %add3A_518 = vector.broadcast %reduce_sum3A_463 : f32 to vector<16xf32>
      %add3A_519 = arith.addf %add3A_518, %get3A_517 : vector<16xf32>
      %get3A_520 = arith.index_cast %mul3A_515 : i32 to index
      %get3A_521 = tpu.vector_load %arg11[%get3A_520] {strides = array<i32>} : memref<512xf32, #tpu.memory_space<vmem>>, vector<16xf32>,
      %add3A_522 = arith.addf %add3A_519, %get3A_521 : vector<16xf32>
      %neg3A_523 = arith.constant 0.000000e+00 : f32
      %neg3A_524 = vector.broadcast %neg3A_523 : f32 to vector<16xf32>
      %neg3A_525 = arith.subf %neg3A_524, %add3A_522 : vector<16xf32>
      %exp3A_526 = math.exp %neg3A_525 : vector<16xf32>
      %add3A_527 = arith.constant 1.000000e+00 : f32
      %add3A_528 = vector.broadcast %add3A_527 : f32 to vector<16xf32>
      %add3A_529 = arith.addf %add3A_528, %exp3A_526 : vector<16xf32>
      %div3A_530 = arith.constant 1.000000e+00 : f32
      %div3A_531 = vector.broadcast %div3A_530 : f32 to vector<16xf32>
      %div3A_532 = arith.divf %div3A_531, %add3A_529 : vector<16xf32>
      %swap3A_533 = arith.index_cast %mul3A_515 : i32 to index
      %swap3A_534 = tpu.vector_load %arg13[%swap3A_533] {strides = array<i32>} : memref<512xf32, #tpu.memory_space<vmem>>, vector<16xf32>,
      tpu.vector_store %arg13[%swap3A_533], %div3A_532 {strides = array<i32>} : memref<512xf32, #tpu.memory_space<vmem>>, vector<16xf32>,
      %scan3A_535 = arith.constant 3 : i32
      %scan3A_536 = arith.addi %scan3A_471, %scan3A_535 : i32
      %mul3A_537 = arith.constant 16 : i32
      %mul3A_538 = arith.muli %scan3A_536, %mul3A_537 : i32
      %get3A_539 = arith.index_cast %mul3A_538 : i32 to index
      %get3A_540 = tpu.vector_load %arg10[%get3A_539] {strides = array<i32>} : memref<512xf32, #tpu.memory_space<vmem>>, vector<16xf32>,
      %add3A_541 = vector.broadcast %reduce_sum3A_463 : f32 to vector<16xf32>
      %add3A_542 = arith.addf %add3A_541, %get3A_540 : vector<16xf32>
      %get3A_543 = arith.index_cast %mul3A_538 : i32 to index
      %get3A_544 = tpu.vector_load %arg11[%get3A_543] {strides = array<i32>} : memref<512xf32, #tpu.memory_space<vmem>>, vector<16xf32>,
      %add3A_545 = arith.addf %add3A_542, %get3A_544 : vector<16xf32>
      %neg3A_546 = arith.constant 0.000000e+00 : f32
      %neg3A_547 = vector.broadcast %neg3A_546 : f32 to vector<16xf32>
      %neg3A_548 = arith.subf %neg3A_547, %add3A_545 : vector<16xf32>
      %exp3A_549 = math.exp %neg3A_548 : vector<16xf32>
      %add3A_550 = arith.constant 1.000000e+00 : f32
      %add3A_551 = vector.broadcast %add3A_550 : f32 to vector<16xf32>
      %add3A_552 = arith.addf %add3A_551, %exp3A_549 : vector<16xf32>
      %div3A_553 = arith.constant 1.000000e+00 : f32
      %div3A_554 = vector.broadcast %div3A_553 : f32 to vector<16xf32>
      %div3A_555 = arith.divf %div3A_554, %add3A_552 : vector<16xf32>
      %swap3A_556 = arith.index_cast %mul3A_538 : i32 to index
      %swap3A_557 = tpu.vector_load %arg13[%swap3A_556] {strides = array<i32>} : memref<512xf32, #tpu.memory_space<vmem>>, vector<16xf32>,
      tpu.vector_store %arg13[%swap3A_556], %div3A_555 {strides = array<i32>} : memref<512xf32, #tpu.memory_space<vmem>>, vector<16xf32>,
    }
    %scan3A_468 = arith.constant 32 : i32
    %mul3A_469 = arith.constant 512 : i32
    %mul3A_470 = arith.muli %add3A, %mul3A_469 : i32
    "tpu.region"() ({
      %run_scoped3A = tpu.sem_alloc : memref<!tpu.dma_semaphore, #tpu.memory_space<semaphore_mem>>
      %dma_start3A_471 = tpu.memref_slice %arg7[%mul3A_470] : memref<16384xf32, #tpu.memory_space<hbm>> -> memref<512xf32, #tpu.memory_space<hbm>>
      %dma_start3A_472 = tpu.memref_slice %arg7[%mul3A_470] : memref<16384xf32, #tpu.memory_space<hbm>> -> memref<512xf32, #tpu.memory_space<hbm>>
      tpu.enqueue_dma source(%arg13 : memref<512xf32, #tpu.memory_space<vmem>>) target(%dma_start3A_472 : memref<512xf32, #tpu.memory_space<hbm>>) target_semaphore(%run_scoped3A : memref<!tpu.dma_semaphore, #tpu.memory_space<semaphore_mem>>)
      %dma_wait3A_473 = tpu.memref_slice %arg7[%mul3A_470] : memref<16384xf32, #tpu.memory_space<hbm>> -> memref<512xf32, #tpu.memory_space<hbm>>
      %dma_wait3A_474 = tpu.memref_slice %arg7[%mul3A_470] : memref<16384xf32, #tpu.memory_space<hbm>> -> memref<512xf32, #tpu.memory_space<hbm>>
      tpu.wait_dma2 semaphore(%run_scoped3A : memref<!tpu.dma_semaphore, #tpu.memory_space<semaphore_mem>>) src(%arg13 : memref<512xf32, #tpu.memory_space<vmem>>) dst(%dma_wait3A_474 : memref<512xf32, #tpu.memory_space<hbm>>)
      tpu.yield
    }) : () -> ()
    return
  }
}

</mosaic_0001>

<sc_bundles>
// kernel: kernel.4.cloned.1.call-start
scs
__scs_entry_jumppad:
0x0: {  	(pc) =	sbr.rel $0x88, $3  }
0x1: {  	(tag) =	ssettag $0x0;
	lr =	simm.s32 $0x1  }
0x2: {  	[smem:$0x3F9C] =	sst lr;
	_ =	strace $0xD0000000  }
0x3: {  	_ = 	snop  }
0x4: {  	_ = 	snop  }
0x5: {  	_ = 	snop  }
0x6: {  	_ = 	snop  }
0x7: {  	_ = 	snop  }
__scs_overlays_trampoline_lowered:
0x8: {  	[smem:$0x3FAB] =	sst s0  }
0x9: {  	[smem:$0x3FAC] =	sst s1  }
0xa: {  	[smem:$0x3FAD] =	sst s2  }
0xb: {  	[smem:$0x3FAE] =	sst s3  }
0xc: {  	[smem:$0x3FAF] =	sst s4  }
0xd: {  	[smem:$0x3FB0] =	sst s5  }
0xe: {  	[smem:$0x3FB1] =	sst s6  }
0xf: {  	[smem:$0x3FB2] =	sst s7  }
0x10: {  	[smem:$0x3FB3] =	sst s8  }
0x11: {  	[smem:$0x3FB4] =	sst s9;
	s0 =	simm.s32 @!p0 $0x0  }
0x12: {  	s1 =	sld [smem:$0x3F9A];
	s0 =	simm.s32 @p0 $0x1  }
0x13: {  	[smem:$0x3FB5] =	sst s0;
	s0 =	simm.s32 @!p1 $0x0  }
0x14: {  	s2 =	sld [smem:$0x3F99];
	s0 =	simm.s32 @p1 $0x1  }
0x15: {  	[smem:$0x3FB6] =	sst s0;
	s0 =	simm.s32 @!p2 $0x0  }
0x16: {  	s3 =	sld [smem:$0x3FDB];
	s0 =	simm.s32 @p2 $0x1  }
0x17: {  	s4 =	simm.s32 $0x1BF5;
	[smem:$0x3FB8] =	sst s0  }
0x18: {  	s0 =	sld [smem:$0x3F9B];
	_ =	swait.ge [sflag:s4], $0x0  }
0x19: {  	s7 =	sld [smem:$0x3F9C]  }
0x1a: {  	s8 =	sadd.s32 $0xFFFFE003, lr  }
0x1b: {  	s9 =	sadd.s32 $0xFFFFFEF7, lr;
	s5 =	simm.s32 $0xFFFFFFFF;
	p2 =	slt.u32 s8, $0xFFFFF086  }
0x1c: {  	p1 =	slt.u32 s9, $0xF7A;
	s5 =	simm.s32 @!p2 $0x0  }
0x1d: {  	s5 =	simm.s32 @p1 $0x1;
	p0 =	seq.s32 s7, s2  }
0x1e: {  	s7 =	smul.u32 @!p0 $0xF7A, s2;
	p2 =	seq.s32 @!p0 s5, $0x0  }
0x1f: {  	s9 =	smul.u32 $0xF7A, s1;
	s8 =	simm.s32 @!p0 $0x1BF5;
	p2 =	por !p2, p0  }
0x20: {  	[sflag:s8] =	ssyncset.s32 @!p0 $0xFFFFF086;
	s6 =	sadd.s32 @!p0 s3, s7;
	s7 =	simm.s32 @!p0 $0x108  }
0x21: {  	s3 =	sadd.s32 s3, s9;
	s6 =	sadd.s32 @!p0 $0x88, s6;
	s7 =	simm.s32 @p2 $0x1082  }
0x22: {  	[simem:s7], [sflag:s8] =	dma.local @!p0 [hbm:s6], $0xF7A  }
0x23: {  	s9 =	sor.u32 $0xD0000000, s2;
	s6 =	simm.s32 $0x108;
	_ =	swait.ge @!p0 [sflag:s8], $0x0  }
0x24: {  	s3 =	sadd.s32 $0x88, s3;
	s6 =	simm.s32 @!p1 $0x1082;
	[sflag:s4] =	ssyncset.s32 $0xFFFFF086  }
0x25: {  	[simem:s6], [sflag:s4] =	dma.local [hbm:s3], $0xF7A  }
0x26: {  	[smem:$0x3F9C] =	sst s1;
	(tag) =	ssettag s2;
	_ =	strace s9  }
0x27: {  	s1 =	sld [smem:$0x3FAC]  }
0x28: {  	s2 =	sld [smem:$0x3FAD]  }
0x29: {  	s4 =	sld [smem:$0x3FAF]  }
0x2a: {  	p0 =	seq.s32 s5, $0x0;
	s5 =	sld [smem:$0x3FB0]  }
0x2b: {  	s6 =	sld [smem:$0x3FB1]  }
0x2c: {  	s7 =	sld [smem:$0x3FB2]  }
0x2d: {  	s3 =	simm.s32 $0x108;
	s8 =	sld [smem:$0x3FB3]  }
0x2e: {  	s3 =	simm.s32 @!p0 $0x1082;
	s9 =	sld [smem:$0x3FB4]  }
0x2f: {  	lr =	sadd.s32 s0, s3;
	s0 =	sld [smem:$0x3FAB]  }
0x30: {  	s3 =	sld [smem:$0x3FAE]  }
0x31: {  	[smem:$0x3FB7] =	sst s10  }
0x32: {  	s10 =	sld [smem:$0x3FB5];
	_ =	sdelay $0x3  }
0x33: {  	p0 =	seq.s32 s10, $0x1;
	s10 =	sld [smem:$0x3FB7];
	_ =	sdelay $0x3  }
0x34: {  	[smem:$0x3FB7] =	sst s10  }
0x35: {  	s10 =	sld [smem:$0x3FB6];
	_ =	sdelay $0x3  }
0x36: {  	p1 =	seq.s32 s10, $0x1;
	s10 =	sld [smem:$0x3FB7];
	_ =	sdelay $0x3  }
0x37: {  	[smem:$0x3FB7] =	sst s10  }
0x38: {  	s10 =	sld [smem:$0x3FB8]  }
0x39: {  	_ = 	snop;
	(pc) =	sbr.ind lr, $3  }
0x3a: {  	_ = 	snop  }
0x3b: {  	_ = 	snop  }
0x3c: {  	p2 =	seq.s32 s10, $0x1;
	s10 =	sld [smem:$0x3FB7]  }
0x3d: {  	_ =	shalt  }
0x3e: {  	_ =	shalt  }
0x3f: {  	_ =	shalt  }
0x40: {  	_ =	shalt  }
0x41: {  	_ =	shalt  }
0x42: {  	_ =	shalt  }
0x43: {  	_ =	shalt  }
0x44: {  	_ =	shalt  }
0x45: {  	_ =	shalt  }
0x46: {  	_ =	shalt  }
0x47: {  	_ =	shalt  }
0x48: {  	_ =	shalt  }
0x49: {  	_ =	shalt  }
0x4a: {  	_ =	shalt  }
0x4b: {  	_ =	shalt  }
0x4c: {  	_ =	shalt  }
0x4d: {  	_ =	shalt  }
0x4e: {  	_ =	shalt  }
0x4f: {  	_ =	shalt  }
0x50: {  	_ =	shalt  }
0x51: {  	_ =	shalt  }
0x52: {  	_ =	shalt  }
0x53: {  	_ =	shalt  }
0x54: {  	_ =	shalt  }
0x55: {  	_ =	shalt  }
0x56: {  	_ =	shalt  }
0x57: {  	_ =	shalt  }
0x58: {  	_ =	shalt  }
0x59: {  	_ =	shalt  }
0x5a: {  	_ =	shalt  }
0x5b: {  	_ =	shalt  }
0x5c: {  	_ =	shalt  }
0x5d: {  	_ =	shalt  }
0x5e: {  	_ =	shalt  }
0x5f: {  	_ =	shalt  }
0x60: {  	_ =	shalt  }
0x61: {  	_ =	shalt  }
0x62: {  	_ =	shalt  }
0x63: {  	_ =	shalt  }
0x64: {  	_ =	shalt  }
0x65: {  	_ =	shalt  }
0x66: {  	_ =	shalt  }
0x67: {  	_ =	shalt  }
0x68: {  	_ =	shalt  }
0x69: {  	_ =	shalt  }
0x6a: {  	_ =	shalt  }
0x6b: {  	_ =	shalt  }
0x6c: {  	_ =	shalt  }
0x6d: {  	_ =	shalt  }
0x6e: {  	_ =	shalt  }
0x6f: {  	_ =	shalt  }
0x70: {  	_ =	shalt  }
0x71: {  	_ =	shalt  }
0x72: {  	_ =	shalt  }
0x73: {  	_ =	shalt  }
0x74: {  	_ =	shalt  }
0x75: {  	_ =	shalt  }
0x76: {  	_ =	shalt  }
0x77: {  	_ =	shalt  }
0x78: {  	_ =	shalt  }
0x79: {  	_ =	shalt  }
0x7a: {  	_ =	shalt  }
0x7b: {  	_ =	shalt  }
0x7c: {  	_ =	shalt  }
0x7d: {  	_ =	shalt  }
0x7e: {  	_ =	shalt  }
0x7f: {  	_ =	shalt  }
0x80: {  	_ =	shalt  }
0x81: {  	_ =	shalt  }
0x82: {  	_ =	shalt  }
0x83: {  	_ =	shalt  }
0x84: {  	_ =	shalt  }
0x85: {  	_ =	shalt  }
0x86: {  	_ =	shalt  }
0x87: {  	_ =	shalt  }
.Lfunc_end0:
.L_simem_size_0:
called_computation_lowered:
.L_overlay_start_0:
0x88: {  	s2 =	sld [smem:$0x3FD9]  }
0x89: {  	s3 =	sld [smem:$0x3FFE];
	_ =	sdelay $0x1  }
0x8a: {  	s1 =	srdreg.scid  }
0x8b: {  	s0 =	sand.u32 $0x1, s1  }
0x8c: {  	s17 =	sshll.u32 s0, $0xA;
	s2 =	sadd.s32 s3, s2  }
0x8d: {  	s2 =	sadd.s32 s2, s17  }
0x8e: {  	[smem:$0x3FC3] =	sst s2  }
0x8f: {  	_ = 	snop  }
0x90: {  	s2 =	sld [smem:$0x3FC8]  }
0x91: {  	s18 =	sld [smem:$0x3FC7];
	(tm) =	ssettm $0x1  }
0x92: {  	s4 =	sld [smem:$0x3FFB];
	_ =	sdelay $0x3  }
0x93: {  	_ =	strace s4  }
0x94: {  	s4 =	sld [smem:$0x3FFC];
	_ =	sdelay $0x3  }
0x95: {  	_ =	strace s4  }
0x96: {  	s4 =	sld [smem:$0x3FFD];
	_ =	sdelay $0x3  }
0x97: {  	_ =	strace s4  }
0x98: {  	_ =	strace $0x8FFFFFFF  }
0x99: {  	s19 =	sld [smem:$0x3FDB];
	_ =	sdelay $0x1  }
0x9a: {  	s5 =	simm.s32 $_scs_section_size  }
0x9b: {  	s6 =	simm.s32 $_size__tile_overlayer_lowered;
	s7 =	simm.s32 $_tile_overlayer_lowered  }
0x9c: {  	s22 =	simm.s32 $0x1BFF;
	s21 =	sshll.u32 s7, $0x1;
	s4 =	sadd.s32 s5, s19  }
0x9d: {  	s8 =	simm.s32 $0x0;
	s20 =	sshll.u32 s6, $0x1;
	s6 =	sadd.s32 s21, s4  }
0x9e: {  	[timem:s8], [sflag:s22] =	dma.local [hbm:s6], s20  }
0x9f: {  	_ =	swait.ge [sflag:s22], s20  }
0xa0: {  	s5 =	ssub.s32 $0x0, s20;
	[sflag:s22] =	ssyncset.done $0x0  }
0xa1: {  	[sflag:s22] =	ssyncadd.s32 s5;
	_ =	sdelay $0x1  }
0xa2: {  	s23 =	simm.s32 $0x1B8B  }
0xa3: {  	_ =	swait.ge [sflag:s23], $0x1  }
0xa4: {  	[sflag:s23] =	ssyncset.done $0x0  }
0xa5: {  	s25 =	simm.s32 $0x1B8E;
	s24 =	sld [smem:$0x3FFE];
	[sflag:s23] =	ssyncadd.s32 $0xFFFFFFFF  }
0xa6: {  	s26 =	simm.s32 $execute0_lowered;
	[smem:$0x3FD2] =	sst s25  }
0xa7: {  	s6 =	sshll.u32 s26, $0x1;
	_ =	strace $0x80000046;
	[dreg:$0x1] =	wrdreg $0xFFFFFFFF  }
0xa8: {  	s28 =	simm.s32 $_size_execute0_lowered;
	s4 =	sadd.s32 s4, s6;
	[dreg:$0x0] =	wrdreg $0x0  }
0xa9: {  	s6 =	sshll.u32 s28, $0x1;
	[dreg:$0x2] =	wrdreg s4  }
0xaa: {  	[dreg:$0x3] =	wrdreg s6  }
0xab: {  	[dreg:$0x4] =	wrdreg $0xC0  }
0xac: {  	_ =	task [dreg:s8], $0x5FFFF  }
0xad: {  	[dreg:$0x1] =	wrdreg $0xFFFFFFFF  }
0xae: {  	[dreg:$0x0] =	wrdreg $0x60  }
0xaf: {  	[dreg:$0x2] =	wrdreg s2  }
0xb0: {  	[dreg:$0x3] =	wrdreg s18  }
0xb1: {  	[dreg:$0x4] =	wrdreg s24  }
0xb2: {  	[dreg:$0x5] =	wrdreg $0x9  }
0xb3: {  	_ =	task.clear_ibuf [dreg:s8], $0x6FFFF;
	_ =	strace $0x90000046  }
0xb4: {  	s29 =	simm.s32 $0x9;
	_ =	strace $0x80000048  }
0xb5: {  	_ =	swait.ge [sflag:s29], $0x1  }
0xb6: {  	[sflag:s29] =	ssyncadd.s32 $0xFFFFFFFF  }
0xb7: {  	_ =	strace $0x90000048  }
0xb8: {  	_ =	sfence  }
0xb9: {  	s30 =	sld [smem:$0x0];
	_ =	sdelay $0x2  }
0xba: {  	s31 =	sshll.u32 s1, $0xD;
	s1 =	sshrl.u32 s1, $0x2  }
0xbb: {  	s3 =	sand.u32 $0x4000, s31;
	s1 =	sadd.s32 s1, s30  }
0xbc: {  	s0 =	sor.u32 s3, s0;
	s1 =	sshll.u32 s1, $0x11  }
0xbd: {  	s0 =	sor.u32 s1, s0  }
0xbe: {  	s0 =	sadd.s32 $0x8F2B, s0  }
0xbf: {  	[sflag:s0] =	ssyncadd.remote.s32 $0x1  }
0xc0: {  	_ =	sfence.sel $0xFFFF  }
0xc1: {  	[dreg:$0x0] =	wrdreg $0xFFFFFFFF;
	(pc) =	sbr.abs _section_cstart, $3  }
0xc2: {  	[dreg:$0x1] =	wrdreg $0xFFFFFFFF  }
0xc3: {  	_ =	task.clear_ibuf [dreg:s8], $0x2FFFF;
	_ =	strace $0x9FFFFFFF  }
0xc4: {  	(tm) =	ssettm $0x7FFFFFFF  }
0xc5: {  	_ =	shalt  }
tec
execute0_lowered:
.L_overlay_start_1:
0x0: {  	(tag) =	ssettag $0x1  }
0x1: {  	s1 =	rddreg [dreg:$0x0]  }
0x2: {  	s3 =	rddreg [dreg:$0x1]  }
0x3: {  	s0 =	rddreg [dreg:$0x2]  }
0x4: {  	s2 =	srdreg.scid;
	s5 =	stileid.u32;
	s4 =	simm.s32 $0x0  }
0x5: {  	s9 =	simm.s32 $0x11;
	s10 =	simm.s32 $0x280;
	s11 =	simm.s32 $0x400  }
0x6: {  	s12 =	simm.s32 $0x7A1400;
	s13 =	simm.s32 $0xC500;
	s14 =	simm.s32 $0x4D00  }
0x7: {  	s15 =	simm.s32 $0xCD00;
	s16 =	simm.s32 $0x5500;
	s17 =	simm.s32 $0xD500  }
0x8: {  	s18 =	simm.s32 $0x5D00;
	s19 =	simm.s32 $0xDD00;
	s20 =	simm.s32 $0x6500  }
0x9: {  	s21 =	simm.s32 $0xE500;
	s22 =	simm.s32 $0x6D00;
	s23 =	simm.s32 $0xED00  }
0xa: {  	s28 =	simm.s32 $0xFD00;
	s30 =	simm.s32 $0xA;
	s31 =	simm.s32 $0xB  }
0xb: {  	s2 =	sand.u32 $0x1, s2;
	s5 =	sshll.u32 s5, $0x1;
	[smem:$0x7FF] =	sst s4  }
0xc: {  	s29 =	simm.s32 $0x0;
	s5 =	sor.u32 s2, s5;
	_ =	strace $0x80000047  }
0xd: {  	s2 =	ssub.s32 $0x2, s2;
	s6 =	sshll.u32 s5, $0x6;
	s5 =	sshll.u32 s5, $0x4  }
0xe: {  	s7 =	sshrl.u32 s2, $0x1;
	s6 =	sadd.s32 s6, s0;
	s0 =	sadd.s32 s5, s0  }
0xf: {  	s2 =	ssub.s32 s2, s7;
	s5 =	simm.s32 $0xE;
	s24 =	sadd.s32 $0xC00, s6  }
.Ltmp0:
0x10: {  	s25 =	sadd.s32 $0x400, s6;
	[dreg:$0x4] =	wrdreg s24;
	(pc) =	sbr.rel .LBB2_1-.Ltmp0, $4  }
0x11: {  	s7 =	simm.s32 $0x10;
	s0 =	sadd.s32 $0x1400, s0;
	[dreg:$0x5] =	wrdreg s25  }
0x12: {  	s26 =	smax.u32 s2, $0x1;
	s2 =	simm.s32 $0xD;
	[dreg:$0x6] =	wrdreg s0  }
0x13: {  	v0 =	vlaneseq.u32;
	s6 =	simm.s32 $0xF;
	[dreg:$0x7] =	wrdreg s26;
	s24 =	simm.s32 $0x7500  }
0x14: {  	v1 =	vadd.s32 $0x8, v0;
	v2 =	vmul.u32 $0x80, v0;
	s25 =	simm.s32 $0xF500;
	s26 =	simm.s32 $0x7D00;
	s0 =	simm.s32 $0xC  }
.LBB2_6:
0x15: {  	_ =	sdelay $0x2  }
0x16: {  	s9 =	simm.s32 $0x10500  }
0x17: {  	s8 =	rddreg [dreg:$0x6];
	[tilespmem:v0+s9+$0x0] =	vst.idx.msk $0xffff, v3  }
0x18: {  	[hbm4b:s8+s4] =	stream.linear.scatter [tilespmem:s9], [sflag:$0x11], $0x80, $0x38;
	[tilespmem:$0x10580] =	vst v63  }
0x19: {  	s9 =	simm.s32 $0x11  }
0x1a: {  	_ =	swait.ge [sflag:s9], $0x80  }
0x1b: {  	s29 =	rddreg [dreg:$0x8]  }
0x1c: {  	s13 =	simm.s32 $0xC500;
	s26 =	rddreg [dreg:$0x7];
	s29 =	sadd.s32 $0x1, s29  }
0x1d: {  	s14 =	simm.s32 $0x4D00;
	s15 =	simm.s32 $0xCD00;
	p0 =	sne.s32 s29, s26  }
.Ltmp1:
0x1e: {  	s16 =	simm.s32 $0x5500;
	s17 =	simm.s32 $0xD500;
	(pc) =	sbr.rel @!p0 .LBB2_7-.Ltmp1, $4  }
0x1f: {  	s18 =	simm.s32 $0x5D00;
	s19 =	simm.s32 $0xDD00;
	s20 =	simm.s32 $0x6500  }
0x20: {  	s21 =	simm.s32 $0xE500;
	s22 =	simm.s32 $0x6D00;
	s23 =	simm.s32 $0xED00  }
0x21: {  	s24 =	simm.s32 $0x7500;
	s25 =	simm.s32 $0xF500;
	[sflag:s9] =	ssyncset.done $0x0  }
0x22: {  	s28 =	simm.s32 $0xFD00;
	[sflag:s9] =	ssyncadd.s32 $0xFFFFFF80;
	s26 =	simm.s32 $0x7D00  }
.LBB2_1:
0x23: {  	[dreg:$0x8] =	wrdreg s29  }
0x24: {  	s8 =	rddreg [dreg:$0x4]  }
0x25: {  	[tilespmem:s4], [sflag:$0x11] =	stream.linear.gather [hbm4b:s8+s4], $0x200, $0x38;
	[tilespmem:$0x10580] =	vst v63  }
0x26: {  	_ =	swait.ge [sflag:s9], $0x200  }
0x27: {  	[sflag:s9] =	ssyncset.done $0x0  }
0x28: {  	s29 =	rddreg [dreg:$0x5];
	[sflag:s9] =	ssyncadd.s32 $0xFFFFFE00  }
0x29: {  	[tilespmem:s10], [sflag:$0x11] =	stream.linear.gather [hbm4b:s29+s4], $0x200, $0x38;
	[tilespmem:$0x10580] =	vst v63  }
0x2a: {  	_ =	swait.ge [sflag:s9], $0x200  }
0x2b: {  	[sflag:s9] =	ssyncset.done $0x0  }
0x2c: {  	[sflag:s9] =	ssyncadd.s32 $0xFFFFFE00  }
0x2d: {  	v3 =	vld.idx.msk [tilespmem:v0+s4+$0x0], $0xffff;
	_ =	sdelay $0x1  }
0x2e: {  	v4 =	vld.idx.msk [tilespmem:v0+s10+$0x0], $0xffff;
	_ =	sdelay $0x2  }
0x2f: {  	(v2sf) =	vpush v3, $0x0;
	_ =	sdelay $0x1  }
0x30: {  	(v2sf) =	vpush v4, $0x0;
	_ =	sdelay $0x2  }
0x31: {  	(v2sf) =	vpush v3, $0x1;
	_ =	sdelay $0x2  }
0x32: {  	(v2sf) =	vpush v4, $0x1;
	_ =	sdelay $0x6  }
0x33: {  	s9 =	spop (v2sf);
	(v2sf) =	vpush v3, $0x2;
	_ =	sdelay $0x1  }
0x34: {  	s8 =	sand.u32 $0xFFFFF80, s9;
	s9 =	spop (v2sf);
	(v2sf) =	vpush v4, $0x2  }
0x35: {  	s29 =	simm.s32 $0x500;
	s8 =	sadd.s32 s1, s8  }
0x36: {  	[tilespmem:s29], [sflag:$0x1] =	stream.strided.gather [hbm4b:s8+s11], $0x800, s12, s11, $0x38;
	[tilespmem:$0x10580] =	vst v63  }
0x37: {  	s8 =	sand.u32 $0xFFFFF80, s9;
	s9 =	spop (v2sf);
	(v2sf) =	vpush v3, $0x3  }
0x38: {  	s29 =	simm.s32 $0x8500;
	s8 =	sadd.s32 s3, s8  }
0x39: {  	[tilespmem:s29], [sflag:$0x1] =	stream.strided.gather [hbm4b:s8+s11], $0x800, s12, s11, $0x38;
	[tilespmem:$0x10580] =	vst v63  }
0x3a: {  	s8 =	sand.u32 $0xFFFFF80, s9;
	s9 =	spop (v2sf);
	(v2sf) =	vpush v4, $0x3;
	_ =	sdelay $0x3  }
0x3b: {  	s29 =	simm.s32 $0xD00;
	s8 =	sadd.s32 s1, s8  }
0x3c: {  	[tilespmem:s29], [sflag:$0x2] =	stream.strided.gather [hbm4b:s8+s11], $0x800, s12, s11, $0x38;
	[tilespmem:$0x10580] =	vst v63  }
0x3d: {  	s8 =	sand.u32 $0xFFFFF80, s9  }
0x3e: {  	s29 =	simm.s32 $0x8D00;
	s8 =	sadd.s32 s3, s8;
	s9 =	spop (v2sf);
	(v2sf) =	vpush v3, $0x4  }
0x3f: {  	[tilespmem:s29], [sflag:$0x2] =	stream.strided.gather [hbm4b:s8+s11], $0x800, s12, s11, $0x38;
	[tilespmem:$0x10580] =	vst v63  }
0x40: {  	s8 =	sand.u32 $0xFFFFF80, s9;
	s9 =	spop (v2sf);
	(v2sf) =	vpush v4, $0x4  }
0x41: {  	s29 =	simm.s32 $0x1500;
	s8 =	sadd.s32 s1, s8  }
0x42: {  	[tilespmem:s29], [sflag:$0x3] =	stream.strided.gather [hbm4b:s8+s11], $0x800, s12, s11, $0x38;
	[tilespmem:$0x10580] =	vst v63  }
0x43: {  	s8 =	sand.u32 $0xFFFFF80, s9;
	s9 =	spop (v2sf);
	(v2sf) =	vpush v3, $0x5  }
0x44: {  	s29 =	simm.s32 $0x9500;
	s8 =	sadd.s32 s3, s8  }
0x45: {  	[tilespmem:s29], [sflag:$0x3] =	stream.strided.gather [hbm4b:s8+s11], $0x800, s12, s11, $0x38;
	[tilespmem:$0x10580] =	vst v63  }
0x46: {  	s8 =	sand.u32 $0xFFFFF80, s9;
	s9 =	spop (v2sf);
	(v2sf) =	vpush v4, $0x5;
	_ =	sdelay $0x3  }
0x47: {  	s29 =	simm.s32 $0x1D00;
	s8 =	sadd.s32 s1, s8  }
0x48: {  	[tilespmem:s29], [sflag:$0x4] =	stream.strided.gather [hbm4b:s8+s11], $0x800, s12, s11, $0x38;
	[tilespmem:$0x10580] =	vst v63  }
0x49: {  	s8 =	sand.u32 $0xFFFFF80, s9  }
0x4a: {  	s29 =	simm.s32 $0x9D00;
	s8 =	sadd.s32 s3, s8;
	s9 =	spop (v2sf);
	(v2sf) =	vpush v3, $0x6  }
0x4b: {  	[tilespmem:s29], [sflag:$0x4] =	stream.strided.gather [hbm4b:s8+s11], $0x800, s12, s11, $0x38;
	[tilespmem:$0x10580] =	vst v63  }
0x4c: {  	s8 =	sand.u32 $0xFFFFF80, s9;
	s9 =	spop (v2sf);
	(v2sf) =	vpush v4, $0x6  }
0x4d: {  	s29 =	simm.s32 $0x2500;
	s8 =	sadd.s32 s1, s8  }
0x4e: {  	[tilespmem:s29], [sflag:$0x5] =	stream.strided.gather [hbm4b:s8+s11], $0x800, s12, s11, $0x38;
	[tilespmem:$0x10580] =	vst v63  }
0x4f: {  	s8 =	sand.u32 $0xFFFFF80, s9;
	s9 =	spop (v2sf);
	(v2sf) =	vpush v3, $0x7  }
0x50: {  	s29 =	simm.s32 $0xA500;
	s8 =	sadd.s32 s3, s8  }
0x51: {  	[tilespmem:s29], [sflag:$0x5] =	stream.strided.gather [hbm4b:s8+s11], $0x800, s12, s11, $0x38;
	[tilespmem:$0x10580] =	vst v63  }
0x52: {  	s8 =	sand.u32 $0xFFFFF80, s9;
	s9 =	spop (v2sf);
	(v2sf) =	vpush v4, $0x7;
	_ =	sdelay $0x1  }
0x53: {  	s29 =	simm.s32 $0x2D00;
	s8 =	sadd.s32 s1, s8  }
0x54: {  	[tilespmem:s29], [sflag:$0x6] =	stream.strided.gather [hbm4b:s8+s11], $0x800, s12, s11, $0x38;
	[tilespmem:$0x10580] =	vst v63  }
0x55: {  	s8 =	sand.u32 $0xFFFFF80, s9  }
0x56: {  	s29 =	simm.s32 $0xAD00;
	s8 =	sadd.s32 s3, s8  }
0x57: {  	[tilespmem:s29], [sflag:$0x6] =	stream.strided.gather [hbm4b:s8+s11], $0x800, s12, s11, $0x38;
	[tilespmem:$0x10580] =	vst v63  }
0x58: {  	s9 =	spop (v2sf)  }
0x59: {  	s8 =	sand.u32 $0xFFFFF80, s9  }
0x5a: {  	s29 =	simm.s32 $0x3500;
	s9 =	spop (v2sf);
	s8 =	sadd.s32 s1, s8  }
0x5b: {  	[tilespmem:s29], [sflag:$0x7] =	stream.strided.gather [hbm4b:s8+s11], $0x800, s12, s11, $0x38;
	[tilespmem:$0x10580] =	vst v63  }
0x5c: {  	s8 =	sand.u32 $0xFFFFF80, s9  }
0x5d: {  	s29 =	simm.s32 $0xB500;
	s9 =	spop (v2sf);
	s8 =	sadd.s32 s3, s8  }
0x5e: {  	[tilespmem:s29], [sflag:$0x7] =	stream.strided.gather [hbm4b:s8+s11], $0x800, s12, s11, $0x38;
	[tilespmem:$0x10580] =	vst v63  }
0x5f: {  	s8 =	sand.u32 $0xFFFFF80, s9  }
0x60: {  	s29 =	simm.s32 $0x3D00;
	s9 =	spop (v2sf);
	s8 =	sadd.s32 s1, s8  }
0x61: {  	[tilespmem:s29], [sflag:$0x8] =	stream.strided.gather [hbm4b:s8+s11], $0x800, s12, s11, $0x38;
	[tilespmem:$0x10580] =	vst v63  }
0x62: {  	s8 =	sand.u32 $0xFFFFF80, s9  }
0x63: {  	s29 =	simm.s32 $0xBD00;
	s8 =	sadd.s32 s3, s8  }
0x64: {  	[tilespmem:s29], [sflag:$0x8] =	stream.strided.gather [hbm4b:s8+s11], $0x800, s12, s11, $0x38;
	[tilespmem:$0x10580] =	vst v63  }
0x65: {  	v3 =	vld.idx.msk [tilespmem:v1+s4+$0x0], $0xffff;
	_ =	sdelay $0x1  }
0x66: {  	v4 =	vld.idx.msk [tilespmem:v1+s10+$0x0], $0xffff;
	_ =	sdelay $0x2  }
0x67: {  	(v2sf) =	vpush v3, $0x0;
	_ =	sdelay $0x1  }
0x68: {  	(v2sf) =	vpush v4, $0x0;
	_ =	sdelay $0x4  }
0x69: {  	(v2sf) =	vpush v3, $0x1;
	_ =	sdelay $0x3  }
0x6a: {  	(v2sf) =	vpush v4, $0x1;
	_ =	sdelay $0x3  }
0x6b: {  	s9 =	spop (v2sf);
	(v2sf) =	vpush v3, $0x2  }
0x6c: {  	s8 =	sand.u32 $0xFFFFF80, s9  }
0x6d: {  	s29 =	simm.s32 $0x4500;
	s9 =	spop (v2sf);
	s8 =	sadd.s32 s1, s8  }
0x6e: {  	[tilespmem:s29], [sflag:$0x9] =	stream.strided.gather [hbm4b:s8+s11], $0x800, s12, s11, $0x38;
	[tilespmem:$0x10580] =	vst v63  }
0x6f: {  	(v2sf) =	vpush v4, $0x2;
	s8 =	sand.u32 $0xFFFFF80, s9  }
0x70: {  	s8 =	sadd.s32 s3, s8  }
0x71: {  	[tilespmem:s13], [sflag:$0x9] =	stream.strided.gather [hbm4b:s8+s11], $0x800, s12, s11, $0x38;
	[tilespmem:$0x10580] =	vst v63  }
0x72: {  	s13 =	spop (v2sf)  }
0x73: {  	(v2sf) =	vpush v3, $0x3;
	s8 =	sand.u32 $0xFFFFF80, s13  }
0x74: {  	s8 =	sadd.s32 s1, s8  }
0x75: {  	[tilespmem:s14], [sflag:$0xA] =	stream.strided.gather [hbm4b:s8+s11], $0x800, s12, s11, $0x38;
	[tilespmem:$0x10580] =	vst v63  }
0x76: {  	s14 =	spop (v2sf)  }
0x77: {  	(v2sf) =	vpush v4, $0x3;
	s8 =	sand.u32 $0xFFFFF80, s14  }
0x78: {  	s8 =	sadd.s32 s3, s8  }
0x79: {  	[tilespmem:s15], [sflag:$0xA] =	stream.strided.gather [hbm4b:s8+s11], $0x800, s12, s11, $0x38;
	[tilespmem:$0x10580] =	vst v63  }
0x7a: {  	s15 =	spop (v2sf)  }
0x7b: {  	(v2sf) =	vpush v3, $0x4;
	s8 =	sand.u32 $0xFFFFF80, s15  }
0x7c: {  	s8 =	sadd.s32 s1, s8  }
0x7d: {  	[tilespmem:s16], [sflag:$0xB] =	stream.strided.gather [hbm4b:s8+s11], $0x800, s12, s11, $0x38;
	[tilespmem:$0x10580] =	vst v63  }
0x7e: {  	s16 =	spop (v2sf)  }
0x7f: {  	(v2sf) =	vpush v4, $0x4;
	s8 =	sand.u32 $0xFFFFF80, s16  }
0x80: {  	s8 =	sadd.s32 s3, s8  }
0x81: {  	[tilespmem:s17], [sflag:$0xB] =	stream.strided.gather [hbm4b:s8+s11], $0x800, s12, s11, $0x38;
	[tilespmem:$0x10580] =	vst v63  }
0x82: {  	s17 =	spop (v2sf)  }
0x83: {  	(v2sf) =	vpush v3, $0x5;
	s8 =	sand.u32 $0xFFFFF80, s17  }
0x84: {  	s8 =	sadd.s32 s1, s8  }
0x85: {  	[tilespmem:s18], [sflag:$0xC] =	stream.strided.gather [hbm4b:s8+s11], $0x800, s12, s11, $0x38;
	[tilespmem:$0x10580] =	vst v63  }
0x86: {  	s18 =	spop (v2sf)  }
0x87: {  	(v2sf) =	vpush v4, $0x5;
	s8 =	sand.u32 $0xFFFFF80, s18  }
0x88: {  	s8 =	sadd.s32 s3, s8  }
0x89: {  	[tilespmem:s19], [sflag:$0xC] =	stream.strided.gather [hbm4b:s8+s11], $0x800, s12, s11, $0x38;
	[tilespmem:$0x10580] =	vst v63  }
0x8a: {  	s19 =	spop (v2sf)  }
0x8b: {  	(v2sf) =	vpush v3, $0x6;
	s8 =	sand.u32 $0xFFFFF80, s19  }
0x8c: {  	s8 =	sadd.s32 s1, s8  }
0x8d: {  	[tilespmem:s20], [sflag:$0xD] =	stream.strided.gather [hbm4b:s8+s11], $0x800, s12, s11, $0x38;
	[tilespmem:$0x10580] =	vst v63  }
0x8e: {  	s20 =	spop (v2sf)  }
0x8f: {  	(v2sf) =	vpush v4, $0x6;
	s8 =	sand.u32 $0xFFFFF80, s20  }
0x90: {  	s8 =	sadd.s32 s3, s8  }
0x91: {  	[tilespmem:s21], [sflag:$0xD] =	stream.strided.gather [hbm4b:s8+s11], $0x800, s12, s11, $0x38;
	[tilespmem:$0x10580] =	vst v63  }
0x92: {  	s21 =	spop (v2sf)  }
0x93: {  	(v2sf) =	vpush v3, $0x7;
	s8 =	sand.u32 $0xFFFFF80, s21  }
0x94: {  	s8 =	sadd.s32 s1, s8  }
0x95: {  	[tilespmem:s22], [sflag:$0xE] =	stream.strided.gather [hbm4b:s8+s11], $0x800, s12, s11, $0x38;
	[tilespmem:$0x10580] =	vst v63  }
0x96: {  	s22 =	spop (v2sf)  }
0x97: {  	(v2sf) =	vpush v4, $0x7;
	s8 =	sand.u32 $0xFFFFF80, s22  }
0x98: {  	s8 =	sadd.s32 s3, s8  }
0x99: {  	[tilespmem:s23], [sflag:$0xE] =	stream.strided.gather [hbm4b:s8+s11], $0x800, s12, s11, $0x38;
	[tilespmem:$0x10580] =	vst v63  }
0x9a: {  	s23 =	spop (v2sf)  }
0x9b: {  	s8 =	sand.u32 $0xFFFFF80, s23  }
0x9c: {  	s8 =	sadd.s32 s1, s8  }
0x9d: {  	[tilespmem:s24], [sflag:$0xF] =	stream.strided.gather [hbm4b:s8+s11], $0x800, s12, s11, $0x38;
	[tilespmem:$0x10580] =	vst v63  }
0x9e: {  	s24 =	spop (v2sf)  }
0x9f: {  	s8 =	sand.u32 $0xFFFFF80, s24  }
0xa0: {  	s8 =	sadd.s32 s3, s8  }
0xa1: {  	[tilespmem:s25], [sflag:$0xF] =	stream.strided.gather [hbm4b:s8+s11], $0x800, s12, s11, $0x38;
	[tilespmem:$0x10580] =	vst v63  }
0xa2: {  	s25 =	spop (v2sf)  }
0xa3: {  	s8 =	sand.u32 $0xFFFFF80, s25  }
0xa4: {  	s8 =	sadd.s32 s1, s8  }
0xa5: {  	[tilespmem:s26], [sflag:$0x10] =	stream.strided.gather [hbm4b:s8+s11], $0x800, s12, s11, $0x38;
	[tilespmem:$0x10580] =	vst v63  }
0xa6: {  	s29 =	spop (v2sf)  }
0xa7: {  	s8 =	sand.u32 $0xFFFFF80, s29  }
0xa8: {  	s8 =	sadd.s32 s3, s8  }
0xa9: {  	[tilespmem:s28], [sflag:$0x10] =	stream.strided.gather [hbm4b:s8+s11], $0x800, s12, s11, $0x38;
	[tilespmem:$0x10580] =	vst v63  }
0xaa: {  	v3 =	vimm.f32 $0.0e+00;
	s8 =	simm.s32 $0x0  }
.LBB2_2:
0xab: {  	v4 =	vor.u32 s8, v0;
	_ =	sdelay $0x4  }
0xac: {  	v5 =	vld.idx.msk [tilespmem:v4+s4+$0x0], $0xffff  }
0xad: {  	v4 =	vld.idx.msk [tilespmem:v4+s10+$0x0], $0xffff;
	_ =	sdelay $0x3  }
0xae: {  	v18 =	vand.u32 $0x7F, v5  }
0xaf: {  	s9 =	simm.s32 $0x1;
	v19 =	vand.u32 $0x7F, v4;
	v4 =	vbroadcast v18, $0x0  }
0xb0: {  	_ =	swait.ge [sflag:s9], $0x800;
	v5 =	vbroadcast v19, $0x0  }
0xb1: {  	[sflag:s9] =	ssyncset.done $0x0;
	v4 =	vor.u32 v2, v4  }
0xb2: {  	[sflag:s9] =	ssyncadd.s32 $0xFFFFF800;
	v5 =	vor.u32 v2, v5  }
0xb3: {  	_ =	swait.ge [sflag:s9], $0x800  }
0xb4: {  	[sflag:s9] =	ssyncset.done $0x0  }
0xb5: {  	s22 =	simm.s32 $0x500;
	[sflag:s9] =	ssyncadd.s32 $0xFFFFF800  }
0xb6: {  	s23 =	simm.s32 $0x8500;
	s24 =	simm.s32 $0x2;
	v6 =	vbroadcast v18, $0x1;
	v4 =	vld.idx.msk [tilespmem:v4+s22+$0x0], $0xffff  }
0xb7: {  	v7 =	vbroadcast v19, $0x1;
	v5 =	vld.idx.msk [tilespmem:v5+s23+$0x0], $0xffff;
	_ =	swait.ge [sflag:s24], $0x800  }
0xb8: {  	v6 =	vor.u32 v2, v6;
	[sflag:s24] =	ssyncset.done $0x0  }
0xb9: {  	v7 =	vor.u32 v2, v7;
	[sflag:s24] =	ssyncadd.s32 $0xFFFFF800  }
0xba: {  	_ =	swait.ge [sflag:s24], $0x800  }
0xbb: {  	[sflag:s24] =	ssyncset.done $0x0  }
0xbc: {  	s25 =	simm.s32 $0xD00;
	[sflag:s24] =	ssyncadd.s32 $0xFFFFF800  }
0xbd: {  	s26 =	simm.s32 $0x8D00;
	s28 =	simm.s32 $0x3;
	v8 =	vbroadcast v18, $0x2;
	v6 =	vld.idx.msk [tilespmem:v6+s25+$0x0], $0xffff  }
0xbe: {  	v9 =	vbroadcast v19, $0x2;
	v7 =	vld.idx.msk [tilespmem:v7+s26+$0x0], $0xffff;
	_ =	swait.ge [sflag:s28], $0x800  }
0xbf: {  	v8 =	vor.u32 v2, v8;
	[sflag:s28] =	ssyncset.done $0x0  }
0xc0: {  	v9 =	vor.u32 v2, v9;
	[sflag:s28] =	ssyncadd.s32 $0xFFFFF800  }
0xc1: {  	_ =	swait.ge [sflag:s28], $0x800  }
0xc2: {  	[sflag:s28] =	ssyncset.done $0x0  }
0xc3: {  	s29 =	simm.s32 $0x1500;
	[sflag:s28] =	ssyncadd.s32 $0xFFFFF800  }
0xc4: {  	s13 =	simm.s32 $0x9500;
	s14 =	simm.s32 $0x4;
	v10 =	vbroadcast v18, $0x3;
	v8 =	vld.idx.msk [tilespmem:v8+s29+$0x0], $0xffff  }
0xc5: {  	v11 =	vbroadcast v19, $0x3;
	v9 =	vld.idx.msk [tilespmem:v9+s13+$0x0], $0xffff;
	_ =	swait.ge [sflag:s14], $0x800  }
0xc6: {  	v10 =	vor.u32 v2, v10;
	[sflag:s14] =	ssyncset.done $0x0  }
0xc7: {  	v11 =	vor.u32 v2, v11;
	[sflag:s14] =	ssyncadd.s32 $0xFFFFF800  }
0xc8: {  	_ =	swait.ge [sflag:s14], $0x800  }
0xc9: {  	[sflag:s14] =	ssyncset.done $0x0  }
0xca: {  	s15 =	simm.s32 $0x1D00;
	[sflag:s14] =	ssyncadd.s32 $0xFFFFF800  }
0xcb: {  	s16 =	simm.s32 $0x9D00;
	s17 =	simm.s32 $0x5;
	v12 =	vbroadcast v18, $0x4;
	v10 =	vld.idx.msk [tilespmem:v10+s15+$0x0], $0xffff  }
0xcc: {  	v13 =	vbroadcast v19, $0x4;
	v11 =	vld.idx.msk [tilespmem:v11+s16+$0x0], $0xffff;
	_ =	swait.ge [sflag:s17], $0x800  }
0xcd: {  	v12 =	vor.u32 v2, v12;
	[sflag:s17] =	ssyncset.done $0x0  }
0xce: {  	v13 =	vor.u32 v2, v13;
	[sflag:s17] =	ssyncadd.s32 $0xFFFFF800  }
0xcf: {  	_ =	swait.ge [sflag:s17], $0x800  }
0xd0: {  	[sflag:s17] =	ssyncset.done $0x0  }
0xd1: {  	s18 =	simm.s32 $0x2500;
	[sflag:s17] =	ssyncadd.s32 $0xFFFFF800  }
0xd2: {  	s19 =	simm.s32 $0xA500;
	s20 =	simm.s32 $0x6;
	v14 =	vbroadcast v18, $0x5;
	v12 =	vld.idx.msk [tilespmem:v12+s18+$0x0], $0xffff  }
0xd3: {  	v15 =	vbroadcast v19, $0x5;
	v13 =	vld.idx.msk [tilespmem:v13+s19+$0x0], $0xffff;
	_ =	swait.ge [sflag:s20], $0x800  }
0xd4: {  	v14 =	vor.u32 v2, v14;
	[sflag:s20] =	ssyncset.done $0x0  }
0xd5: {  	v15 =	vor.u32 v2, v15;
	[sflag:s20] =	ssyncadd.s32 $0xFFFFF800  }
0xd6: {  	_ =	swait.ge [sflag:s20], $0x800  }
0xd7: {  	[sflag:s20] =	ssyncset.done $0x0  }
0xd8: {  	s21 =	simm.s32 $0x2D00;
	[sflag:s20] =	ssyncadd.s32 $0xFFFFF800  }
0xd9: {  	v16 =	vbroadcast v18, $0x6;
	s22 =	simm.s32 $0xAD00;
	s23 =	simm.s32 $0x7;
	v14 =	vld.idx.msk [tilespmem:v14+s21+$0x0], $0xffff  }
0xda: {  	v17 =	vbroadcast v19, $0x6;
	v15 =	vld.idx.msk [tilespmem:v15+s22+$0x0], $0xffff;
	_ =	swait.ge [sflag:s23], $0x800  }
0xdb: {  	v16 =	vor.u32 v2, v16;
	[sflag:s23] =	ssyncset.done $0x0  }
0xdc: {  	v17 =	vor.u32 v2, v17;
	[sflag:s23] =	ssyncadd.s32 $0xFFFFF800  }
0xdd: {  	_ =	swait.ge [sflag:s23], $0x800  }
0xde: {  	[sflag:s23] =	ssyncset.done $0x0  }
0xdf: {  	s24 =	simm.s32 $0x3500;
	[sflag:s23] =	ssyncadd.s32 $0xFFFFF800  }
0xe0: {  	v18 =	vbroadcast v18, $0x7;
	s25 =	simm.s32 $0xB500;
	s26 =	simm.s32 $0x8;
	v16 =	vld.idx.msk [tilespmem:v16+s24+$0x0], $0xffff  }
0xe1: {  	v19 =	vbroadcast v19, $0x7;
	v17 =	vld.idx.msk [tilespmem:v17+s25+$0x0], $0xffff;
	_ =	swait.ge [sflag:s26], $0x800  }
0xe2: {  	v18 =	vor.u32 v2, v18;
	[sflag:s26] =	ssyncset.done $0x0  }
0xe3: {  	p0 =	seq.s32 s8, $0x1F0;
	v19 =	vor.u32 v2, v19;
	[sflag:s26] =	ssyncadd.s32 $0xFFFFF800  }
.Ltmp2:
0xe4: {  	_ =	swait.ge [sflag:s26], $0x800;
	(pc) =	sbr.rel @p0 .LBB2_4-.Ltmp2, $4  }
0xe5: {  	[sflag:s26] =	ssyncset.done $0x0  }
0xe6: {  	s28 =	simm.s32 $0x3D00;
	[sflag:s26] =	ssyncadd.s32 $0xFFFFF800  }
0xe7: {  	s29 =	simm.s32 $0xBD00;
	v18 =	vld.idx.msk [tilespmem:v18+s28+$0x0], $0xffff  }
0xe8: {  	v19 =	vld.idx.msk [tilespmem:v19+s29+$0x0], $0xffff  }
0xe9: {  	s9 =	sadd.s32 $0x10, s8  }
0xea: {  	v20 =	vor.u32 s9, v0;
	_ =	sdelay $0x4  }
0xeb: {  	v21 =	vld.idx.msk [tilespmem:v20+s4+$0x0], $0xffff;
	_ =	sdelay $0x1  }
0xec: {  	v20 =	vld.idx.msk [tilespmem:v20+s10+$0x0], $0xffff;
	_ =	sdelay $0x2  }
0xed: {  	(v2sf) =	vpush v21, $0x0;
	_ =	sdelay $0x1  }
0xee: {  	(v2sf) =	vpush v20, $0x0;
	_ =	sdelay $0x1  }
0xef: {  	(v2sf) =	vpush v21, $0x1;
	_ =	sdelay $0x2  }
0xf0: {  	(v2sf) =	vpush v20, $0x1;
	_ =	sdelay $0x7  }
0xf1: {  	s21 =	spop (v2sf);
	(v2sf) =	vpush v21, $0x2;
	_ =	sdelay $0x1  }
0xf2: {  	s23 =	spop (v2sf);
	(v2sf) =	vpush v20, $0x2;
	_ =	sdelay $0x1  }
0xf3: {  	s24 =	spop (v2sf);
	(v2sf) =	vpush v21, $0x3;
	_ =	sdelay $0x1  }
0xf4: {  	s9 =	sand.u32 $0xFFFFF80, s21  }
0xf5: {  	s13 =	simm.s32 $0x500;
	s9 =	sadd.s32 s1, s9;
	s26 =	spop (v2sf);
	(v2sf) =	vpush v20, $0x3  }
0xf6: {  	[tilespmem:s13], [sflag:$0x1] =	stream.strided.gather [hbm4b:s9+s11], $0x800, s12, s11, $0x38;
	[tilespmem:$0x10580] =	vst v63  }
0xf7: {  	s9 =	sand.u32 $0xFFFFF80, s23  }
0xf8: {  	s22 =	simm.s32 $0x8500;
	s9 =	sadd.s32 s3, s9  }
0xf9: {  	[tilespmem:s22], [sflag:$0x1] =	stream.strided.gather [hbm4b:s9+s11], $0x800, s12, s11, $0x38;
	[tilespmem:$0x10580] =	vst v63  }
0xfa: {  	s9 =	sand.u32 $0xFFFFF80, s24  }
0xfb: {  	s14 =	simm.s32 $0xD00;
	s9 =	sadd.s32 s1, s9  }
0xfc: {  	[tilespmem:s14], [sflag:$0x2] =	stream.strided.gather [hbm4b:s9+s11], $0x800, s12, s11, $0x38;
	[tilespmem:$0x10580] =	vst v63  }
0xfd: {  	s28 =	spop (v2sf);
	(v2sf) =	vpush v21, $0x4  }
0xfe: {  	s9 =	sand.u32 $0xFFFFF80, s26  }
0xff: {  	s25 =	simm.s32 $0x8D00;
	s9 =	sadd.s32 s3, s9;
	s10 =	spop (v2sf);
	(v2sf) =	vpush v20, $0x4  }
0x100: {  	[tilespmem:s25], [sflag:$0x2] =	stream.strided.gather [hbm4b:s9+s11], $0x800, s12, s11, $0x38;
	[tilespmem:$0x10580] =	vst v63  }
0x101: {  	s9 =	sand.u32 $0xFFFFF80, s28;
	s13 =	spop (v2sf);
	(v2sf) =	vpush v21, $0x5  }
0x102: {  	s15 =	simm.s32 $0x1500;
	s9 =	sadd.s32 s1, s9  }
0x103: {  	[tilespmem:s15], [sflag:$0x3] =	stream.strided.gather [hbm4b:s9+s11], $0x800, s12, s11, $0x38;
	[tilespmem:$0x10580] =	vst v63  }
0x104: {  	s15 =	spop (v2sf);
	(v2sf) =	vpush v20, $0x5  }
0x105: {  	s9 =	sand.u32 $0xFFFFF80, s10  }
0x106: {  	s29 =	simm.s32 $0x9500;
	s9 =	sadd.s32 s3, s9  }
0x107: {  	[tilespmem:s29], [sflag:$0x3] =	stream.strided.gather [hbm4b:s9+s11], $0x800, s12, s11, $0x38;
	[tilespmem:$0x10580] =	vst v63  }
0x108: {  	s9 =	sand.u32 $0xFFFFF80, s13  }
0x109: {  	s16 =	simm.s32 $0x1D00;
	s9 =	sadd.s32 s1, s9  }
0x10a: {  	[tilespmem:s16], [sflag:$0x4] =	stream.strided.gather [hbm4b:s9+s11], $0x800, s12, s11, $0x38;
	[tilespmem:$0x10580] =	vst v63  }
0x10b: {  	s9 =	sand.u32 $0xFFFFF80, s15  }
0x10c: {  	s14 =	simm.s32 $0x9D00;
	s9 =	sadd.s32 s3, s9;
	s16 =	spop (v2sf);
	(v2sf) =	vpush v21, $0x6  }
0x10d: {  	[tilespmem:s14], [sflag:$0x4] =	stream.strided.gather [hbm4b:s9+s11], $0x800, s12, s11, $0x38;
	[tilespmem:$0x10580] =	vst v63  }
0x10e: {  	s18 =	spop (v2sf);
	(v2sf) =	vpush v20, $0x6  }
0x10f: {  	s9 =	sand.u32 $0xFFFFF80, s16  }
0x110: {  	s17 =	simm.s32 $0x2500;
	s9 =	sadd.s32 s1, s9;
	s19 =	spop (v2sf)  }
0x111: {  	(v2sf) =	vpush v21, $0x7;
	[tilespmem:s17], [sflag:$0x5] =	stream.strided.gather [hbm4b:s9+s11], $0x800, s12, s11, $0x38;
	[tilespmem:$0x10580] =	vst v63  }
0x112: {  	s9 =	sand.u32 $0xFFFFF80, s18  }
0x113: {  	s17 =	simm.s32 $0xA500;
	s21 =	spop (v2sf);
	s9 =	sadd.s32 s3, s9  }
0x114: {  	(v2sf) =	vpush v20, $0x7;
	[tilespmem:s17], [sflag:$0x5] =	stream.strided.gather [hbm4b:s9+s11], $0x800, s12, s11, $0x38;
	[tilespmem:$0x10580] =	vst v63  }
0x115: {  	s9 =	sand.u32 $0xFFFFF80, s19  }
0x116: {  	s18 =	simm.s32 $0x2D00;
	s9 =	sadd.s32 s1, s9  }
0x117: {  	[tilespmem:s18], [sflag:$0x6] =	stream.strided.gather [hbm4b:s9+s11], $0x800, s12, s11, $0x38;
	[tilespmem:$0x10580] =	vst v63  }
0x118: {  	s9 =	sand.u32 $0xFFFFF80, s21  }
0x119: {  	s20 =	simm.s32 $0xAD00;
	s9 =	sadd.s32 s3, s9  }
0x11a: {  	[tilespmem:s20], [sflag:$0x6] =	stream.strided.gather [hbm4b:s9+s11], $0x800, s12, s11, $0x38;
	[tilespmem:$0x10580] =	vst v63  }
0x11b: {  	s22 =	spop (v2sf)  }
0x11c: {  	s9 =	sand.u32 $0xFFFFF80, s22  }
0x11d: {  	s19 =	simm.s32 $0x3500;
	s24 =	spop (v2sf);
	s9 =	sadd.s32 s1, s9  }
0x11e: {  	[tilespmem:s19], [sflag:$0x7] =	stream.strided.gather [hbm4b:s9+s11], $0x800, s12, s11, $0x38;
	[tilespmem:$0x10580] =	vst v63  }
0x11f: {  	s9 =	sand.u32 $0xFFFFF80, s24  }
0x120: {  	s23 =	simm.s32 $0xB500;
	s25 =	spop (v2sf);
	s9 =	sadd.s32 s3, s9  }
0x121: {  	[tilespmem:s23], [sflag:$0x7] =	stream.strided.gather [hbm4b:s9+s11], $0x800, s12, s11, $0x38;
	[tilespmem:$0x10580] =	vst v63  }
0x122: {  	s9 =	sand.u32 $0xFFFFF80, s25  }
0x123: {  	s26 =	simm.s32 $0x3D00;
	s28 =	spop (v2sf);
	s9 =	sadd.s32 s1, s9  }
0x124: {  	[tilespmem:s26], [sflag:$0x8] =	stream.strided.gather [hbm4b:s9+s11], $0x800, s12, s11, $0x38;
	[tilespmem:$0x10580] =	vst v63  }
0x125: {  	s4 =	simm.s32 $0x0;
	s9 =	sand.u32 $0xFFFFF80, s28  }
0x126: {  	s10 =	simm.s32 $0x280;
	s29 =	simm.s32 $0xBD00;
	s9 =	sadd.s32 s3, s9  }
0x127: {  	[tilespmem:s29], [sflag:$0x8] =	stream.strided.gather [hbm4b:s9+s11], $0x800, s12, s11, $0x38;
	[tilespmem:$0x10580] =	vst v63  }
.LBB2_4:
0x128: {  	s9 =	sadd.s32 $0x8, s8  }
0x129: {  	v20 =	vadd.s32 s9, v0;
	_ =	sdelay $0x4  }
0x12a: {  	v21 =	vld.idx.msk [tilespmem:v20+s4+$0x0], $0xffff  }
0x12b: {  	v20 =	vld.idx.msk [tilespmem:v20+s10+$0x0], $0xffff;
	_ =	sdelay $0x3  }
0x12c: {  	v21 =	vand.u32 $0x7F, v21  }
0x12d: {  	s26 =	simm.s32 $0x9;
	v20 =	vand.u32 $0x7F, v20;
	v22 =	vbroadcast v21, $0x0  }
0x12e: {  	_ =	swait.ge [sflag:s26], $0x800;
	v23 =	vbroadcast v20, $0x0  }
0x12f: {  	[sflag:s26] =	ssyncset.done $0x0;
	v22 =	vor.u32 v2, v22  }
0x130: {  	[sflag:s26] =	ssyncadd.s32 $0xFFFFF800;
	v23 =	vor.u32 v2, v23  }
0x131: {  	_ =	swait.ge [sflag:s26], $0x800  }
0x132: {  	[sflag:s26] =	ssyncset.done $0x0  }
0x133: {  	s13 =	simm.s32 $0x4500;
	[sflag:s26] =	ssyncadd.s32 $0xFFFFF800  }
0x134: {  	s14 =	simm.s32 $0xC500;
	v24 =	vbroadcast v21, $0x1;
	v22 =	vld.idx.msk [tilespmem:v22+s13+$0x0], $0xffff  }
0x135: {  	v25 =	vbroadcast v20, $0x1;
	v23 =	vld.idx.msk [tilespmem:v23+s14+$0x0], $0xffff;
	_ =	swait.ge [sflag:s30], $0x800  }
0x136: {  	v24 =	vor.u32 v2, v24;
	[sflag:s30] =	ssyncset.done $0x0  }
0x137: {  	v25 =	vor.u32 v2, v25;
	[sflag:s30] =	ssyncadd.s32 $0xFFFFF800  }
0x138: {  	_ =	swait.ge [sflag:s30], $0x800  }
0x139: {  	[sflag:s30] =	ssyncset.done $0x0  }
0x13a: {  	s15 =	simm.s32 $0x4D00;
	[sflag:s30] =	ssyncadd.s32 $0xFFFFF800  }
0x13b: {  	s16 =	simm.s32 $0xCD00;
	v26 =	vbroadcast v21, $0x2;
	v24 =	vld.idx.msk [tilespmem:v24+s15+$0x0], $0xffff  }
0x13c: {  	v27 =	vbroadcast v20, $0x2;
	v25 =	vld.idx.msk [tilespmem:v25+s16+$0x0], $0xffff;
	_ =	swait.ge [sflag:s31], $0x800  }
0x13d: {  	v26 =	vor.u32 v2, v26;
	[sflag:s31] =	ssyncset.done $0x0  }
0x13e: {  	v27 =	vor.u32 v2, v27;
	[sflag:s31] =	ssyncadd.s32 $0xFFFFF800  }
0x13f: {  	_ =	swait.ge [sflag:s31], $0x800  }
0x140: {  	[sflag:s31] =	ssyncset.done $0x0  }
0x141: {  	s17 =	simm.s32 $0x5500;
	[sflag:s31] =	ssyncadd.s32 $0xFFFFF800  }
0x142: {  	s18 =	simm.s32 $0xD500;
	v28 =	vbroadcast v21, $0x3;
	v26 =	vld.idx.msk [tilespmem:v26+s17+$0x0], $0xffff  }
0x143: {  	v29 =	vbroadcast v20, $0x3;
	v27 =	vld.idx.msk [tilespmem:v27+s18+$0x0], $0xffff;
	_ =	swait.ge [sflag:s0], $0x800  }
0x144: {  	v28 =	vor.u32 v2, v28;
	[sflag:s0] =	ssyncset.done $0x0  }
0x145: {  	v29 =	vor.u32 v2, v29;
	[sflag:s0] =	ssyncadd.s32 $0xFFFFF800  }
0x146: {  	_ =	swait.ge [sflag:s0], $0x800  }
0x147: {  	[sflag:s0] =	ssyncset.done $0x0  }
0x148: {  	s19 =	simm.s32 $0x5D00;
	[sflag:s0] =	ssyncadd.s32 $0xFFFFF800  }
0x149: {  	s20 =	simm.s32 $0xDD00;
	v30 =	vbroadcast v21, $0x4;
	v28 =	vld.idx.msk [tilespmem:v28+s19+$0x0], $0xffff  }
0x14a: {  	v31 =	vbroadcast v20, $0x4;
	v29 =	vld.idx.msk [tilespmem:v29+s20+$0x0], $0xffff;
	_ =	swait.ge [sflag:s2], $0x800  }
0x14b: {  	v30 =	vor.u32 v2, v30;
	[sflag:s2] =	ssyncset.done $0x0  }
0x14c: {  	v31 =	vor.u32 v2, v31;
	[sflag:s2] =	ssyncadd.s32 $0xFFFFF800  }
0x14d: {  	v4 =	vmul.f32 v5, v4;
	_ =	swait.ge [sflag:s2], $0x800  }
0x14e: {  	[sflag:s2] =	ssyncset.done $0x0  }
0x14f: {  	s21 =	simm.s32 $0x6500;
	v3 =	vadd.f32 v4, v3;
	v4 =	vmul.f32 v7, v6;
	[sflag:s2] =	ssyncadd.s32 $0xFFFFF800  }
0x150: {  	s22 =	simm.s32 $0xE500;
	v56 =	vbroadcast v21, $0x5;
	v5 =	vld.idx.msk [tilespmem:v30+s21+$0x0], $0xffff  }
0x151: {  	v3 =	vadd.f32 v4, v3;
	v4 =	vmul.f32 v9, v8;
	v57 =	vbroadcast v20, $0x5;
	v55 =	vld.idx.msk [tilespmem:v31+s22+$0x0], $0xffff;
	_ =	swait.ge [sflag:s5], $0x800  }
0x152: {  	v58 =	vor.u32 v2, v56;
	[sflag:s5] =	ssyncset.done $0x0  }
0x153: {  	v3 =	vadd.f32 v4, v3;
	v4 =	vmul.f32 v11, v10;
	v6 =	vor.u32 v2, v57;
	[sflag:s5] =	ssyncadd.s32 $0xFFFFF800  }
0x154: {  	_ =	swait.ge [sflag:s5], $0x800  }
0x155: {  	v3 =	vadd.f32 v4, v3;
	v4 =	vmul.f32 v13, v12;
	[sflag:s5] =	ssyncset.done $0x0  }
0x156: {  	s23 =	simm.s32 $0x6D00;
	[sflag:s5] =	ssyncadd.s32 $0xFFFFF800  }
0x157: {  	s24 =	simm.s32 $0xED00;
	v3 =	vadd.f32 v4, v3;
	v4 =	vmul.f32 v15, v14;
	v59 =	vbroadcast v21, $0x6;
	v7 =	vld.idx.msk [tilespmem:v58+s23+$0x0], $0xffff  }
0x158: {  	v60 =	vbroadcast v20, $0x6;
	v6 =	vld.idx.msk [tilespmem:v6+s24+$0x0], $0xffff;
	_ =	swait.ge [sflag:s6], $0x800  }
0x159: {  	v3 =	vadd.f32 v4, v3;
	v4 =	vmul.f32 v17, v16;
	v8 =	vor.u32 v2, v59;
	[sflag:s6] =	ssyncset.done $0x0  }
0x15a: {  	v9 =	vor.u32 v2, v60;
	[sflag:s6] =	ssyncadd.s32 $0xFFFFF800  }
0x15b: {  	v3 =	vadd.f32 v4, v3;
	v4 =	vmul.f32 v19, v18;
	_ =	swait.ge [sflag:s6], $0x800  }
0x15c: {  	[sflag:s6] =	ssyncset.done $0x0  }
0x15d: {  	s25 =	simm.s32 $0x7500;
	v3 =	vadd.f32 v4, v3;
	v4 =	vmul.f32 v23, v22;
	[sflag:s6] =	ssyncadd.s32 $0xFFFFF800  }
0x15e: {  	s26 =	simm.s32 $0xF500;
	v61 =	vbroadcast v21, $0x7;
	v8 =	vld.idx.msk [tilespmem:v8+s25+$0x0], $0xffff  }
0x15f: {  	v62 =	vbroadcast v20, $0x7;
	v3 =	vadd.f32 v4, v3;
	v4 =	vmul.f32 v25, v24;
	v9 =	vld.idx.msk [tilespmem:v9+s26+$0x0], $0xffff;
	_ =	swait.ge [sflag:s7], $0x800  }
0x160: {  	v10 =	vor.u32 v2, v61;
	[sflag:s7] =	ssyncset.done $0x0  }
0x161: {  	v11 =	vor.u32 v2, v62;
	v3 =	vadd.f32 v4, v3;
	v4 =	vmul.f32 v27, v26;
	[sflag:s7] =	ssyncadd.s32 $0xFFFFF800  }
0x162: {  	_ =	swait.ge [sflag:s7], $0x800  }
0x163: {  	v3 =	vadd.f32 v4, v3;
	v4 =	vmul.f32 v29, v28;
	[sflag:s7] =	ssyncset.done $0x0  }
0x164: {  	s28 =	simm.s32 $0x7D00;
	[sflag:s7] =	ssyncadd.s32 $0xFFFFF800  }
0x165: {  	s29 =	simm.s32 $0xFD00;
	v3 =	vadd.f32 v4, v3;
	v4 =	vmul.f32 v55, v5;
	v5 =	vld.idx.msk [tilespmem:v10+s28+$0x0], $0xffff  }
0x166: {  	v63 =	vld.idx.msk [tilespmem:v11+s29+$0x0], $0xffff  }
0x167: {  	v3 =	vadd.f32 v4, v3;
	v4 =	vmul.f32 v6, v7;
	_ =	sdelay $0x1  }
.Ltmp3:
0x168: {  	v3 =	vadd.f32 v4, v3;
	v4 =	vmul.f32 v9, v8;
	(pc) =	sbr.rel @p0 .LBB2_6-.Ltmp3, $3  }
0x169: {  	_ = 	snop  }
0x16a: {  	v3 =	vadd.f32 v4, v3;
	v4 =	vmul.f32 v63, v5;
	_ =	sdelay $0x1  }
0x16b: {  	v3 =	vadd.f32 v4, v3  }
0x16c: {  	s9 =	sadd.s32 $0x18, s8  }
0x16d: {  	v4 =	vadd.s32 s9, v0;
	_ =	sdelay $0x4  }
0x16e: {  	v5 =	vld.idx.msk [tilespmem:v4+s4+$0x0], $0xffff;
	_ =	sdelay $0x3  }
0x16f: {  	v4 =	vld.idx.msk [tilespmem:v4+s10+$0x0], $0xffff  }
0x170: {  	(v2sf) =	vpush v5, $0x0;
	_ =	sdelay $0x3  }
0x171: {  	(v2sf) =	vpush v4, $0x0;
	_ =	sdelay $0x3  }
0x172: {  	(v2sf) =	vpush v5, $0x1;
	_ =	sdelay $0x3  }
0x173: {  	(v2sf) =	vpush v4, $0x1;
	_ =	sdelay $0x2  }
0x174: {  	s9 =	spop (v2sf)  }
0x175: {  	(v2sf) =	vpush v5, $0x2;
	s9 =	sand.u32 $0xFFFFF80, s9  }
0x176: {  	s9 =	sadd.s32 s1, s9  }
0x177: {  	[tilespmem:s13], [sflag:$0x9] =	stream.strided.gather [hbm4b:s9+s11], $0x800, s12, s11, $0x38;
	[tilespmem:$0x10580] =	vst v63  }
0x178: {  	s13 =	spop (v2sf)  }
0x179: {  	(v2sf) =	vpush v4, $0x2;
	s9 =	sand.u32 $0xFFFFF80, s13  }
0x17a: {  	s9 =	sadd.s32 s3, s9  }
0x17b: {  	[tilespmem:s14], [sflag:$0x9] =	stream.strided.gather [hbm4b:s9+s11], $0x800, s12, s11, $0x38;
	[tilespmem:$0x10580] =	vst v63  }
0x17c: {  	s14 =	spop (v2sf)  }
0x17d: {  	(v2sf) =	vpush v5, $0x3;
	s9 =	sand.u32 $0xFFFFF80, s14  }
0x17e: {  	s9 =	sadd.s32 s1, s9  }
0x17f: {  	[tilespmem:s15], [sflag:$0xA] =	stream.strided.gather [hbm4b:s9+s11], $0x800, s12, s11, $0x38;
	[tilespmem:$0x10580] =	vst v63  }
0x180: {  	s15 =	spop (v2sf)  }
0x181: {  	(v2sf) =	vpush v4, $0x3;
	s9 =	sand.u32 $0xFFFFF80, s15  }
0x182: {  	s9 =	sadd.s32 s3, s9  }
0x183: {  	[tilespmem:s16], [sflag:$0xA] =	stream.strided.gather [hbm4b:s9+s11], $0x800, s12, s11, $0x38;
	[tilespmem:$0x10580] =	vst v63  }
0x184: {  	s16 =	spop (v2sf)  }
0x185: {  	(v2sf) =	vpush v5, $0x4;
	s9 =	sand.u32 $0xFFFFF80, s16  }
0x186: {  	s9 =	sadd.s32 s1, s9  }
0x187: {  	[tilespmem:s17], [sflag:$0xB] =	stream.strided.gather [hbm4b:s9+s11], $0x800, s12, s11, $0x38;
	[tilespmem:$0x10580] =	vst v63  }
0x188: {  	s17 =	spop (v2sf)  }
0x189: {  	(v2sf) =	vpush v4, $0x4;
	s9 =	sand.u32 $0xFFFFF80, s17  }
0x18a: {  	s9 =	sadd.s32 s3, s9  }
0x18b: {  	[tilespmem:s18], [sflag:$0xB] =	stream.strided.gather [hbm4b:s9+s11], $0x800, s12, s11, $0x38;
	[tilespmem:$0x10580] =	vst v63  }
0x18c: {  	s18 =	spop (v2sf)  }
0x18d: {  	(v2sf) =	vpush v5, $0x5;
	s9 =	sand.u32 $0xFFFFF80, s18  }
0x18e: {  	s9 =	sadd.s32 s1, s9  }
0x18f: {  	[tilespmem:s19], [sflag:$0xC] =	stream.strided.gather [hbm4b:s9+s11], $0x800, s12, s11, $0x38;
	[tilespmem:$0x10580] =	vst v63  }
0x190: {  	s19 =	spop (v2sf)  }
0x191: {  	(v2sf) =	vpush v4, $0x5;
	s9 =	sand.u32 $0xFFFFF80, s19  }
0x192: {  	s9 =	sadd.s32 s3, s9  }
0x193: {  	[tilespmem:s20], [sflag:$0xC] =	stream.strided.gather [hbm4b:s9+s11], $0x800, s12, s11, $0x38;
	[tilespmem:$0x10580] =	vst v63  }
0x194: {  	s20 =	spop (v2sf)  }
0x195: {  	(v2sf) =	vpush v5, $0x6;
	s9 =	sand.u32 $0xFFFFF80, s20  }
0x196: {  	s9 =	sadd.s32 s1, s9  }
0x197: {  	[tilespmem:s21], [sflag:$0xD] =	stream.strided.gather [hbm4b:s9+s11], $0x800, s12, s11, $0x38;
	[tilespmem:$0x10580] =	vst v63  }
0x198: {  	s21 =	spop (v2sf)  }
0x199: {  	(v2sf) =	vpush v4, $0x6;
	s9 =	sand.u32 $0xFFFFF80, s21  }
0x19a: {  	s9 =	sadd.s32 s3, s9  }
0x19b: {  	[tilespmem:s22], [sflag:$0xD] =	stream.strided.gather [hbm4b:s9+s11], $0x800, s12, s11, $0x38;
	[tilespmem:$0x10580] =	vst v63  }
0x19c: {  	s22 =	spop (v2sf)  }
0x19d: {  	(v2sf) =	vpush v5, $0x7;
	s9 =	sand.u32 $0xFFFFF80, s22  }
0x19e: {  	s9 =	sadd.s32 s1, s9  }
0x19f: {  	[tilespmem:s23], [sflag:$0xE] =	stream.strided.gather [hbm4b:s9+s11], $0x800, s12, s11, $0x38;
	[tilespmem:$0x10580] =	vst v63  }
0x1a0: {  	s23 =	spop (v2sf)  }
0x1a1: {  	s9 =	sand.u32 $0xFFFFF80, s23  }
0x1a2: {  	(v2sf) =	vpush v4, $0x7;
	s9 =	sadd.s32 s3, s9  }
0x1a3: {  	[tilespmem:s24], [sflag:$0xE] =	stream.strided.gather [hbm4b:s9+s11], $0x800, s12, s11, $0x38;
	[tilespmem:$0x10580] =	vst v63  }
0x1a4: {  	s24 =	spop (v2sf)  }
0x1a5: {  	s9 =	sand.u32 $0xFFFFF80, s24  }
0x1a6: {  	s9 =	sadd.s32 s1, s9  }
0x1a7: {  	[tilespmem:s25], [sflag:$0xF] =	stream.strided.gather [hbm4b:s9+s11], $0x800, s12, s11, $0x38;
	[tilespmem:$0x10580] =	vst v63  }
0x1a8: {  	s25 =	spop (v2sf)  }
0x1a9: {  	s9 =	sand.u32 $0xFFFFF80, s25  }
0x1aa: {  	s9 =	sadd.s32 s3, s9  }
0x1ab: {  	[tilespmem:s26], [sflag:$0xF] =	stream.strided.gather [hbm4b:s9+s11], $0x800, s12, s11, $0x38;
	[tilespmem:$0x10580] =	vst v63  }
0x1ac: {  	s26 =	spop (v2sf)  }
0x1ad: {  	s9 =	sand.u32 $0xFFFFF80, s26  }
0x1ae: {  	s9 =	sadd.s32 s1, s9  }
0x1af: {  	[tilespmem:s28], [sflag:$0x10] =	stream.strided.gather [hbm4b:s9+s11], $0x800, s12, s11, $0x38;
	[tilespmem:$0x10580] =	vst v63  }
.Ltmp4:
0x1b0: {  	_ = 	snop;
	(pc) =	sbr.rel .LBB2_2-.Ltmp4, $4  }
0x1b1: {  	s28 =	spop (v2sf)  }
0x1b2: {  	s9 =	sand.u32 $0xFFFFF80, s28  }
0x1b3: {  	s8 =	sadd.s32 $0x10, s8;
	s9 =	sadd.s32 s3, s9  }
0x1b4: {  	[tilespmem:s29], [sflag:$0x10] =	stream.strided.gather [hbm4b:s9+s11], $0x800, s12, s11, $0x38;
	[tilespmem:$0x10580] =	vst v63  }
.LBB2_7:
0x1b5: {  	_ =	sfence.sel $0x180000  }
0x1b6: {  	[bflag:$0x0] =	sbarrier.arrive $0xFFFF  }
0x1b7: {  	_ =	strace $0x90000047  }
0x1b8: {  	s0 =	stileid.u32;
	[bflag:$0x2] =	sbarrier.arrive $0xFFFF  }
0x1b9: {  	p0 =	sne.s32 s0, $0x0;
	s0 =	rddreg [dreg:$0x3]  }
0x1ba: {  	s0 =	sadd.s32 @!p0 $0x100000, s0  }
0x1bb: {  	[sflag:s0] =	ssyncadd.tile.s32 @!p0 $0x1;
	_ =	shalt  }
.Lfunc_end2:
_tile_overlayer_lowered:
.L_overlay_start_2:
0x1bc: {  	(tag) =	ssettag $0x2  }
0x1bd: {  	s0 =	rddreg [dreg:$0x0];
	s2 =	stileid.u32  }
0x1be: {  	s1 =	rddreg [dreg:$0x1];
	p0 =	sne.s32 s2, $0x0  }
0x1bf: {  	s3 =	rddreg [dreg:$0x2];
	[bflag:$0x3] =	sbarrier.arrive $0xFFFF;
	s2 =	simm.s32 @!p0 $0x1C11  }
0x1c0: {  	[timem:s3], [sflag:s2] =	dma.local @!p0 [hbm:s0], s1  }
0x1c1: {  	s0 =	simm.s32 @!p0 $0x11  }
0x1c2: {  	_ =	swait.ge @!p0 [sflag:s0], s1  }
0x1c3: {  	s1 =	ssub.s32 @!p0 $0x0, s1;
	[sflag:s0] =	ssyncset.done @!p0 $0x0  }
0x1c4: {  	[sflag:s0] =	ssyncadd.s32 @!p0 s1  }
0x1c5: {  	[bflag:$0x3] =	sbarrier.arrive $0xFFFF  }
0x1c6: {  	_ =	shalt  }

// kernel: kernel.7.cloned.1.call-start
scs
__scs_entry_jumppad:
0x0: {  	(pc) =	sbr.rel $0x88, $3  }
0x1: {  	(tag) =	ssettag $0x0;
	lr =	simm.s32 $0x1  }
0x2: {  	[smem:$0x3F9C] =	sst lr;
	_ =	strace $0xD0000000  }
0x3: {  	_ = 	snop  }
0x4: {  	_ = 	snop  }
0x5: {  	_ = 	snop  }
0x6: {  	_ = 	snop  }
0x7: {  	_ = 	snop  }
__scs_overlays_trampoline_lowered:
0x8: {  	[smem:$0x3FAB] =	sst s0  }
0x9: {  	[smem:$0x3FAC] =	sst s1  }
0xa: {  	[smem:$0x3FAD] =	sst s2  }
0xb: {  	[smem:$0x3FAE] =	sst s3  }
0xc: {  	[smem:$0x3FAF] =	sst s4  }
0xd: {  	[smem:$0x3FB0] =	sst s5  }
0xe: {  	[smem:$0x3FB1] =	sst s6  }
0xf: {  	[smem:$0x3FB2] =	sst s7  }
0x10: {  	[smem:$0x3FB3] =	sst s8  }
0x11: {  	[smem:$0x3FB4] =	sst s9;
	s0 =	simm.s32 @!p0 $0x0  }
0x12: {  	s1 =	sld [smem:$0x3F9A];
	s0 =	simm.s32 @p0 $0x1  }
0x13: {  	[smem:$0x3FB5] =	sst s0;
	s0 =	simm.s32 @!p1 $0x0  }
0x14: {  	s2 =	sld [smem:$0x3F99];
	s0 =	simm.s32 @p1 $0x1  }
0x15: {  	[smem:$0x3FB6] =	sst s0;
	s0 =	simm.s32 @!p2 $0x0  }
0x16: {  	s3 =	sld [smem:$0x3FDB];
	s0 =	simm.s32 @p2 $0x1  }
0x17: {  	s4 =	simm.s32 $0x1BF5;
	[smem:$0x3FB8] =	sst s0  }
0x18: {  	s0 =	sld [smem:$0x3F9B];
	_ =	swait.ge [sflag:s4], $0x0  }
0x19: {  	s7 =	sld [smem:$0x3F9C]  }
0x1a: {  	s8 =	sadd.s32 $0xFFFFE003, lr  }
0x1b: {  	s9 =	sadd.s32 $0xFFFFFEF7, lr;
	s5 =	simm.s32 $0xFFFFFFFF;
	p2 =	slt.u32 s8, $0xFFFFF086  }
0x1c: {  	p1 =	slt.u32 s9, $0xF7A;
	s5 =	simm.s32 @!p2 $0x0  }
0x1d: {  	s5 =	simm.s32 @p1 $0x1;
	p0 =	seq.s32 s7, s2  }
0x1e: {  	s7 =	smul.u32 @!p0 $0xF7A, s2;
	p2 =	seq.s32 @!p0 s5, $0x0  }
0x1f: {  	s9 =	smul.u32 $0xF7A, s1;
	s8 =	simm.s32 @!p0 $0x1BF5;
	p2 =	por !p2, p0  }
0x20: {  	[sflag:s8] =	ssyncset.s32 @!p0 $0xFFFFF086;
	s6 =	sadd.s32 @!p0 s3, s7;
	s7 =	simm.s32 @!p0 $0x108  }
0x21: {  	s3 =	sadd.s32 s3, s9;
	s6 =	sadd.s32 @!p0 $0x88, s6;
	s7 =	simm.s32 @p2 $0x1082  }
0x22: {  	[simem:s7], [sflag:s8] =	dma.local @!p0 [hbm:s6], $0xF7A  }
0x23: {  	s9 =	sor.u32 $0xD0000000, s2;
	s6 =	simm.s32 $0x108;
	_ =	swait.ge @!p0 [sflag:s8], $0x0  }
0x24: {  	s3 =	sadd.s32 $0x88, s3;
	s6 =	simm.s32 @!p1 $0x1082;
	[sflag:s4] =	ssyncset.s32 $0xFFFFF086  }
0x25: {  	[simem:s6], [sflag:s4] =	dma.local [hbm:s3], $0xF7A  }
0x26: {  	[smem:$0x3F9C] =	sst s1;
	(tag) =	ssettag s2;
	_ =	strace s9  }
0x27: {  	s1 =	sld [smem:$0x3FAC]  }
0x28: {  	s2 =	sld [smem:$0x3FAD]  }
0x29: {  	s4 =	sld [smem:$0x3FAF]  }
0x2a: {  	p0 =	seq.s32 s5, $0x0;
	s5 =	sld [smem:$0x3FB0]  }
0x2b: {  	s6 =	sld [smem:$0x3FB1]  }
0x2c: {  	s7 =	sld [smem:$0x3FB2]  }
0x2d: {  	s3 =	simm.s32 $0x108;
	s8 =	sld [smem:$0x3FB3]  }
0x2e: {  	s3 =	simm.s32 @!p0 $0x1082;
	s9 =	sld [smem:$0x3FB4]  }
0x2f: {  	lr =	sadd.s32 s0, s3;
	s0 =	sld [smem:$0x3FAB]  }
0x30: {  	s3 =	sld [smem:$0x3FAE]  }
0x31: {  	[smem:$0x3FB7] =	sst s10  }
0x32: {  	s10 =	sld [smem:$0x3FB5];
	_ =	sdelay $0x3  }
0x33: {  	p0 =	seq.s32 s10, $0x1;
	s10 =	sld [smem:$0x3FB7];
	_ =	sdelay $0x3  }
0x34: {  	[smem:$0x3FB7] =	sst s10  }
0x35: {  	s10 =	sld [smem:$0x3FB6];
	_ =	sdelay $0x3  }
0x36: {  	p1 =	seq.s32 s10, $0x1;
	s10 =	sld [smem:$0x3FB7];
	_ =	sdelay $0x3  }
0x37: {  	[smem:$0x3FB7] =	sst s10  }
0x38: {  	s10 =	sld [smem:$0x3FB8]  }
0x39: {  	_ = 	snop;
	(pc) =	sbr.ind lr, $3  }
0x3a: {  	_ = 	snop  }
0x3b: {  	_ = 	snop  }
0x3c: {  	p2 =	seq.s32 s10, $0x1;
	s10 =	sld [smem:$0x3FB7]  }
0x3d: {  	_ =	shalt  }
0x3e: {  	_ =	shalt  }
0x3f: {  	_ =	shalt  }
0x40: {  	_ =	shalt  }
0x41: {  	_ =	shalt  }
0x42: {  	_ =	shalt  }
0x43: {  	_ =	shalt  }
0x44: {  	_ =	shalt  }
0x45: {  	_ =	shalt  }
0x46: {  	_ =	shalt  }
0x47: {  	_ =	shalt  }
0x48: {  	_ =	shalt  }
0x49: {  	_ =	shalt  }
0x4a: {  	_ =	shalt  }
0x4b: {  	_ =	shalt  }
0x4c: {  	_ =	shalt  }
0x4d: {  	_ =	shalt  }
0x4e: {  	_ =	shalt  }
0x4f: {  	_ =	shalt  }
0x50: {  	_ =	shalt  }
0x51: {  	_ =	shalt  }
0x52: {  	_ =	shalt  }
0x53: {  	_ =	shalt  }
0x54: {  	_ =	shalt  }
0x55: {  	_ =	shalt  }
0x56: {  	_ =	shalt  }
0x57: {  	_ =	shalt  }
0x58: {  	_ =	shalt  }
0x59: {  	_ =	shalt  }
0x5a: {  	_ =	shalt  }
0x5b: {  	_ =	shalt  }
0x5c: {  	_ =	shalt  }
0x5d: {  	_ =	shalt  }
0x5e: {  	_ =	shalt  }
0x5f: {  	_ =	shalt  }
0x60: {  	_ =	shalt  }
0x61: {  	_ =	shalt  }
0x62: {  	_ =	shalt  }
0x63: {  	_ =	shalt  }
0x64: {  	_ =	shalt  }
0x65: {  	_ =	shalt  }
0x66: {  	_ =	shalt  }
0x67: {  	_ =	shalt  }
0x68: {  	_ =	shalt  }
0x69: {  	_ =	shalt  }
0x6a: {  	_ =	shalt  }
0x6b: {  	_ =	shalt  }
0x6c: {  	_ =	shalt  }
0x6d: {  	_ =	shalt  }
0x6e: {  	_ =	shalt  }
0x6f: {  	_ =	shalt  }
0x70: {  	_ =	shalt  }
0x71: {  	_ =	shalt  }
0x72: {  	_ =	shalt  }
0x73: {  	_ =	shalt  }
0x74: {  	_ =	shalt  }
0x75: {  	_ =	shalt  }
0x76: {  	_ =	shalt  }
0x77: {  	_ =	shalt  }
0x78: {  	_ =	shalt  }
0x79: {  	_ =	shalt  }
0x7a: {  	_ =	shalt  }
0x7b: {  	_ =	shalt  }
0x7c: {  	_ =	shalt  }
0x7d: {  	_ =	shalt  }
0x7e: {  	_ =	shalt  }
0x7f: {  	_ =	shalt  }
0x80: {  	_ =	shalt  }
0x81: {  	_ =	shalt  }
0x82: {  	_ =	shalt  }
0x83: {  	_ =	shalt  }
0x84: {  	_ =	shalt  }
0x85: {  	_ =	shalt  }
0x86: {  	_ =	shalt  }
0x87: {  	_ =	shalt  }
.Lfunc_end0:
.L_simem_size_0:
called_computation.1_lowered:
.L_overlay_start_0:
0x88: {  	s2 =	sld [smem:$0x3FD9]  }
0x89: {  	s3 =	sld [smem:$0x3FFE];
	_ =	sdelay $0x1  }
0x8a: {  	s1 =	srdreg.scid  }
0x8b: {  	s0 =	sand.u32 $0x1, s1  }
0x8c: {  	s17 =	sshll.u32 s0, $0xA;
	s2 =	sadd.s32 s3, s2  }
0x8d: {  	s2 =	sadd.s32 s2, s17  }
0x8e: {  	[smem:$0x3FC3] =	sst s2  }
0x8f: {  	_ = 	snop  }
0x90: {  	s2 =	sld [smem:$0x3FD0];
	(tm) =	ssettm $0x1  }
0x91: {  	s18 =	sld [smem:$0x3FFB];
	_ =	sdelay $0x3  }
0x92: {  	_ =	strace s18  }
0x93: {  	s3 =	sld [smem:$0x3FFC];
	_ =	sdelay $0x3  }
0x94: {  	_ =	strace s3  }
0x95: {  	s3 =	sld [smem:$0x3FFD];
	_ =	sdelay $0x3  }
0x96: {  	_ =	strace s3  }
0x97: {  	_ =	strace $0x8FFFFFFF  }
0x98: {  	s19 =	sld [smem:$0x3FDB];
	_ =	sdelay $0x1  }
0x99: {  	s4 =	simm.s32 $_scs_section_size  }
0x9a: {  	s5 =	simm.s32 $_size__tile_overlayer_lowered;
	s6 =	simm.s32 $_tile_overlayer_lowered  }
0x9b: {  	s22 =	simm.s32 $0x1BFF;
	s21 =	sshll.u32 s6, $0x1;
	s3 =	sadd.s32 s4, s19  }
0x9c: {  	s7 =	simm.s32 $0x0;
	s20 =	sshll.u32 s5, $0x1;
	s5 =	sadd.s32 s21, s3  }
0x9d: {  	[timem:s7], [sflag:s22] =	dma.local [hbm:s5], s20  }
0x9e: {  	_ =	swait.ge [sflag:s22], s20  }
0x9f: {  	s4 =	ssub.s32 $0x0, s20;
	[sflag:s22] =	ssyncset.done $0x0  }
0xa0: {  	[sflag:s22] =	ssyncadd.s32 s4;
	_ =	sdelay $0x1  }
0xa1: {  	s23 =	simm.s32 $0x1B8B  }
0xa2: {  	_ =	swait.ge [sflag:s23], $0x1  }
0xa3: {  	[sflag:s23] =	ssyncset.done $0x0  }
0xa4: {  	s25 =	simm.s32 $0x1B8E;
	s24 =	sld [smem:$0x3FFE];
	[sflag:s23] =	ssyncadd.s32 $0xFFFFFFFF  }
0xa5: {  	s26 =	simm.s32 $execute0_lowered;
	[smem:$0x3FD2] =	sst s25  }
0xa6: {  	s5 =	sshll.u32 s26, $0x1;
	_ =	strace $0x80000049;
	[dreg:$0x1] =	wrdreg $0xFFFFFFFF  }
0xa7: {  	s28 =	simm.s32 $_size_execute0_lowered;
	s3 =	sadd.s32 s3, s5;
	[dreg:$0x0] =	wrdreg $0x0  }
0xa8: {  	s5 =	sshll.u32 s28, $0x1;
	[dreg:$0x2] =	wrdreg s3  }
0xa9: {  	[dreg:$0x3] =	wrdreg s5  }
0xaa: {  	[dreg:$0x4] =	wrdreg $0xC0  }
0xab: {  	_ =	task [dreg:s7], $0x5FFFF  }
0xac: {  	[dreg:$0x1] =	wrdreg $0xFFFFFFFF  }
0xad: {  	[dreg:$0x0] =	wrdreg $0x60  }
0xae: {  	[dreg:$0x2] =	wrdreg s24  }
0xaf: {  	[dreg:$0x3] =	wrdreg s2  }
0xb0: {  	[dreg:$0x4] =	wrdreg $0x9  }
0xb1: {  	_ =	task.clear_ibuf [dreg:s7], $0x5FFFF;
	_ =	strace $0x90000049  }
0xb2: {  	s29 =	simm.s32 $0x9;
	_ =	strace $0x8000004B  }
0xb3: {  	_ =	swait.ge [sflag:s29], $0x1  }
0xb4: {  	[sflag:s29] =	ssyncadd.s32 $0xFFFFFFFF  }
0xb5: {  	_ =	strace $0x9000004B  }
0xb6: {  	_ =	sfence  }
0xb7: {  	s30 =	sld [smem:$0x0];
	_ =	sdelay $0x2  }
0xb8: {  	s31 =	sshll.u32 s1, $0xD;
	s1 =	sshrl.u32 s1, $0x2  }
0xb9: {  	s3 =	sand.u32 $0x4000, s31;
	s1 =	sadd.s32 s1, s30  }
0xba: {  	s0 =	sor.u32 s3, s0;
	s1 =	sshll.u32 s1, $0x11  }
0xbb: {  	s0 =	sor.u32 s1, s0  }
0xbc: {  	s0 =	sadd.s32 $0x8F2B, s0  }
0xbd: {  	[sflag:s0] =	ssyncadd.remote.s32 $0x1  }
0xbe: {  	_ =	sfence.sel $0xFFFF  }
0xbf: {  	[dreg:$0x0] =	wrdreg $0xFFFFFFFF;
	(pc) =	sbr.abs _section_cstart, $3  }
0xc0: {  	[dreg:$0x1] =	wrdreg $0xFFFFFFFF  }
0xc1: {  	_ =	task.clear_ibuf [dreg:s7], $0x2FFFF;
	_ =	strace $0x9FFFFFFF  }
0xc2: {  	(tm) =	ssettm $0x7FFFFFFF  }
0xc3: {  	_ =	shalt  }
tec
execute0_lowered:
.L_overlay_start_1:
0x0: {  	(tag) =	ssettag $0x1  }
0x1: {  	s0 =	rddreg [dreg:$0x0]  }
0x2: {  	s2 =	rddreg [dreg:$0x1];
	s1 =	simm.s32 $0x0  }
0x3: {  	s4 =	srdreg.scid;
	s8 =	stileid.u32;
	s16 =	simm.s32 $0x200  }
0x4: {  	s17 =	simm.s32 $0x80;
	s18 =	simm.s32 $0x280;
	s19 =	simm.s32 $0x100  }
0x5: {  	s20 =	simm.s32 $0x300;
	s21 =	simm.s32 $0x180;
	s22 =	simm.s32 $0x380  }
0x6: {  	s24 =	simm.s32 $0x1;
	s23 =	simm.s32 $0x1800;
	s25 =	simm.s32 $0x2  }
0x7: {  	s26 =	simm.s32 $0x0;
	[smem:$0x7FF] =	sst s1;
	s12 =	sadd.s32 $0xC00, s0  }
0x8: {  	s13 =	sadd.s32 $0x400, s0;
	s3 =	sadd.s32 $0x1600, s0;
	s5 =	sand.u32 $0x1, s4  }
0x9: {  	s4 =	sadd.s32 $0x20000, s0;
	s8 =	sshll.u32 s8, $0x7;
	_ =	strace $0x8000004A  }
0xa: {  	s6 =	ssub.s32 $0x2, s5;
	s9 =	sshll.u32 s5, $0x6;
	s5 =	sadd.s32 $0x1400, s0  }
0xb: {  	s0 =	simm.s32 $0x580;
	s7 =	sshrl.u32 s6, $0x1;
	s14 =	sor.u32 s9, s8  }
0xc: {  	s31 =	ssub.s32 s6, s7;
	s6 =	sadd.s32 s12, s14;
	s7 =	sadd.s32 s13, s14  }
0xd: {  	s9 =	sor.u32 $0x10, s14;
	s11 =	sor.u32 $0x20, s14;
	s15 =	sor.u32 $0x30, s14  }
0xe: {  	s14 =	sadd.s32 s2, s14;
	s2 =	simm.s32 $0x780;
	s8 =	sadd.s32 s12, s9  }
0xf: {  	s9 =	sadd.s32 s13, s9;
	s10 =	sadd.s32 s12, s11;
	s11 =	sadd.s32 s13, s11  }
0x10: {  	s12 =	sadd.s32 s12, s15;
	s13 =	sadd.s32 s13, s15;
	s15 =	smax.u32 s31, $0x1  }
.LBB2_1:
0x11: {  	[tilespmem:s1], [sflag:$0x1] =	stream.linear.gather [hbm4b:s6+s1], $0x80, $0x38;
	[tilespmem:$0x1A00] =	vst v63  }
0x12: {  	_ = 	snop  }
0x13: {  	[tilespmem:s16], [sflag:$0x1] =	stream.linear.gather [hbm4b:s7+s1], $0x80, $0x38;
	[tilespmem:$0x1A00] =	vst v63  }
0x14: {  	_ = 	snop  }
0x15: {  	[tilespmem:s17], [sflag:$0x1] =	stream.linear.gather [hbm4b:s8+s1], $0x80, $0x38;
	[tilespmem:$0x1A00] =	vst v63  }
0x16: {  	_ = 	snop  }
0x17: {  	[tilespmem:s18], [sflag:$0x1] =	stream.linear.gather [hbm4b:s9+s1], $0x80, $0x38;
	[tilespmem:$0x1A00] =	vst v63  }
0x18: {  	_ = 	snop  }
0x19: {  	[tilespmem:s19], [sflag:$0x1] =	stream.linear.gather [hbm4b:s10+s1], $0x80, $0x38;
	[tilespmem:$0x1A00] =	vst v63  }
0x1a: {  	_ = 	snop  }
0x1b: {  	[tilespmem:s20], [sflag:$0x1] =	stream.linear.gather [hbm4b:s11+s1], $0x80, $0x38;
	[tilespmem:$0x1A00] =	vst v63  }
0x1c: {  	_ = 	snop  }
0x1d: {  	[tilespmem:s21], [sflag:$0x1] =	stream.linear.gather [hbm4b:s12+s1], $0x80, $0x38;
	[tilespmem:$0x1A00] =	vst v63  }
0x1e: {  	_ = 	snop  }
0x1f: {  	[tilespmem:s22], [sflag:$0x1] =	stream.linear.gather [hbm4b:s13+s1], $0x80, $0x38;
	[tilespmem:$0x1A00] =	vst v63  }
0x20: {  	s28 =	simm.s32 $0x800  }
0x21: {  	[tilespmem:s28], [sflag:$0x1] =	stream.linear.gather [hbm4b:s5+s1], $0x1000, $0x38;
	[tilespmem:$0x1A00] =	vst v63  }
0x22: {  	_ =	swait.ge [sflag:s24], $0x80  }
0x23: {  	[sflag:s24] =	ssyncset.done $0x0  }
0x24: {  	[sflag:s24] =	ssyncadd.s32 $0xFFFFFF80  }
0x25: {  	_ =	swait.ge [sflag:s24], $0x80  }
0x26: {  	[sflag:s24] =	ssyncset.done $0x0  }
0x27: {  	[sflag:s24] =	ssyncadd.s32 $0xFFFFFF80  }
0x28: {  	_ =	swait.ge [sflag:s24], $0x80  }
0x29: {  	[sflag:s24] =	ssyncset.done $0x0  }
0x2a: {  	[sflag:s24] =	ssyncadd.s32 $0xFFFFFF80  }
0x2b: {  	_ =	swait.ge [sflag:s24], $0x80  }
0x2c: {  	[sflag:s24] =	ssyncset.done $0x0  }
0x2d: {  	[sflag:s24] =	ssyncadd.s32 $0xFFFFFF80  }
0x2e: {  	_ =	swait.ge [sflag:s24], $0x80  }
0x2f: {  	[sflag:s24] =	ssyncset.done $0x0  }
0x30: {  	[sflag:s24] =	ssyncadd.s32 $0xFFFFFF80  }
0x31: {  	_ =	swait.ge [sflag:s24], $0x80  }
0x32: {  	[sflag:s24] =	ssyncset.done $0x0  }
0x33: {  	[sflag:s24] =	ssyncadd.s32 $0xFFFFFF80  }
0x34: {  	_ =	swait.ge [sflag:s24], $0x80  }
0x35: {  	[sflag:s24] =	ssyncset.done $0x0  }
0x36: {  	[sflag:s24] =	ssyncadd.s32 $0xFFFFFF80  }
0x37: {  	_ =	swait.ge [sflag:s24], $0x80  }
0x38: {  	[sflag:s24] =	ssyncset.done $0x0  }
0x39: {  	[sflag:s24] =	ssyncadd.s32 $0xFFFFFF80  }
0x3a: {  	_ =	swait.ge [sflag:s24], $0x1000  }
0x3b: {  	[sflag:s24] =	ssyncset.done $0x0  }
0x3c: {  	s28 =	simm.s32 $0x400;
	[sflag:s24] =	ssyncadd.s32 $0xFFFFF000  }
0x3d: {  	[tilespmem:s28], [sflag:$0x1] =	stream.indirect.gather [hbm4b:s3+s17], $0x1, s1, s17, $0xb8;
	[tilespmem:$0x1A00] =	vst v63  }
0x3e: {  	s28 =	simm.s32 $0x600  }
0x3f: {  	[tilespmem:s28], [sflag:$0x1] =	stream.indirect.gather [hbm4b:s4+s17], $0x1, s16, s17, $0xb8;
	[tilespmem:$0x1A00] =	vst v63  }
0x40: {  	s28 =	simm.s32 $0x480  }
0x41: {  	[tilespmem:s28], [sflag:$0x1] =	stream.indirect.gather [hbm4b:s3+s17], $0x1, s17, s17, $0xb8;
	[tilespmem:$0x1A00] =	vst v63  }
0x42: {  	s28 =	simm.s32 $0x680  }
0x43: {  	[tilespmem:s28], [sflag:$0x1] =	stream.indirect.gather [hbm4b:s4+s17], $0x1, s18, s17, $0xb8;
	[tilespmem:$0x1A00] =	vst v63  }
0x44: {  	s28 =	simm.s32 $0x500  }
0x45: {  	[tilespmem:s28], [sflag:$0x1] =	stream.indirect.gather [hbm4b:s3+s17], $0x1, s19, s17, $0xb8;
	[tilespmem:$0x1A00] =	vst v63  }
0x46: {  	s28 =	simm.s32 $0x700  }
0x47: {  	[tilespmem:s28], [sflag:$0x1] =	stream.indirect.gather [hbm4b:s4+s17], $0x1, s20, s17, $0xb8;
	[tilespmem:$0x1A00] =	vst v63  }
0x48: {  	_ = 	snop  }
0x49: {  	[tilespmem:s0], [sflag:$0x1] =	stream.indirect.gather [hbm4b:s3+s17], $0x1, s21, s17, $0xb8;
	[tilespmem:$0x1A00] =	vst v63  }
0x4a: {  	_ = 	snop  }
0x4b: {  	[tilespmem:s2], [sflag:$0x1] =	stream.indirect.gather [hbm4b:s4+s17], $0x1, s22, s17, $0xb8;
	[tilespmem:$0x1A00] =	vst v63  }
0x4c: {  	_ =	swait.ge [sflag:s24], $0x80  }
0x4d: {  	[sflag:s24] =	ssyncset.done $0x0  }
0x4e: {  	[sflag:s24] =	ssyncadd.s32 $0xFFFFFF80  }
0x4f: {  	_ =	swait.ge [sflag:s24], $0x80  }
0x50: {  	[sflag:s24] =	ssyncset.done $0x0  }
0x51: {  	[sflag:s24] =	ssyncadd.s32 $0xFFFFFF80  }
0x52: {  	_ =	swait.ge [sflag:s24], $0x80  }
0x53: {  	[sflag:s24] =	ssyncset.done $0x0  }
0x54: {  	[sflag:s24] =	ssyncadd.s32 $0xFFFFFF80  }
0x55: {  	_ =	swait.ge [sflag:s24], $0x80  }
0x56: {  	[sflag:s24] =	ssyncset.done $0x0  }
0x57: {  	[sflag:s24] =	ssyncadd.s32 $0xFFFFFF80  }
0x58: {  	_ =	swait.ge [sflag:s24], $0x80  }
0x59: {  	[sflag:s24] =	ssyncset.done $0x0  }
0x5a: {  	[sflag:s24] =	ssyncadd.s32 $0xFFFFFF80  }
0x5b: {  	_ =	swait.ge [sflag:s24], $0x80  }
0x5c: {  	[sflag:s24] =	ssyncset.done $0x0  }
0x5d: {  	[sflag:s24] =	ssyncadd.s32 $0xFFFFFF80  }
0x5e: {  	_ =	swait.ge [sflag:s24], $0x80  }
0x5f: {  	[sflag:s24] =	ssyncset.done $0x0  }
0x60: {  	[sflag:s24] =	ssyncadd.s32 $0xFFFFFF80  }
0x61: {  	_ =	swait.ge [sflag:s24], $0x80  }
0x62: {  	[sflag:s24] =	ssyncset.done $0x0  }
0x63: {  	[sflag:s24] =	ssyncadd.s32 $0xFFFFFF80  }
0x64: {  	v0 =	vld [tilespmem:$0x800]  }
0x65: {  	v1 =	vld [tilespmem:$0x880];
	_ =	sdelay $0x1  }
0x66: {  	v2 =	vld [tilespmem:$0x900];
	_ =	sdelay $0x1  }
0x67: {  	v3 =	vld [tilespmem:$0x980]  }
0x68: {  	v0 =	vadd.f32 v1, v0  }
0x69: {  	v1 =	vld [tilespmem:$0xA00]  }
0x6a: {  	v0 =	vadd.f32 v2, v0  }
0x6b: {  	v2 =	vld [tilespmem:$0xA80]  }
0x6c: {  	v0 =	vadd.f32 v3, v0  }
0x6d: {  	v3 =	vld [tilespmem:$0xB00]  }
0x6e: {  	v0 =	vadd.f32 v1, v0  }
0x6f: {  	v1 =	vld [tilespmem:$0xB80]  }
0x70: {  	v0 =	vadd.f32 v2, v0  }
0x71: {  	v2 =	vld [tilespmem:$0xC00]  }
0x72: {  	v0 =	vadd.f32 v3, v0  }
0x73: {  	v3 =	vld [tilespmem:$0xC80]  }
0x74: {  	v0 =	vadd.f32 v1, v0  }
0x75: {  	v1 =	vld [tilespmem:$0xD00]  }
0x76: {  	v0 =	vadd.f32 v2, v0  }
0x77: {  	v2 =	vld [tilespmem:$0xD80]  }
0x78: {  	v0 =	vadd.f32 v3, v0  }
0x79: {  	v3 =	vld [tilespmem:$0xE00]  }
0x7a: {  	v0 =	vadd.f32 v1, v0  }
0x7b: {  	v1 =	vld [tilespmem:$0xE80]  }
0x7c: {  	v0 =	vadd.f32 v2, v0  }
0x7d: {  	v2 =	vld [tilespmem:$0xF00]  }
0x7e: {  	v0 =	vadd.f32 v3, v0  }
0x7f: {  	v3 =	vld [tilespmem:$0xF80]  }
0x80: {  	v0 =	vadd.f32 v1, v0  }
0x81: {  	v1 =	vld [tilespmem:$0x1000]  }
0x82: {  	v0 =	vadd.f32 v2, v0  }
0x83: {  	v2 =	vld [tilespmem:$0x1080]  }
0x84: {  	v0 =	vadd.f32 v3, v0  }
0x85: {  	v3 =	vld [tilespmem:$0x1100]  }
0x86: {  	v0 =	vadd.f32 v1, v0  }
0x87: {  	v1 =	vld [tilespmem:$0x1180]  }
0x88: {  	v0 =	vadd.f32 v2, v0  }
0x89: {  	v2 =	vld [tilespmem:$0x1200]  }
0x8a: {  	v0 =	vadd.f32 v3, v0  }
0x8b: {  	v3 =	vld [tilespmem:$0x1280]  }
0x8c: {  	v0 =	vadd.f32 v1, v0  }
0x8d: {  	v1 =	vld [tilespmem:$0x1300]  }
0x8e: {  	v0 =	vadd.f32 v2, v0  }
0x8f: {  	v2 =	vld [tilespmem:$0x1380]  }
0x90: {  	v0 =	vadd.f32 v3, v0  }
0x91: {  	v3 =	vld [tilespmem:$0x1400]  }
0x92: {  	v0 =	vadd.f32 v1, v0  }
0x93: {  	v1 =	vld [tilespmem:$0x1480]  }
0x94: {  	v0 =	vadd.f32 v2, v0  }
0x95: {  	v2 =	vld [tilespmem:$0x1500]  }
0x96: {  	v0 =	vadd.f32 v3, v0  }
0x97: {  	v3 =	vld [tilespmem:$0x1580]  }
0x98: {  	v0 =	vadd.f32 v1, v0  }
0x99: {  	v1 =	vld [tilespmem:$0x1600]  }
0x9a: {  	v0 =	vadd.f32 v2, v0  }
0x9b: {  	v2 =	vld [tilespmem:$0x1680]  }
0x9c: {  	v0 =	vadd.f32 v3, v0  }
0x9d: {  	v3 =	vld [tilespmem:$0x1700]  }
0x9e: {  	v0 =	vadd.f32 v1, v0  }
0x9f: {  	v1 =	vld [tilespmem:$0x1780]  }
0xa0: {  	v0 =	vadd.f32 v2, v0;
	_ =	sdelay $0x1  }
0xa1: {  	v0 =	vadd.f32 v3, v0;
	_ =	sdelay $0x1  }
0xa2: {  	v0 =	vadd.f32 v1, v0;
	_ =	sdelay $0x1  }
0xa3: {  	(xrf2) =	vadd.scan.msk.f32 $0xffff, v0;
	_ =	sdelay $0x6  }
0xa4: {  	s30 =	simm.s32 $0x420  }
0xa5: {  	v1 =	vld [tilespmem:s30+$0xFFFFFFE0]  }
0xa6: {  	s28 =	simm.s32 $0x620  }
0xa7: {  	v2 =	vld [tilespmem:s28+$0xFFFFFFE0];
	v0, _, _ =	vpop (xrf2)  }
0xa8: {  	v0 =	vbroadcast v0, $0xF;
	_ =	sdelay $0x1  }
0xa9: {  	v1 =	vadd.f32 v1, v0;
	_ =	sdelay $0x1  }
0xaa: {  	v1 =	vadd.f32 v2, v1;
	_ =	sdelay $0x1  }
0xab: {  	v1 =	vsub.f32 $0.0e+00, v1;
	_ =	sdelay $0x1  }
0xac: {  	v1 =	vmul.f32 $1.442695020e+00, v1;
	_ =	sdelay $0x1  }
0xad: {  	(erf) = vpow2.f32 v1;
	_ =	sdelay $0x8  }
0xae: {  	v1 =	vpop (erf)  }
0xaf: {  	v1 =	vadd.f32 $1.000000000e+00, v1;
	_ =	sdelay $0x1  }
0xb0: {  	(erf) = vrcp.f32 v1;
	_ =	sdelay $0x8  }
0xb1: {  	s29 =	simm.s32 $0x1820;
	v1 =	vpop (erf)  }
0xb2: {  	[tilespmem:s29+$0xFFFFFFE0] =	vst v1  }
0xb3: {  	v1 =	vld [tilespmem:s30+$0xFFFFFFF0];
	_ =	sdelay $0x1  }
0xb4: {  	v2 =	vld [tilespmem:s28+$0xFFFFFFF0];
	_ =	sdelay $0x2  }
0xb5: {  	v1 =	vadd.f32 v1, v0;
	_ =	sdelay $0x1  }
0xb6: {  	v1 =	vadd.f32 v2, v1;
	_ =	sdelay $0x1  }
0xb7: {  	v1 =	vsub.f32 $0.0e+00, v1;
	_ =	sdelay $0x1  }
0xb8: {  	v1 =	vmul.f32 $1.442695020e+00, v1;
	_ =	sdelay $0x1  }
0xb9: {  	(erf) = vpow2.f32 v1;
	_ =	sdelay $0x8  }
0xba: {  	v1 =	vpop (erf)  }
0xbb: {  	v1 =	vadd.f32 $1.000000000e+00, v1;
	_ =	sdelay $0x1  }
0xbc: {  	(erf) = vrcp.f32 v1;
	_ =	sdelay $0x8  }
0xbd: {  	v1 =	vpop (erf)  }
0xbe: {  	[tilespmem:s29+$0xFFFFFFF0] =	vst v1  }
0xbf: {  	v1 =	vld [tilespmem:s30+$0x0];
	_ =	sdelay $0x1  }
0xc0: {  	v2 =	vld [tilespmem:s28+$0x0];
	_ =	sdelay $0x2  }
0xc1: {  	v1 =	vadd.f32 v1, v0;
	_ =	sdelay $0x1  }
0xc2: {  	v1 =	vadd.f32 v2, v1;
	_ =	sdelay $0x1  }
0xc3: {  	v1 =	vsub.f32 $0.0e+00, v1;
	_ =	sdelay $0x1  }
0xc4: {  	v1 =	vmul.f32 $1.442695020e+00, v1;
	_ =	sdelay $0x1  }
0xc5: {  	(erf) = vpow2.f32 v1;
	_ =	sdelay $0x8  }
0xc6: {  	v1 =	vpop (erf)  }
0xc7: {  	v1 =	vadd.f32 $1.000000000e+00, v1;
	_ =	sdelay $0x1  }
0xc8: {  	(erf) = vrcp.f32 v1;
	_ =	sdelay $0x8  }
0xc9: {  	v1 =	vpop (erf)  }
0xca: {  	[tilespmem:s29+$0x0] =	vst v1  }
0xcb: {  	v1 =	vld [tilespmem:s30+$0x10];
	_ =	sdelay $0x1  }
0xcc: {  	v2 =	vld [tilespmem:s28+$0x10];
	_ =	sdelay $0x2  }
0xcd: {  	v1 =	vadd.f32 v1, v0;
	_ =	sdelay $0x1  }
0xce: {  	v1 =	vadd.f32 v2, v1;
	_ =	sdelay $0x1  }
0xcf: {  	v1 =	vsub.f32 $0.0e+00, v1;
	_ =	sdelay $0x1  }
0xd0: {  	v1 =	vmul.f32 $1.442695020e+00, v1;
	_ =	sdelay $0x1  }
0xd1: {  	(erf) = vpow2.f32 v1;
	_ =	sdelay $0x8  }
0xd2: {  	v1 =	vpop (erf)  }
0xd3: {  	v1 =	vadd.f32 $1.000000000e+00, v1;
	_ =	sdelay $0x1  }
0xd4: {  	(erf) = vrcp.f32 v1;
	_ =	sdelay $0x8  }
0xd5: {  	v1 =	vpop (erf)  }
0xd6: {  	s31 =	simm.s32 $0x460;
	s30 =	simm.s32 $0x0;
	[tilespmem:s29+$0x10] =	vst v1  }
.LBB2_2:
0xd7: {  	v1 =	vld [tilespmem:s31+$0xFFFFFFE0];
	s30 =	sadd.s32 $0x4, s30;
	s28 =	sadd.s32 $0x40, s28  }
0xd8: {  	v2 =	vld [tilespmem:s28+$0xFFFFFFE0];
	p0 =	slt.u32 s30, $0x1C;
	_ =	sdelay $0x3  }
0xd9: {  	v1 =	vadd.f32 v1, v0;
	_ =	sdelay $0x1  }
0xda: {  	v1 =	vadd.f32 v2, v1;
	_ =	sdelay $0x1  }
0xdb: {  	v1 =	vsub.f32 $0.0e+00, v1;
	_ =	sdelay $0x1  }
0xdc: {  	v1 =	vmul.f32 $1.442695020e+00, v1;
	_ =	sdelay $0x1  }
0xdd: {  	(erf) = vpow2.f32 v1;
	_ =	sdelay $0x8  }
0xde: {  	v1 =	vpop (erf)  }
0xdf: {  	v1 =	vadd.f32 $1.000000000e+00, v1;
	_ =	sdelay $0x1  }
0xe0: {  	(erf) = vrcp.f32 v1;
	_ =	sdelay $0x8  }
0xe1: {  	s29 =	sadd.s32 $0x40, s29;
	v1 =	vpop (erf)  }
0xe2: {  	[tilespmem:s29+$0xFFFFFFE0] =	vst v1  }
0xe3: {  	v1 =	vld [tilespmem:s31+$0xFFFFFFF0];
	_ =	sdelay $0x1  }
0xe4: {  	v2 =	vld [tilespmem:s28+$0xFFFFFFF0];
	_ =	sdelay $0x2  }
0xe5: {  	v1 =	vadd.f32 v1, v0;
	_ =	sdelay $0x1  }
0xe6: {  	v1 =	vadd.f32 v2, v1;
	_ =	sdelay $0x1  }
0xe7: {  	v1 =	vsub.f32 $0.0e+00, v1;
	_ =	sdelay $0x1  }
0xe8: {  	v1 =	vmul.f32 $1.442695020e+00, v1;
	_ =	sdelay $0x1  }
0xe9: {  	(erf) = vpow2.f32 v1;
	_ =	sdelay $0x8  }
0xea: {  	v1 =	vpop (erf)  }
0xeb: {  	v1 =	vadd.f32 $1.000000000e+00, v1;
	_ =	sdelay $0x1  }
0xec: {  	(erf) = vrcp.f32 v1;
	_ =	sdelay $0x8  }
0xed: {  	v1 =	vpop (erf)  }
0xee: {  	[tilespmem:s29+$0xFFFFFFF0] =	vst v1  }
0xef: {  	v1 =	vld [tilespmem:s31+$0x0];
	_ =	sdelay $0x1  }
0xf0: {  	v2 =	vld [tilespmem:s28+$0x0];
	_ =	sdelay $0x2  }
0xf1: {  	v1 =	vadd.f32 v1, v0;
	_ =	sdelay $0x1  }
0xf2: {  	v1 =	vadd.f32 v2, v1;
	_ =	sdelay $0x1  }
0xf3: {  	v1 =	vsub.f32 $0.0e+00, v1;
	_ =	sdelay $0x1  }
0xf4: {  	v1 =	vmul.f32 $1.442695020e+00, v1;
	_ =	sdelay $0x1  }
0xf5: {  	(erf) = vpow2.f32 v1;
	_ =	sdelay $0x8  }
0xf6: {  	v1 =	vpop (erf)  }
0xf7: {  	v1 =	vadd.f32 $1.000000000e+00, v1;
	_ =	sdelay $0x1  }
0xf8: {  	(erf) = vrcp.f32 v1;
	_ =	sdelay $0x8  }
0xf9: {  	v1 =	vpop (erf)  }
0xfa: {  	[tilespmem:s29+$0x0] =	vst v1  }
0xfb: {  	v1 =	vld [tilespmem:s31+$0x10]  }
0xfc: {  	v2 =	vld [tilespmem:s28+$0x10];
	_ =	sdelay $0x3  }
0xfd: {  	v1 =	vadd.f32 v1, v0;
	_ =	sdelay $0x1  }
0xfe: {  	v1 =	vadd.f32 v2, v1;
	_ =	sdelay $0x1  }
0xff: {  	v1 =	vsub.f32 $0.0e+00, v1;
	_ =	sdelay $0x1  }
0x100: {  	v1 =	vmul.f32 $1.442695020e+00, v1;
	_ =	sdelay $0x1  }
0x101: {  	(erf) = vpow2.f32 v1;
	_ =	sdelay $0x8  }
0x102: {  	v1 =	vpop (erf)  }
0x103: {  	v1 =	vadd.f32 $1.000000000e+00, v1;
	_ =	sdelay $0x1  }
0x104: {  	(erf) = vrcp.f32 v1;
	_ =	sdelay $0x5  }
.Ltmp0:
0x105: {  	(pc) =	sbr.rel @p0 .LBB2_2-.Ltmp0, $3  }
0x106: {  	_ =	sdelay $0x1  }
0x107: {  	v1 =	vpop (erf)  }
0x108: {  	s31 =	sadd.s32 $0x40, s31;
	[tilespmem:s29+$0x10] =	vst v1  }
0x109: {  	s26 =	sadd.s32 $0x1, s26  }
0x10a: {  	p0 =	sne.s32 s26, s15  }
.Ltmp1:
0x10b: {  	_ = 	snop;
	(pc) =	sbr.rel @p0 .LBB2_1-.Ltmp1, $4  }
0x10c: {  	[hbm4b:s14+s1] =	stream.linear.scatter [tilespmem:s23], [sflag:$0x2], $0x200, $0x38;
	[tilespmem:$0x1A00] =	vst v63  }
0x10d: {  	_ =	swait.ge [sflag:s25], $0x200  }
0x10e: {  	[sflag:s25] =	ssyncset.done $0x0  }
0x10f: {  	[sflag:s25] =	ssyncadd.s32 $0xFFFFFE00  }
0x110: {  	_ =	sfence.sel $0x180000  }
0x111: {  	[bflag:$0x0] =	sbarrier.arrive $0xFFFF  }
0x112: {  	_ =	strace $0x9000004A  }
0x113: {  	s0 =	stileid.u32;
	[bflag:$0x2] =	sbarrier.arrive $0xFFFF  }
0x114: {  	p0 =	sne.s32 s0, $0x0;
	s0 =	rddreg [dreg:$0x2]  }
0x115: {  	s0 =	sadd.s32 @!p0 $0x100000, s0  }
0x116: {  	[sflag:s0] =	ssyncadd.tile.s32 @!p0 $0x1;
	_ =	shalt  }
.Lfunc_end2:
_tile_overlayer_lowered:
.L_overlay_start_2:
0x117: {  	(tag) =	ssettag $0x2  }
0x118: {  	s0 =	rddreg [dreg:$0x0];
	s2 =	stileid.u32  }
0x119: {  	s1 =	rddreg [dreg:$0x1];
	p0 =	sne.s32 s2, $0x0  }
0x11a: {  	s3 =	rddreg [dreg:$0x2];
	[bflag:$0x3] =	sbarrier.arrive $0xFFFF;
	s2 =	simm.s32 @!p0 $0x1C02  }
0x11b: {  	[timem:s3], [sflag:s2] =	dma.local @!p0 [hbm:s0], s1  }
0x11c: {  	s0 =	simm.s32 @!p0 $0x2  }
0x11d: {  	_ =	swait.ge @!p0 [sflag:s0], s1  }
0x11e: {  	s1 =	ssub.s32 @!p0 $0x0, s1;
	[sflag:s0] =	ssyncset.done @!p0 $0x0  }
0x11f: {  	[sflag:s0] =	ssyncadd.s32 @!p0 s1  }
0x120: {  	[bflag:$0x3] =	sbarrier.arrive $0xFFFF  }
0x121: {  	_ =	shalt  }

</sc_bundles>
